<compile_context>
chip_gen: v7x
topology: tpu7x:2x2x1
jax: 0.10.2.dev20260603
libtpu: 0.0.44.dev20260713+nightly
codegen_flags: <defaults>
</compile_context>

<pallas_src>
import functools

import jax
import jax.numpy as jnp
from jax import lax
from jax.experimental import pallas as pl
from jax.experimental.pallas import tpu as pltpu
from jax.experimental.pallas import tpu_sc as plsc

NC = 2
NS = 16
NW = NC * NS
IW = 125
CH = 8 * IW

F32 = jnp.float32


def _silu(v):
    return v * jax.nn.sigmoid(v)


def _node_prep_body(x_ref, vel_ref, ch_ref, emb_ref, fW1a_ref, fW1b_ref,
                    fb1_ref, fW2_ref, fb2_ref, fW3_ref, fb3_ref,
                    t_ref, pf_ref):
    x0 = x_ref[:, 0:1]
    x1 = x_ref[:, 1:2]
    v0 = vel_ref[:, 0:1]
    v1 = vel_ref[:, 1:2]
    n2 = v0 * v0 + v1 * v1
    inv = lax.rsqrt(jnp.maximum(n2, 1e-30))
    c = v0 * inv
    s = v1 * inv
    vl0 = c * v0 + s * v1
    vl1 = c * v1 - s * v0
    speed = jnp.sqrt(n2 + 1e-8)

    idx = jnp.clip(ch_ref[:, 0:1] + 1, 0, 2)
    e = emb_ref[...]
    emb_class = ((idx == 0).astype(F32) * e[0:1, :]
                 + (idx == 1).astype(F32) * e[1:2, :]
                 + (idx == 2).astype(F32) * e[2:3, :])
    w1a = fW1a_ref[...]
    pre = (fb1_ref[...]
           + x0 * w1a[0:1, :] + x1 * w1a[1:2, :]
           + v0 * w1a[2:3, :] + v1 * w1a[3:4, :]
           + jnp.dot(emb_class, fW1b_ref[...], preferred_element_type=F32,
                     precision=lax.Precision.HIGHEST))
    hdn = _silu(pre)
    hdn = _silu(jnp.dot(hdn, fW2_ref[...], preferred_element_type=F32,
                        precision=lax.Precision.HIGHEST) + fb2_ref[...])
    pf = (jnp.dot(hdn, fW3_ref[...], preferred_element_type=F32,
                  precision=lax.Precision.HIGHEST) + fb3_ref[...])

    t_ref[...] = jnp.concatenate(
        [x0, x1, vl0, vl1, speed, c, s, jnp.zeros_like(x0)], axis=1)
    pf_ref[...] = pf


def _gather_body(er_hbm, t_hbm, gs_hbm, gd_hbm,
                 ir_v, ic_v, bs_v, bd_v, sem):
    wid = lax.axis_index("s") * NC + lax.axis_index("c")
    nch = er_hbm.shape[1] // (NW * 8)

    def step(i, carry):
        r0 = wid * (nch * 8) + i * 8
        e0 = r0 * IW
        pltpu.sync_copy(er_hbm.at[0, pl.ds(r0, 8)], ir_v)
        pltpu.sync_copy(er_hbm.at[1, pl.ds(r0, 8)], ic_v)
        for j in range(8):
            pltpu.async_copy(t_hbm.at[ir_v.at[j]],
                             bs_v.at[pl.ds(j * IW, IW)], sem)
        for j in range(8):
            pltpu.async_copy(t_hbm.at[ic_v.at[j]],
                             bd_v.at[pl.ds(j * IW, IW)], sem)
        for j in range(8):
            pltpu.make_async_copy(t_hbm.at[ir_v.at[j]],
                                  bs_v.at[pl.ds(j * IW, IW)], sem).wait()
            pltpu.make_async_copy(t_hbm.at[ic_v.at[j]],
                                  bd_v.at[pl.ds(j * IW, IW)], sem).wait()
        pltpu.sync_copy(bs_v, gs_hbm.at[pl.ds(e0, CH)])
        pltpu.sync_copy(bd_v, gd_hbm.at[pl.ds(e0, CH)])
        return carry

    lax.fori_loop(0, nch, step, 0)


def _edge_body(gs_ref, gd_ref, ea_ref, eW1T_ref, eb1c_ref, eW2T_ref,
               eb2c_ref, m_ref):
    gsT = gs_ref[...].T
    gdT = gd_ref[...].T
    eaT = ea_ref[...].T
    dx0 = gsT[0:1, :] - gdT[0:1, :]
    dx1 = gsT[1:2, :] - gdT[1:2, :]
    c = gdT[5:6, :]
    s = gdT[6:7, :]
    rel0 = c * dx0 + s * dx1
    rel1 = c * dx1 - s * dx0
    dist = jnp.sqrt(rel0 * rel0 + rel1 * rel1 + 1e-8)
    m_inT = jnp.concatenate(
        [gsT[2:5, :], gdT[2:5, :], rel0, rel1, dist, eaT], axis=0)
    pre = jnp.dot(eW1T_ref[...], m_inT,
                  preferred_element_type=F32) + eb1c_ref[...]
    hdn = _silu(pre)
    h2 = _silu(jnp.dot(eW2T_ref[...], hdn, preferred_element_type=F32)
               + eb2c_ref[...])
    m_ref[...] = h2.T


def _scatter_body(cbase, er_hbm, m_hbm, z_hbm, agg_hbm, ic_v, mb_v,
                  acc_sh, sem):
    cid = lax.axis_index("c")
    sid = lax.axis_index("s")
    nstripe = acc_sh.shape[0] // NS
    pltpu.sync_copy(z_hbm, acc_sh.at[pl.ds(sid * nstripe, nstripe)])
    plsc.subcore_barrier()

    rps = er_hbm.shape[1] // NS
    nch = rps // 8

    def step(i, carry):
        r0 = sid * rps + i * 8
        e0 = r0 * IW
        pltpu.sync_copy(er_hbm.at[1, pl.ds(r0, 8)], ic_v)
        pltpu.sync_copy(m_hbm.at[pl.ds(e0, CH),
                                 pl.ds(cbase + cid * 16, 16)], mb_v)
        for j in range(8):
            pltpu.sync_copy(mb_v.at[pl.ds(j * IW, IW)],
                            acc_sh.at[ic_v.at[j]], add=True)
        return carry

    lax.fori_loop(0, nch, step, 0)
    plsc.subcore_barrier()
    pltpu.sync_copy(acc_sh.at[pl.ds(sid * nstripe, nstripe)],
                    agg_hbm.at[pl.ds(sid * nstripe, nstripe),
                               pl.ds(cid * 16, 16)])


def _node_out_body(t_ref, pf_ref, agg0_ref, agg1_ref, nW1a_ref, nW1b0_ref,
                   nW1b1_ref, nb1_ref, nW2t_ref, nb2_ref, o_ref):
    t = t_ref[...]
    rf0 = t[:, 2:3]
    rf1 = t[:, 3:4]
    sp = t[:, 4:5]
    c = t[:, 5:6]
    s = t[:, 6:7]
    w1a = nW1a_ref[...]
    pre = (nb1_ref[...]
           + rf0 * w1a[0:1, :] + rf1 * w1a[1:2, :] + sp * w1a[2:3, :]
           + jnp.dot(agg0_ref[...], nW1b0_ref[...], preferred_element_type=F32,
                     precision=lax.Precision.HIGHEST)
           + jnp.dot(agg1_ref[...], nW1b1_ref[...],
                     preferred_element_type=F32,
                     precision=lax.Precision.HIGHEST))
    hdn = _silu(pre)
    w2t = nW2t_ref[...]
    p0 = jnp.sum(hdn * w2t[0:1, :], axis=1, keepdims=True) + nb2_ref[0:1, 0:1]
    p1 = jnp.sum(hdn * w2t[1:2, :], axis=1, keepdims=True) + nb2_ref[0:1, 1:2]
    pf = pf_ref[...]
    o0 = t[:, 0:1] + (c * p0 - s * p1) + pf[:, 0:1]
    o1 = t[:, 1:2] + (s * p0 + c * p1) + pf[:, 1:2]
    o_ref[...] = jnp.concatenate([o0, o1], axis=1)


def kernel(h, x, edges, vel, edge_attr_orig, charges, emb, fW1, fb1, fW2,
           fb2, fW3, fb3, eW1, eb1, eW2, eb2, nW1, nb1, nW2, nb2):
    del h
    N = x.shape[0]
    E = edges.shape[1]
    H = eW2.shape[1]
    BN = 2000 if N % 2000 == 0 else N
    BE = 2000 if E % 2000 == 0 else E

    full = lambda shp: pl.BlockSpec(shp, lambda i: tuple(0 for _ in shp))
    row2 = lambda w: pl.BlockSpec((BN, w), lambda i: (i, 0))

    T, pf = pl.pallas_call(
        _node_prep_body,
        grid=(N // BN,),
        in_specs=[row2(2), row2(2), row2(1), full((3, 16)), full((4, 32)),
                  full((16, 32)), full((32,)), full((32, 32)), full((32,)),
                  full((32, 2)), full((2,))],
        out_specs=[row2(8), row2(2)],
        out_shape=[jax.ShapeDtypeStruct((N, 8), F32),
                   jax.ShapeDtypeStruct((N, 2), F32)],
    )(x, vel, charges, emb, fW1[:4], fW1[4:], fb1, fW2, fb2, fW3, fb3)

    er = edges.reshape(2, E // IW, IW)

    mesh = plsc.VectorSubcoreMesh(core_axis_name="c", subcore_axis_name="s",
                                  num_cores=NC, num_subcores=NS)
    sc_params = pltpu.CompilerParams(use_tc_tiling_on_sc=False)
    gather = pl.kernel(
        _gather_body,
        out_type=[jax.ShapeDtypeStruct((E, 8), F32),
                  jax.ShapeDtypeStruct((E, 8), F32)],
        mesh=mesh,
        scratch_types=[pltpu.VMEM((8, IW), jnp.int32),
                       pltpu.VMEM((8, IW), jnp.int32),
                       pltpu.VMEM((CH, 8), F32),
                       pltpu.VMEM((CH, 8), F32),
                       pltpu.SemaphoreType.DMA],
        compiler_params=sc_params,
    )
    gs, gd = gather(er, T)

    erow = lambda w: pl.BlockSpec((BE, w), lambda i: (i, 0))
    m = pl.pallas_call(
        _edge_body,
        grid=(E // BE,),
        in_specs=[erow(8), erow(8), erow(4), full((H, 13)), full((H, 1)),
                  full((H, H)), full((H, 1))],
        out_specs=erow(H),
        out_shape=jax.ShapeDtypeStruct((E, H), F32),
    )(gs, gd, edge_attr_orig, eW1.T, eb1.reshape(H, 1), eW2.T,
      eb2.reshape(H, 1))

    zeros = jnp.zeros((N // NS, 16), F32)

    def _make_scatter(cbase):
        return pl.kernel(
            functools.partial(_scatter_body, cbase),
            out_type=jax.ShapeDtypeStruct((N, 32), F32),
            mesh=mesh,
            scratch_types=[pltpu.VMEM((8, IW), jnp.int32),
                           pltpu.VMEM((CH, 16), F32),
                           pltpu.VMEM_SHARED((N, 16), F32),
                           pltpu.SemaphoreType.DMA],
            compiler_params=sc_params,
        )

    agg0 = _make_scatter(0)(er, m, zeros)
    agg1 = _make_scatter(32)(er, m, zeros)

    out = pl.pallas_call(
        _node_out_body,
        grid=(N // BN,),
        in_specs=[row2(8), row2(2), row2(32), row2(32), full((3, H)),
                  full((32, H)), full((32, H)), full((H,)), full((2, H)),
                  full((1, 2))],
        out_specs=row2(2),
        out_shape=jax.ShapeDtypeStruct((N, 2), F32),
    )(T, pf, agg0, agg1, nW1[:3], nW1[3:35], nW1[35:67], nb1, nW2.T,
      nb2.reshape(1, 2))
    return out

# --- scband reference (transcript-rebuilt; emitter-appended) ---
"""Pipeline reference for scband-parallel-aether-7215545057993 (READ-ONLY COPY).

The authoritative reference and input builder live on the scoring server;
editing this copy changes nothing except your own understanding.
"""

import jax, jax.numpy as jnp
import numpy as np

N = 50000
E = 800000
D = 2
H = 64
CED = 16
FH = 32
DE = 4

def _lin(key, fi, fo):
    return jax.random.normal(key, (fi, fo), dtype=jnp.float32) / np.sqrt(fi)

def setup_inputs(seed: int = 0):
    key = jax.random.key(seed)
    ks = [jax.random.fold_in(key, i) for i in range(30)]
    inp = {}
    inp['h'] = jax.random.normal(ks[0], (N, 3), dtype=jnp.float32)
    inp['x'] = jax.random.normal(ks[1], (N, D), dtype=jnp.float32)
    inp['edges'] = jax.random.randint(ks[2], (2, E), 0, N, dtype=jnp.int32)
    inp['vel'] = jax.random.normal(ks[3], (N, D), dtype=jnp.float32)
    inp['edge_attr_orig'] = jax.random.normal(ks[4], (E, DE), dtype=jnp.float32)
    inp['charges'] = jax.random.randint(ks[5], (N, 1), 0, 3, dtype=jnp.int32) - 1
    inp['emb'] = jax.random.normal(ks[6], (3, CED), dtype=jnp.float32) * 0.1
    inp['fW1'] = _lin(ks[7], 2 * D + CED, FH); inp['fb1'] = jnp.zeros((FH,), jnp.float32)
    inp['fW2'] = _lin(ks[8], FH, FH); inp['fb2'] = jnp.zeros((FH,), jnp.float32)
    inp['fW3'] = _lin(ks[9], FH, D); inp['fb3'] = jnp.zeros((D,), jnp.float32)
    inp['eW1'] = _lin(ks[10], 2 * 3 + 3 + DE, H); inp['eb1'] = jnp.zeros((H,), jnp.float32)
    inp['eW2'] = _lin(ks[11], H, H); inp['eb2'] = jnp.zeros((H,), jnp.float32)
    inp['nW1'] = _lin(ks[12], 3 + H, H); inp['nb1'] = jnp.zeros((H,), jnp.float32)
    inp['nW2'] = _lin(ks[13], H, D); inp['nb2'] = jnp.zeros((D,), jnp.float32)
    return inp

def reference(h, x, edges, vel, edge_attr_orig, charges, emb, fW1, fb1, fW2, fb2, fW3, fb3, eW1, eb1, eW2, eb2, nW1, nb1, nW2, nb2):
    silu = jax.nn.silu
    # FieldNetwork: class embedding lookup + MLP on (pos, vel, emb)
    idx = jnp.clip(charges[:, 0] + 1, 0, 2)
    emb_class = jnp.take(emb, idx, axis=0)
    field_in = jnp.concatenate([x, vel, emb_class], axis=-1)
    pf = silu(field_in @ fW1 + fb1)
    pf = silu(pf @ fW2 + fb2)
    pf = pf @ fW3 + fb3
    # Localizer: per-node rotation from velocity heading (roto-invariant local frames)
    theta = jnp.arctan2(vel[:, 1], vel[:, 0])
    c, s = jnp.cos(theta), jnp.sin(theta)
    R = jnp.stack([jnp.stack([c, s], axis=-1), jnp.stack([-s, c], axis=-1)], axis=1)
    Rinv = jnp.transpose(R, (0, 2, 1))
    v_loc = jnp.einsum('nij,nj->ni', R, vel)
    speed = jnp.sqrt(jnp.sum(vel * vel, axis=-1, keepdims=True) + 1e-8)
    rel_feat = jnp.concatenate([v_loc, speed], axis=-1)
    row, col = edges[0], edges[1]
    dx = jnp.take(x, row, axis=0) - jnp.take(x, col, axis=0)
    rel = jnp.einsum('eij,ej->ei', jnp.take(R, col, axis=0), dx)
    dist = jnp.sqrt(jnp.sum(rel * rel, axis=-1, keepdims=True) + 1e-8)
    edge_attr = jnp.concatenate([rel, dist, edge_attr_orig], axis=-1)
    # GNN message passing: gather endpoints, edge MLP, scatter-add to receivers
    m_in = jnp.concatenate([jnp.take(rel_feat, row, axis=0), jnp.take(rel_feat, col, axis=0), edge_attr], axis=-1)
    m = silu(m_in @ eW1 + eb1)
    m = silu(m @ eW2 + eb2)
    agg = jax.ops.segment_sum(m, col, num_segments=N)
    node_in = jnp.concatenate([rel_feat, agg], axis=-1)
    pred = silu(node_in @ nW1 + nb1) @ nW2 + nb2
    # Globalizer: rotate predictions back to global frame
    pred_g = jnp.einsum('nij,nj->ni', Rinv, pred)
    return x + pred_g + pf

if __name__ == "__main__":
    import jax
    _d = setup_inputs()
    print(jax.jit(kernel)(*tuple(_d.values())))

</pallas_src>

<mosaic_0001>
#map = affine_map<(d0, d1) -> (0, 0, 0)>
#map1 = affine_map<(d0, d1) -> (0, 0)>
module attributes {stable_mosaic.version = 14 : i64} {
  func.func @_gather_body(%arg0: i32, %arg1: i32, %arg2: memref<2x6400x125xi32, #tpu.memory_space<hbm>>, %arg3: memref<50000x8xf32, #tpu.memory_space<hbm>>, %arg4: memref<800000x8xf32, #tpu.memory_space<hbm>>, %arg5: memref<800000x8xf32, #tpu.memory_space<hbm>>, %arg6: memref<8x125xi32, #tpu.memory_space<vmem>>, %arg7: memref<8x125xi32, #tpu.memory_space<vmem>>, %arg8: memref<1000x8xf32, #tpu.memory_space<vmem>>, %arg9: memref<1000x8xf32, #tpu.memory_space<vmem>>, %arg10: memref<!tpu.dma_semaphore, #tpu.memory_space<semaphore_mem>>) attributes {dimension_semantics = [#tpu.dimension_semantics<core_parallel>, #tpu.dimension_semantics<subcore_parallel>], iteration_bounds = array<i64: 2, 16>, scalar_prefetch = 0 : i64, scratch_operands = 5 : i64, tpu.core_type = #tpu.core_type<sc_vector_subcore>, window_params = [{transform_indices = #map}, {transform_indices = #map1}, {transform_indices = #map1}, {transform_indices = #map1}]} {
    %mul3A = arith.constant 2 : i32
    %mul3A_0 = arith.muli %arg1, %mul3A : i32
    %add3A = arith.addi %mul3A_0, %arg0 : i32
    %scan3A = arith.constant 0 : i32
    %scan3A_1 = arith.constant 0 : i32
    %scan3A_2 = arith.constant 25 : i32
    %scan3A_3 = arith.addi %scan3A_1, %scan3A_2 : i32
    %scan3A_4 = arith.constant 1 : i32
    scf.for %scan3A_6 = %scan3A_1 to %scan3A_3 step %scan3A_4  : i32 {
      %mul3A_7 = arith.constant 200 : i32
      %mul3A_8 = arith.muli %add3A, %mul3A_7 : i32
      %mul3A_9 = arith.constant 8 : i32
      %mul3A_10 = arith.muli %scan3A_6, %mul3A_9 : i32
      %add3A_11 = arith.addi %mul3A_8, %mul3A_10 : i32
      %mul3A_12 = arith.constant 125 : i32
      %mul3A_13 = arith.muli %add3A_11, %mul3A_12 : i32
      %run_scoped3A = arith.constant 0 : i32
      "tpu.region"() ({
        %run_scoped3A_333 = tpu.sem_alloc : memref<!tpu.dma_semaphore, #tpu.memory_space<semaphore_mem>>
        %dma_start3A_334 = arith.constant 0 : i32
        %dma_start3A_335 = tpu.memref_slice %arg2[%run_scoped3A, %add3A_11, %dma_start3A_334] : memref<2x6400x125xi32, #tpu.memory_space<hbm>> -> memref<1x8x125xi32, #tpu.memory_space<hbm>>
        %dma_start3A_336 = tpu.memref_squeeze %dma_start3A_335 : memref<1x8x125xi32, #tpu.memory_space<hbm>> -> memref<8x125xi32, #tpu.memory_space<hbm>>
        %dma_start3A_337 = arith.constant 0 : i32
        %dma_start3A_338 = tpu.memref_slice %arg2[%run_scoped3A, %add3A_11, %dma_start3A_337] : memref<2x6400x125xi32, #tpu.memory_space<hbm>> -> memref<1x8x125xi32, #tpu.memory_space<hbm>>
        %dma_start3A_339 = tpu.memref_squeeze %dma_start3A_338 : memref<1x8x125xi32, #tpu.memory_space<hbm>> -> memref<8x125xi32, #tpu.memory_space<hbm>>
        tpu.enqueue_dma source(%dma_start3A_339 : memref<8x125xi32, #tpu.memory_space<hbm>>) target(%arg6 : memref<8x125xi32, #tpu.memory_space<vmem>>) target_semaphore(%run_scoped3A_333 : memref<!tpu.dma_semaphore, #tpu.memory_space<semaphore_mem>>)
        %dma_wait3A_340 = arith.constant 0 : i32
        %dma_wait3A_341 = tpu.memref_slice %arg2[%run_scoped3A, %add3A_11, %dma_wait3A_340] : memref<2x6400x125xi32, #tpu.memory_space<hbm>> -> memref<1x8x125xi32, #tpu.memory_space<hbm>>
        %dma_wait3A_342 = tpu.memref_squeeze %dma_wait3A_341 : memref<1x8x125xi32, #tpu.memory_space<hbm>> -> memref<8x125xi32, #tpu.memory_space<hbm>>
        %dma_wait3A_343 = arith.constant 0 : i32
        %dma_wait3A_344 = tpu.memref_slice %arg2[%run_scoped3A, %add3A_11, %dma_wait3A_343] : memref<2x6400x125xi32, #tpu.memory_space<hbm>> -> memref<1x8x125xi32, #tpu.memory_space<hbm>>
        %dma_wait3A_345 = tpu.memref_squeeze %dma_wait3A_344 : memref<1x8x125xi32, #tpu.memory_space<hbm>> -> memref<8x125xi32, #tpu.memory_space<hbm>>
        tpu.wait_dma2 semaphore(%run_scoped3A_333 : memref<!tpu.dma_semaphore, #tpu.memory_space<semaphore_mem>>) src(%dma_wait3A_345 : memref<8x125xi32, #tpu.memory_space<hbm>>) dst(%arg6 : memref<8x125xi32, #tpu.memory_space<vmem>>)
        tpu.yield
      }) : () -> ()
      %run_scoped3A_14 = arith.constant 1 : i32
      "tpu.region"() ({
        %run_scoped3A_333 = tpu.sem_alloc : memref<!tpu.dma_semaphore, #tpu.memory_space<semaphore_mem>>
        %dma_start3A_334 = arith.constant 0 : i32
        %dma_start3A_335 = tpu.memref_slice %arg2[%run_scoped3A_14, %add3A_11, %dma_start3A_334] : memref<2x6400x125xi32, #tpu.memory_space<hbm>> -> memref<1x8x125xi32, #tpu.memory_space<hbm>>
        %dma_start3A_336 = tpu.memref_squeeze %dma_start3A_335 : memref<1x8x125xi32, #tpu.memory_space<hbm>> -> memref<8x125xi32, #tpu.memory_space<hbm>>
        %dma_start3A_337 = arith.constant 0 : i32
        %dma_start3A_338 = tpu.memref_slice %arg2[%run_scoped3A_14, %add3A_11, %dma_start3A_337] : memref<2x6400x125xi32, #tpu.memory_space<hbm>> -> memref<1x8x125xi32, #tpu.memory_space<hbm>>
        %dma_start3A_339 = tpu.memref_squeeze %dma_start3A_338 : memref<1x8x125xi32, #tpu.memory_space<hbm>> -> memref<8x125xi32, #tpu.memory_space<hbm>>
        tpu.enqueue_dma source(%dma_start3A_339 : memref<8x125xi32, #tpu.memory_space<hbm>>) target(%arg7 : memref<8x125xi32, #tpu.memory_space<vmem>>) target_semaphore(%run_scoped3A_333 : memref<!tpu.dma_semaphore, #tpu.memory_space<semaphore_mem>>)
        %dma_wait3A_340 = arith.constant 0 : i32
        %dma_wait3A_341 = tpu.memref_slice %arg2[%run_scoped3A_14, %add3A_11, %dma_wait3A_340] : memref<2x6400x125xi32, #tpu.memory_space<hbm>> -> memref<1x8x125xi32, #tpu.memory_space<hbm>>
        %dma_wait3A_342 = tpu.memref_squeeze %dma_wait3A_341 : memref<1x8x125xi32, #tpu.memory_space<hbm>> -> memref<8x125xi32, #tpu.memory_space<hbm>>
        %dma_wait3A_343 = arith.constant 0 : i32
        %dma_wait3A_344 = tpu.memref_slice %arg2[%run_scoped3A_14, %add3A_11, %dma_wait3A_343] : memref<2x6400x125xi32, #tpu.memory_space<hbm>> -> memref<1x8x125xi32, #tpu.memory_space<hbm>>
        %dma_wait3A_345 = tpu.memref_squeeze %dma_wait3A_344 : memref<1x8x125xi32, #tpu.memory_space<hbm>> -> memref<8x125xi32, #tpu.memory_space<hbm>>
        tpu.wait_dma2 semaphore(%run_scoped3A_333 : memref<!tpu.dma_semaphore, #tpu.memory_space<semaphore_mem>>) src(%dma_wait3A_345 : memref<8x125xi32, #tpu.memory_space<hbm>>) dst(%arg7 : memref<8x125xi32, #tpu.memory_space<vmem>>)
        tpu.yield
      }) : () -> ()
      %dma_start3A = arith.constant 0 : i32
      %dma_start3A_15 = arith.constant 0 : i32
      %dma_start3A_16 = arith.constant 0 : i32
      %dma_start3A_17 = tpu.memref_slice %arg8[%dma_start3A_15, %dma_start3A_16] : memref<1000x8xf32, #tpu.memory_space<vmem>> -> memref<125x8xf32, #tpu.memory_space<vmem>>
      %dma_start3A_18 = arith.constant 0 : i32
      %dma_start3A_19 = tpu.memref_slice %arg6[%dma_start3A, %dma_start3A_18] : memref<8x125xi32, #tpu.memory_space<vmem>> -> memref<1x125xi32, #tpu.memory_space<vmem>>
      %dma_start3A_20 = tpu.memref_squeeze %dma_start3A_19 : memref<1x125xi32, #tpu.memory_space<vmem>> -> memref<125xi32, #tpu.memory_space<vmem>>
      %dma_start3A_21 = arith.constant 0 : i32
      %dma_start3A_22 = arith.constant 0 : i32
      %dma_start3A_23 = tpu.memref_slice %arg3[%dma_start3A_21, %dma_start3A_22] : memref<50000x8xf32, #tpu.memory_space<hbm>> -> memref<50000x8xf32, #tpu.memory_space<hbm>>
      tpu.enqueue_indirect_dma source(%dma_start3A_23 : memref<50000x8xf32, #tpu.memory_space<hbm>>) target(%dma_start3A_17 : memref<125x8xf32, #tpu.memory_space<vmem>>) offsets(%dma_start3A_20 : memref<125xi32, #tpu.memory_space<vmem>>) semaphore(%arg10 : memref<!tpu.dma_semaphore, #tpu.memory_space<semaphore_mem>>)
      %dma_start3A_24 = arith.constant 1 : i32
      %dma_start3A_25 = arith.constant 125 : i32
      %dma_start3A_26 = arith.constant 0 : i32
      %dma_start3A_27 = tpu.memref_slice %arg8[%dma_start3A_25, %dma_start3A_26] : memref<1000x8xf32, #tpu.memory_space<vmem>> -> memref<125x8xf32, #tpu.memory_space<vmem>>
      %dma_start3A_28 = arith.constant 0 : i32
      %dma_start3A_29 = tpu.memref_slice %arg6[%dma_start3A_24, %dma_start3A_28] : memref<8x125xi32, #tpu.memory_space<vmem>> -> memref<1x125xi32, #tpu.memory_space<vmem>>
      %dma_start3A_30 = tpu.memref_squeeze %dma_start3A_29 : memref<1x125xi32, #tpu.memory_space<vmem>> -> memref<125xi32, #tpu.memory_space<vmem>>
      %dma_start3A_31 = arith.constant 0 : i32
      %dma_start3A_32 = arith.constant 0 : i32
      %dma_start3A_33 = tpu.memref_slice %arg3[%dma_start3A_31, %dma_start3A_32] : memref<50000x8xf32, #tpu.memory_space<hbm>> -> memref<50000x8xf32, #tpu.memory_space<hbm>>
      tpu.enqueue_indirect_dma source(%dma_start3A_33 : memref<50000x8xf32, #tpu.memory_space<hbm>>) target(%dma_start3A_27 : memref<125x8xf32, #tpu.memory_space<vmem>>) offsets(%dma_start3A_30 : memref<125xi32, #tpu.memory_space<vmem>>) semaphore(%arg10 : memref<!tpu.dma_semaphore, #tpu.memory_space<semaphore_mem>>)
      %dma_start3A_34 = arith.constant 2 : i32
      %dma_start3A_35 = arith.constant 250 : i32
      %dma_start3A_36 = arith.constant 0 : i32
      %dma_start3A_37 = tpu.memref_slice %arg8[%dma_start3A_35, %dma_start3A_36] : memref<1000x8xf32, #tpu.memory_space<vmem>> -> memref<125x8xf32, #tpu.memory_space<vmem>>
      %dma_start3A_38 = arith.constant 0 : i32
      %dma_start3A_39 = tpu.memref_slice %arg6[%dma_start3A_34, %dma_start3A_38] : memref<8x125xi32, #tpu.memory_space<vmem>> -> memref<1x125xi32, #tpu.memory_space<vmem>>
      %dma_start3A_40 = tpu.memref_squeeze %dma_start3A_39 : memref<1x125xi32, #tpu.memory_space<vmem>> -> memref<125xi32, #tpu.memory_space<vmem>>
      %dma_start3A_41 = arith.constant 0 : i32
      %dma_start3A_42 = arith.constant 0 : i32
      %dma_start3A_43 = tpu.memref_slice %arg3[%dma_start3A_41, %dma_start3A_42] : memref<50000x8xf32, #tpu.memory_space<hbm>> -> memref<50000x8xf32, #tpu.memory_space<hbm>>
      tpu.enqueue_indirect_dma source(%dma_start3A_43 : memref<50000x8xf32, #tpu.memory_space<hbm>>) target(%dma_start3A_37 : memref<125x8xf32, #tpu.memory_space<vmem>>) offsets(%dma_start3A_40 : memref<125xi32, #tpu.memory_space<vmem>>) semaphore(%arg10 : memref<!tpu.dma_semaphore, #tpu.memory_space<semaphore_mem>>)
      %dma_start3A_44 = arith.constant 3 : i32
      %dma_start3A_45 = arith.constant 375 : i32
      %dma_start3A_46 = arith.constant 0 : i32
      %dma_start3A_47 = tpu.memref_slice %arg8[%dma_start3A_45, %dma_start3A_46] : memref<1000x8xf32, #tpu.memory_space<vmem>> -> memref<125x8xf32, #tpu.memory_space<vmem>>
      %dma_start3A_48 = arith.constant 0 : i32
      %dma_start3A_49 = tpu.memref_slice %arg6[%dma_start3A_44, %dma_start3A_48] : memref<8x125xi32, #tpu.memory_space<vmem>> -> memref<1x125xi32, #tpu.memory_space<vmem>>
      %dma_start3A_50 = tpu.memref_squeeze %dma_start3A_49 : memref<1x125xi32, #tpu.memory_space<vmem>> -> memref<125xi32, #tpu.memory_space<vmem>>
      %dma_start3A_51 = arith.constant 0 : i32
      %dma_start3A_52 = arith.constant 0 : i32
      %dma_start3A_53 = tpu.memref_slice %arg3[%dma_start3A_51, %dma_start3A_52] : memref<50000x8xf32, #tpu.memory_space<hbm>> -> memref<50000x8xf32, #tpu.memory_space<hbm>>
      tpu.enqueue_indirect_dma source(%dma_start3A_53 : memref<50000x8xf32, #tpu.memory_space<hbm>>) target(%dma_start3A_47 : memref<125x8xf32, #tpu.memory_space<vmem>>) offsets(%dma_start3A_50 : memref<125xi32, #tpu.memory_space<vmem>>) semaphore(%arg10 : memref<!tpu.dma_semaphore, #tpu.memory_space<semaphore_mem>>)
      %dma_start3A_54 = arith.constant 4 : i32
      %dma_start3A_55 = arith.constant 500 : i32
      %dma_start3A_56 = arith.constant 0 : i32
      %dma_start3A_57 = tpu.memref_slice %arg8[%dma_start3A_55, %dma_start3A_56] : memref<1000x8xf32, #tpu.memory_space<vmem>> -> memref<125x8xf32, #tpu.memory_space<vmem>>
      %dma_start3A_58 = arith.constant 0 : i32
      %dma_start3A_59 = tpu.memref_slice %arg6[%dma_start3A_54, %dma_start3A_58] : memref<8x125xi32, #tpu.memory_space<vmem>> -> memref<1x125xi32, #tpu.memory_space<vmem>>
      %dma_start3A_60 = tpu.memref_squeeze %dma_start3A_59 : memref<1x125xi32, #tpu.memory_space<vmem>> -> memref<125xi32, #tpu.memory_space<vmem>>
      %dma_start3A_61 = arith.constant 0 : i32
      %dma_start3A_62 = arith.constant 0 : i32
      %dma_start3A_63 = tpu.memref_slice %arg3[%dma_start3A_61, %dma_start3A_62] : memref<50000x8xf32, #tpu.memory_space<hbm>> -> memref<50000x8xf32, #tpu.memory_space<hbm>>
      tpu.enqueue_indirect_dma source(%dma_start3A_63 : memref<50000x8xf32, #tpu.memory_space<hbm>>) target(%dma_start3A_57 : memref<125x8xf32, #tpu.memory_space<vmem>>) offsets(%dma_start3A_60 : memref<125xi32, #tpu.memory_space<vmem>>) semaphore(%arg10 : memref<!tpu.dma_semaphore, #tpu.memory_space<semaphore_mem>>)
      %dma_start3A_64 = arith.constant 5 : i32
      %dma_start3A_65 = arith.constant 625 : i32
      %dma_start3A_66 = arith.constant 0 : i32
      %dma_start3A_67 = tpu.memref_slice %arg8[%dma_start3A_65, %dma_start3A_66] : memref<1000x8xf32, #tpu.memory_space<vmem>> -> memref<125x8xf32, #tpu.memory_space<vmem>>
      %dma_start3A_68 = arith.constant 0 : i32
      %dma_start3A_69 = tpu.memref_slice %arg6[%dma_start3A_64, %dma_start3A_68] : memref<8x125xi32, #tpu.memory_space<vmem>> -> memref<1x125xi32, #tpu.memory_space<vmem>>
      %dma_start3A_70 = tpu.memref_squeeze %dma_start3A_69 : memref<1x125xi32, #tpu.memory_space<vmem>> -> memref<125xi32, #tpu.memory_space<vmem>>
      %dma_start3A_71 = arith.constant 0 : i32
      %dma_start3A_72 = arith.constant 0 : i32
      %dma_start3A_73 = tpu.memref_slice %arg3[%dma_start3A_71, %dma_start3A_72] : memref<50000x8xf32, #tpu.memory_space<hbm>> -> memref<50000x8xf32, #tpu.memory_space<hbm>>
      tpu.enqueue_indirect_dma source(%dma_start3A_73 : memref<50000x8xf32, #tpu.memory_space<hbm>>) target(%dma_start3A_67 : memref<125x8xf32, #tpu.memory_space<vmem>>) offsets(%dma_start3A_70 : memref<125xi32, #tpu.memory_space<vmem>>) semaphore(%arg10 : memref<!tpu.dma_semaphore, #tpu.memory_space<semaphore_mem>>)
      %dma_start3A_74 = arith.constant 6 : i32
      %dma_start3A_75 = arith.constant 750 : i32
      %dma_start3A_76 = arith.constant 0 : i32
      %dma_start3A_77 = tpu.memref_slice %arg8[%dma_start3A_75, %dma_start3A_76] : memref<1000x8xf32, #tpu.memory_space<vmem>> -> memref<125x8xf32, #tpu.memory_space<vmem>>
      %dma_start3A_78 = arith.constant 0 : i32
      %dma_start3A_79 = tpu.memref_slice %arg6[%dma_start3A_74, %dma_start3A_78] : memref<8x125xi32, #tpu.memory_space<vmem>> -> memref<1x125xi32, #tpu.memory_space<vmem>>
      %dma_start3A_80 = tpu.memref_squeeze %dma_start3A_79 : memref<1x125xi32, #tpu.memory_space<vmem>> -> memref<125xi32, #tpu.memory_space<vmem>>
      %dma_start3A_81 = arith.constant 0 : i32
      %dma_start3A_82 = arith.constant 0 : i32
      %dma_start3A_83 = tpu.memref_slice %arg3[%dma_start3A_81, %dma_start3A_82] : memref<50000x8xf32, #tpu.memory_space<hbm>> -> memref<50000x8xf32, #tpu.memory_space<hbm>>
      tpu.enqueue_indirect_dma source(%dma_start3A_83 : memref<50000x8xf32, #tpu.memory_space<hbm>>) target(%dma_start3A_77 : memref<125x8xf32, #tpu.memory_space<vmem>>) offsets(%dma_start3A_80 : memref<125xi32, #tpu.memory_space<vmem>>) semaphore(%arg10 : memref<!tpu.dma_semaphore, #tpu.memory_space<semaphore_mem>>)
      %dma_start3A_84 = arith.constant 7 : i32
      %dma_start3A_85 = arith.constant 875 : i32
      %dma_start3A_86 = arith.constant 0 : i32
      %dma_start3A_87 = tpu.memref_slice %arg8[%dma_start3A_85, %dma_start3A_86] : memref<1000x8xf32, #tpu.memory_space<vmem>> -> memref<125x8xf32, #tpu.memory_space<vmem>>
      %dma_start3A_88 = arith.constant 0 : i32
      %dma_start3A_89 = tpu.memref_slice %arg6[%dma_start3A_84, %dma_start3A_88] : memref<8x125xi32, #tpu.memory_space<vmem>> -> memref<1x125xi32, #tpu.memory_space<vmem>>
      %dma_start3A_90 = tpu.memref_squeeze %dma_start3A_89 : memref<1x125xi32, #tpu.memory_space<vmem>> -> memref<125xi32, #tpu.memory_space<vmem>>
      %dma_start3A_91 = arith.constant 0 : i32
      %dma_start3A_92 = arith.constant 0 : i32
      %dma_start3A_93 = tpu.memref_slice %arg3[%dma_start3A_91, %dma_start3A_92] : memref<50000x8xf32, #tpu.memory_space<hbm>> -> memref<50000x8xf32, #tpu.memory_space<hbm>>
      tpu.enqueue_indirect_dma source(%dma_start3A_93 : memref<50000x8xf32, #tpu.memory_space<hbm>>) target(%dma_start3A_87 : memref<125x8xf32, #tpu.memory_space<vmem>>) offsets(%dma_start3A_90 : memref<125xi32, #tpu.memory_space<vmem>>) semaphore(%arg10 : memref<!tpu.dma_semaphore, #tpu.memory_space<semaphore_mem>>)
      %dma_start3A_94 = arith.constant 0 : i32
      %dma_start3A_95 = arith.constant 0 : i32
      %dma_start3A_96 = arith.constant 0 : i32
      %dma_start3A_97 = tpu.memref_slice %arg9[%dma_start3A_95, %dma_start3A_96] : memref<1000x8xf32, #tpu.memory_space<vmem>> -> memref<125x8xf32, #tpu.memory_space<vmem>>
      %dma_start3A_98 = arith.constant 0 : i32
      %dma_start3A_99 = tpu.memref_slice %arg7[%dma_start3A_94, %dma_start3A_98] : memref<8x125xi32, #tpu.memory_space<vmem>> -> memref<1x125xi32, #tpu.memory_space<vmem>>
      %dma_start3A_100 = tpu.memref_squeeze %dma_start3A_99 : memref<1x125xi32, #tpu.memory_space<vmem>> -> memref<125xi32, #tpu.memory_space<vmem>>
      %dma_start3A_101 = arith.constant 0 : i32
      %dma_start3A_102 = arith.constant 0 : i32
      %dma_start3A_103 = tpu.memref_slice %arg3[%dma_start3A_101, %dma_start3A_102] : memref<50000x8xf32, #tpu.memory_space<hbm>> -> memref<50000x8xf32, #tpu.memory_space<hbm>>
      tpu.enqueue_indirect_dma source(%dma_start3A_103 : memref<50000x8xf32, #tpu.memory_space<hbm>>) target(%dma_start3A_97 : memref<125x8xf32, #tpu.memory_space<vmem>>) offsets(%dma_start3A_100 : memref<125xi32, #tpu.memory_space<vmem>>) semaphore(%arg10 : memref<!tpu.dma_semaphore, #tpu.memory_space<semaphore_mem>>)
      %dma_start3A_104 = arith.constant 1 : i32
      %dma_start3A_105 = arith.constant 125 : i32
      %dma_start3A_106 = arith.constant 0 : i32
      %dma_start3A_107 = tpu.memref_slice %arg9[%dma_start3A_105, %dma_start3A_106] : memref<1000x8xf32, #tpu.memory_space<vmem>> -> memref<125x8xf32, #tpu.memory_space<vmem>>
      %dma_start3A_108 = arith.constant 0 : i32
      %dma_start3A_109 = tpu.memref_slice %arg7[%dma_start3A_104, %dma_start3A_108] : memref<8x125xi32, #tpu.memory_space<vmem>> -> memref<1x125xi32, #tpu.memory_space<vmem>>
      %dma_start3A_110 = tpu.memref_squeeze %dma_start3A_109 : memref<1x125xi32, #tpu.memory_space<vmem>> -> memref<125xi32, #tpu.memory_space<vmem>>
      %dma_start3A_111 = arith.constant 0 : i32
      %dma_start3A_112 = arith.constant 0 : i32
      %dma_start3A_113 = tpu.memref_slice %arg3[%dma_start3A_111, %dma_start3A_112] : memref<50000x8xf32, #tpu.memory_space<hbm>> -> memref<50000x8xf32, #tpu.memory_space<hbm>>
      tpu.enqueue_indirect_dma source(%dma_start3A_113 : memref<50000x8xf32, #tpu.memory_space<hbm>>) target(%dma_start3A_107 : memref<125x8xf32, #tpu.memory_space<vmem>>) offsets(%dma_start3A_110 : memref<125xi32, #tpu.memory_space<vmem>>) semaphore(%arg10 : memref<!tpu.dma_semaphore, #tpu.memory_space<semaphore_mem>>)
      %dma_start3A_114 = arith.constant 2 : i32
      %dma_start3A_115 = arith.constant 250 : i32
      %dma_start3A_116 = arith.constant 0 : i32
      %dma_start3A_117 = tpu.memref_slice %arg9[%dma_start3A_115, %dma_start3A_116] : memref<1000x8xf32, #tpu.memory_space<vmem>> -> memref<125x8xf32, #tpu.memory_space<vmem>>
      %dma_start3A_118 = arith.constant 0 : i32
      %dma_start3A_119 = tpu.memref_slice %arg7[%dma_start3A_114, %dma_start3A_118] : memref<8x125xi32, #tpu.memory_space<vmem>> -> memref<1x125xi32, #tpu.memory_space<vmem>>
      %dma_start3A_120 = tpu.memref_squeeze %dma_start3A_119 : memref<1x125xi32, #tpu.memory_space<vmem>> -> memref<125xi32, #tpu.memory_space<vmem>>
      %dma_start3A_121 = arith.constant 0 : i32
      %dma_start3A_122 = arith.constant 0 : i32
      %dma_start3A_123 = tpu.memref_slice %arg3[%dma_start3A_121, %dma_start3A_122] : memref<50000x8xf32, #tpu.memory_space<hbm>> -> memref<50000x8xf32, #tpu.memory_space<hbm>>
      tpu.enqueue_indirect_dma source(%dma_start3A_123 : memref<50000x8xf32, #tpu.memory_space<hbm>>) target(%dma_start3A_117 : memref<125x8xf32, #tpu.memory_space<vmem>>) offsets(%dma_start3A_120 : memref<125xi32, #tpu.memory_space<vmem>>) semaphore(%arg10 : memref<!tpu.dma_semaphore, #tpu.memory_space<semaphore_mem>>)
      %dma_start3A_124 = arith.constant 3 : i32
      %dma_start3A_125 = arith.constant 375 : i32
      %dma_start3A_126 = arith.constant 0 : i32
      %dma_start3A_127 = tpu.memref_slice %arg9[%dma_start3A_125, %dma_start3A_126] : memref<1000x8xf32, #tpu.memory_space<vmem>> -> memref<125x8xf32, #tpu.memory_space<vmem>>
      %dma_start3A_128 = arith.constant 0 : i32
      %dma_start3A_129 = tpu.memref_slice %arg7[%dma_start3A_124, %dma_start3A_128] : memref<8x125xi32, #tpu.memory_space<vmem>> -> memref<1x125xi32, #tpu.memory_space<vmem>>
      %dma_start3A_130 = tpu.memref_squeeze %dma_start3A_129 : memref<1x125xi32, #tpu.memory_space<vmem>> -> memref<125xi32, #tpu.memory_space<vmem>>
      %dma_start3A_131 = arith.constant 0 : i32
      %dma_start3A_132 = arith.constant 0 : i32
      %dma_start3A_133 = tpu.memref_slice %arg3[%dma_start3A_131, %dma_start3A_132] : memref<50000x8xf32, #tpu.memory_space<hbm>> -> memref<50000x8xf32, #tpu.memory_space<hbm>>
      tpu.enqueue_indirect_dma source(%dma_start3A_133 : memref<50000x8xf32, #tpu.memory_space<hbm>>) target(%dma_start3A_127 : memref<125x8xf32, #tpu.memory_space<vmem>>) offsets(%dma_start3A_130 : memref<125xi32, #tpu.memory_space<vmem>>) semaphore(%arg10 : memref<!tpu.dma_semaphore, #tpu.memory_space<semaphore_mem>>)
      %dma_start3A_134 = arith.constant 4 : i32
      %dma_start3A_135 = arith.constant 500 : i32
      %dma_start3A_136 = arith.constant 0 : i32
      %dma_start3A_137 = tpu.memref_slice %arg9[%dma_start3A_135, %dma_start3A_136] : memref<1000x8xf32, #tpu.memory_space<vmem>> -> memref<125x8xf32, #tpu.memory_space<vmem>>
      %dma_start3A_138 = arith.constant 0 : i32
      %dma_start3A_139 = tpu.memref_slice %arg7[%dma_start3A_134, %dma_start3A_138] : memref<8x125xi32, #tpu.memory_space<vmem>> -> memref<1x125xi32, #tpu.memory_space<vmem>>
      %dma_start3A_140 = tpu.memref_squeeze %dma_start3A_139 : memref<1x125xi32, #tpu.memory_space<vmem>> -> memref<125xi32, #tpu.memory_space<vmem>>
      %dma_start3A_141 = arith.constant 0 : i32
      %dma_start3A_142 = arith.constant 0 : i32
      %dma_start3A_143 = tpu.memref_slice %arg3[%dma_start3A_141, %dma_start3A_142] : memref<50000x8xf32, #tpu.memory_space<hbm>> -> memref<50000x8xf32, #tpu.memory_space<hbm>>
      tpu.enqueue_indirect_dma source(%dma_start3A_143 : memref<50000x8xf32, #tpu.memory_space<hbm>>) target(%dma_start3A_137 : memref<125x8xf32, #tpu.memory_space<vmem>>) offsets(%dma_start3A_140 : memref<125xi32, #tpu.memory_space<vmem>>) semaphore(%arg10 : memref<!tpu.dma_semaphore, #tpu.memory_space<semaphore_mem>>)
      %dma_start3A_144 = arith.constant 5 : i32
      %dma_start3A_145 = arith.constant 625 : i32
      %dma_start3A_146 = arith.constant 0 : i32
      %dma_start3A_147 = tpu.memref_slice %arg9[%dma_start3A_145, %dma_start3A_146] : memref<1000x8xf32, #tpu.memory_space<vmem>> -> memref<125x8xf32, #tpu.memory_space<vmem>>
      %dma_start3A_148 = arith.constant 0 : i32
      %dma_start3A_149 = tpu.memref_slice %arg7[%dma_start3A_144, %dma_start3A_148] : memref<8x125xi32, #tpu.memory_space<vmem>> -> memref<1x125xi32, #tpu.memory_space<vmem>>
      %dma_start3A_150 = tpu.memref_squeeze %dma_start3A_149 : memref<1x125xi32, #tpu.memory_space<vmem>> -> memref<125xi32, #tpu.memory_space<vmem>>
      %dma_start3A_151 = arith.constant 0 : i32
      %dma_start3A_152 = arith.constant 0 : i32
      %dma_start3A_153 = tpu.memref_slice %arg3[%dma_start3A_151, %dma_start3A_152] : memref<50000x8xf32, #tpu.memory_space<hbm>> -> memref<50000x8xf32, #tpu.memory_space<hbm>>
      tpu.enqueue_indirect_dma source(%dma_start3A_153 : memref<50000x8xf32, #tpu.memory_space<hbm>>) target(%dma_start3A_147 : memref<125x8xf32, #tpu.memory_space<vmem>>) offsets(%dma_start3A_150 : memref<125xi32, #tpu.memory_space<vmem>>) semaphore(%arg10 : memref<!tpu.dma_semaphore, #tpu.memory_space<semaphore_mem>>)
      %dma_start3A_154 = arith.constant 6 : i32
      %dma_start3A_155 = arith.constant 750 : i32
      %dma_start3A_156 = arith.constant 0 : i32
      %dma_start3A_157 = tpu.memref_slice %arg9[%dma_start3A_155, %dma_start3A_156] : memref<1000x8xf32, #tpu.memory_space<vmem>> -> memref<125x8xf32, #tpu.memory_space<vmem>>
      %dma_start3A_158 = arith.constant 0 : i32
      %dma_start3A_159 = tpu.memref_slice %arg7[%dma_start3A_154, %dma_start3A_158] : memref<8x125xi32, #tpu.memory_space<vmem>> -> memref<1x125xi32, #tpu.memory_space<vmem>>
      %dma_start3A_160 = tpu.memref_squeeze %dma_start3A_159 : memref<1x125xi32, #tpu.memory_space<vmem>> -> memref<125xi32, #tpu.memory_space<vmem>>
      %dma_start3A_161 = arith.constant 0 : i32
      %dma_start3A_162 = arith.constant 0 : i32
      %dma_start3A_163 = tpu.memref_slice %arg3[%dma_start3A_161, %dma_start3A_162] : memref<50000x8xf32, #tpu.memory_space<hbm>> -> memref<50000x8xf32, #tpu.memory_space<hbm>>
      tpu.enqueue_indirect_dma source(%dma_start3A_163 : memref<50000x8xf32, #tpu.memory_space<hbm>>) target(%dma_start3A_157 : memref<125x8xf32, #tpu.memory_space<vmem>>) offsets(%dma_start3A_160 : memref<125xi32, #tpu.memory_space<vmem>>) semaphore(%arg10 : memref<!tpu.dma_semaphore, #tpu.memory_space<semaphore_mem>>)
      %dma_start3A_164 = arith.constant 7 : i32
      %dma_start3A_165 = arith.constant 875 : i32
      %dma_start3A_166 = arith.constant 0 : i32
      %dma_start3A_167 = tpu.memref_slice %arg9[%dma_start3A_165, %dma_start3A_166] : memref<1000x8xf32, #tpu.memory_space<vmem>> -> memref<125x8xf32, #tpu.memory_space<vmem>>
      %dma_start3A_168 = arith.constant 0 : i32
      %dma_start3A_169 = tpu.memref_slice %arg7[%dma_start3A_164, %dma_start3A_168] : memref<8x125xi32, #tpu.memory_space<vmem>> -> memref<1x125xi32, #tpu.memory_space<vmem>>
      %dma_start3A_170 = tpu.memref_squeeze %dma_start3A_169 : memref<1x125xi32, #tpu.memory_space<vmem>> -> memref<125xi32, #tpu.memory_space<vmem>>
      %dma_start3A_171 = arith.constant 0 : i32
      %dma_start3A_172 = arith.constant 0 : i32
      %dma_start3A_173 = tpu.memref_slice %arg3[%dma_start3A_171, %dma_start3A_172] : memref<50000x8xf32, #tpu.memory_space<hbm>> -> memref<50000x8xf32, #tpu.memory_space<hbm>>
      tpu.enqueue_indirect_dma source(%dma_start3A_173 : memref<50000x8xf32, #tpu.memory_space<hbm>>) target(%dma_start3A_167 : memref<125x8xf32, #tpu.memory_space<vmem>>) offsets(%dma_start3A_170 : memref<125xi32, #tpu.memory_space<vmem>>) semaphore(%arg10 : memref<!tpu.dma_semaphore, #tpu.memory_space<semaphore_mem>>)
      %dma_wait3A = arith.constant 0 : i32
      %dma_wait3A_174 = arith.constant 0 : i32
      %dma_wait3A_175 = arith.constant 0 : i32
      %dma_wait3A_176 = tpu.memref_slice %arg8[%dma_wait3A_174, %dma_wait3A_175] : memref<1000x8xf32, #tpu.memory_space<vmem>> -> memref<125x8xf32, #tpu.memory_space<vmem>>
      %dma_wait3A_177 = arith.constant 0 : i32
      %dma_wait3A_178 = tpu.memref_slice %arg6[%dma_wait3A, %dma_wait3A_177] : memref<8x125xi32, #tpu.memory_space<vmem>> -> memref<1x125xi32, #tpu.memory_space<vmem>>
      %dma_wait3A_179 = tpu.memref_squeeze %dma_wait3A_178 : memref<1x125xi32, #tpu.memory_space<vmem>> -> memref<125xi32, #tpu.memory_space<vmem>>
      %dma_wait3A_180 = arith.constant 0 : i32
      %dma_wait3A_181 = arith.constant 0 : i32
      %dma_wait3A_182 = tpu.memref_slice %arg3[%dma_wait3A_180, %dma_wait3A_181] : memref<50000x8xf32, #tpu.memory_space<hbm>> -> memref<50000x8xf32, #tpu.memory_space<hbm>>
      tpu.wait_indirect_dma semaphore(%arg10 : memref<!tpu.dma_semaphore, #tpu.memory_space<semaphore_mem>>) src(%dma_wait3A_182 : memref<50000x8xf32, #tpu.memory_space<hbm>>) dst(%dma_wait3A_176 : memref<125x8xf32, #tpu.memory_space<vmem>>)
      %dma_wait3A_183 = arith.constant 0 : i32
      %dma_wait3A_184 = arith.constant 0 : i32
      %dma_wait3A_185 = arith.constant 0 : i32
      %dma_wait3A_186 = tpu.memref_slice %arg9[%dma_wait3A_184, %dma_wait3A_185] : memref<1000x8xf32, #tpu.memory_space<vmem>> -> memref<125x8xf32, #tpu.memory_space<vmem>>
      %dma_wait3A_187 = arith.constant 0 : i32
      %dma_wait3A_188 = tpu.memref_slice %arg7[%dma_wait3A_183, %dma_wait3A_187] : memref<8x125xi32, #tpu.memory_space<vmem>> -> memref<1x125xi32, #tpu.memory_space<vmem>>
      %dma_wait3A_189 = tpu.memref_squeeze %dma_wait3A_188 : memref<1x125xi32, #tpu.memory_space<vmem>> -> memref<125xi32, #tpu.memory_space<vmem>>
      %dma_wait3A_190 = arith.constant 0 : i32
      %dma_wait3A_191 = arith.constant 0 : i32
      %dma_wait3A_192 = tpu.memref_slice %arg3[%dma_wait3A_190, %dma_wait3A_191] : memref<50000x8xf32, #tpu.memory_space<hbm>> -> memref<50000x8xf32, #tpu.memory_space<hbm>>
      tpu.wait_indirect_dma semaphore(%arg10 : memref<!tpu.dma_semaphore, #tpu.memory_space<semaphore_mem>>) src(%dma_wait3A_192 : memref<50000x8xf32, #tpu.memory_space<hbm>>) dst(%dma_wait3A_186 : memref<125x8xf32, #tpu.memory_space<vmem>>)
      %dma_wait3A_193 = arith.constant 1 : i32
      %dma_wait3A_194 = arith.constant 125 : i32
      %dma_wait3A_195 = arith.constant 0 : i32
      %dma_wait3A_196 = tpu.memref_slice %arg8[%dma_wait3A_194, %dma_wait3A_195] : memref<1000x8xf32, #tpu.memory_space<vmem>> -> memref<125x8xf32, #tpu.memory_space<vmem>>
      %dma_wait3A_197 = arith.constant 0 : i32
      %dma_wait3A_198 = tpu.memref_slice %arg6[%dma_wait3A_193, %dma_wait3A_197] : memref<8x125xi32, #tpu.memory_space<vmem>> -> memref<1x125xi32, #tpu.memory_space<vmem>>
      %dma_wait3A_199 = tpu.memref_squeeze %dma_wait3A_198 : memref<1x125xi32, #tpu.memory_space<vmem>> -> memref<125xi32, #tpu.memory_space<vmem>>
      %dma_wait3A_200 = arith.constant 0 : i32
      %dma_wait3A_201 = arith.constant 0 : i32
      %dma_wait3A_202 = tpu.memref_slice %arg3[%dma_wait3A_200, %dma_wait3A_201] : memref<50000x8xf32, #tpu.memory_space<hbm>> -> memref<50000x8xf32, #tpu.memory_space<hbm>>
      tpu.wait_indirect_dma semaphore(%arg10 : memref<!tpu.dma_semaphore, #tpu.memory_space<semaphore_mem>>) src(%dma_wait3A_202 : memref<50000x8xf32, #tpu.memory_space<hbm>>) dst(%dma_wait3A_196 : memref<125x8xf32, #tpu.memory_space<vmem>>)
      %dma_wait3A_203 = arith.constant 1 : i32
      %dma_wait3A_204 = arith.constant 125 : i32
      %dma_wait3A_205 = arith.constant 0 : i32
      %dma_wait3A_206 = tpu.memref_slice %arg9[%dma_wait3A_204, %dma_wait3A_205] : memref<1000x8xf32, #tpu.memory_space<vmem>> -> memref<125x8xf32, #tpu.memory_space<vmem>>
      %dma_wait3A_207 = arith.constant 0 : i32
      %dma_wait3A_208 = tpu.memref_slice %arg7[%dma_wait3A_203, %dma_wait3A_207] : memref<8x125xi32, #tpu.memory_space<vmem>> -> memref<1x125xi32, #tpu.memory_space<vmem>>
      %dma_wait3A_209 = tpu.memref_squeeze %dma_wait3A_208 : memref<1x125xi32, #tpu.memory_space<vmem>> -> memref<125xi32, #tpu.memory_space<vmem>>
      %dma_wait3A_210 = arith.constant 0 : i32
      %dma_wait3A_211 = arith.constant 0 : i32
      %dma_wait3A_212 = tpu.memref_slice %arg3[%dma_wait3A_210, %dma_wait3A_211] : memref<50000x8xf32, #tpu.memory_space<hbm>> -> memref<50000x8xf32, #tpu.memory_space<hbm>>
      tpu.wait_indirect_dma semaphore(%arg10 : memref<!tpu.dma_semaphore, #tpu.memory_space<semaphore_mem>>) src(%dma_wait3A_212 : memref<50000x8xf32, #tpu.memory_space<hbm>>) dst(%dma_wait3A_206 : memref<125x8xf32, #tpu.memory_space<vmem>>)
      %dma_wait3A_213 = arith.constant 2 : i32
      %dma_wait3A_214 = arith.constant 250 : i32
      %dma_wait3A_215 = arith.constant 0 : i32
      %dma_wait3A_216 = tpu.memref_slice %arg8[%dma_wait3A_214, %dma_wait3A_215] : memref<1000x8xf32, #tpu.memory_space<vmem>> -> memref<125x8xf32, #tpu.memory_space<vmem>>
      %dma_wait3A_217 = arith.constant 0 : i32
      %dma_wait3A_218 = tpu.memref_slice %arg6[%dma_wait3A_213, %dma_wait3A_217] : memref<8x125xi32, #tpu.memory_space<vmem>> -> memref<1x125xi32, #tpu.memory_space<vmem>>
      %dma_wait3A_219 = tpu.memref_squeeze %dma_wait3A_218 : memref<1x125xi32, #tpu.memory_space<vmem>> -> memref<125xi32, #tpu.memory_space<vmem>>
      %dma_wait3A_220 = arith.constant 0 : i32
      %dma_wait3A_221 = arith.constant 0 : i32
      %dma_wait3A_222 = tpu.memref_slice %arg3[%dma_wait3A_220, %dma_wait3A_221] : memref<50000x8xf32, #tpu.memory_space<hbm>> -> memref<50000x8xf32, #tpu.memory_space<hbm>>
      tpu.wait_indirect_dma semaphore(%arg10 : memref<!tpu.dma_semaphore, #tpu.memory_space<semaphore_mem>>) src(%dma_wait3A_222 : memref<50000x8xf32, #tpu.memory_space<hbm>>) dst(%dma_wait3A_216 : memref<125x8xf32, #tpu.memory_space<vmem>>)
      %dma_wait3A_223 = arith.constant 2 : i32
      %dma_wait3A_224 = arith.constant 250 : i32
      %dma_wait3A_225 = arith.constant 0 : i32
      %dma_wait3A_226 = tpu.memref_slice %arg9[%dma_wait3A_224, %dma_wait3A_225] : memref<1000x8xf32, #tpu.memory_space<vmem>> -> memref<125x8xf32, #tpu.memory_space<vmem>>
      %dma_wait3A_227 = arith.constant 0 : i32
      %dma_wait3A_228 = tpu.memref_slice %arg7[%dma_wait3A_223, %dma_wait3A_227] : memref<8x125xi32, #tpu.memory_space<vmem>> -> memref<1x125xi32, #tpu.memory_space<vmem>>
      %dma_wait3A_229 = tpu.memref_squeeze %dma_wait3A_228 : memref<1x125xi32, #tpu.memory_space<vmem>> -> memref<125xi32, #tpu.memory_space<vmem>>
      %dma_wait3A_230 = arith.constant 0 : i32
      %dma_wait3A_231 = arith.constant 0 : i32
      %dma_wait3A_232 = tpu.memref_slice %arg3[%dma_wait3A_230, %dma_wait3A_231] : memref<50000x8xf32, #tpu.memory_space<hbm>> -> memref<50000x8xf32, #tpu.memory_space<hbm>>
      tpu.wait_indirect_dma semaphore(%arg10 : memref<!tpu.dma_semaphore, #tpu.memory_space<semaphore_mem>>) src(%dma_wait3A_232 : memref<50000x8xf32, #tpu.memory_space<hbm>>) dst(%dma_wait3A_226 : memref<125x8xf32, #tpu.memory_space<vmem>>)
      %dma_wait3A_233 = arith.constant 3 : i32
      %dma_wait3A_234 = arith.constant 375 : i32
      %dma_wait3A_235 = arith.constant 0 : i32
      %dma_wait3A_236 = tpu.memref_slice %arg8[%dma_wait3A_234, %dma_wait3A_235] : memref<1000x8xf32, #tpu.memory_space<vmem>> -> memref<125x8xf32, #tpu.memory_space<vmem>>
      %dma_wait3A_237 = arith.constant 0 : i32
      %dma_wait3A_238 = tpu.memref_slice %arg6[%dma_wait3A_233, %dma_wait3A_237] : memref<8x125xi32, #tpu.memory_space<vmem>> -> memref<1x125xi32, #tpu.memory_space<vmem>>
      %dma_wait3A_239 = tpu.memref_squeeze %dma_wait3A_238 : memref<1x125xi32, #tpu.memory_space<vmem>> -> memref<125xi32, #tpu.memory_space<vmem>>
      %dma_wait3A_240 = arith.constant 0 : i32
      %dma_wait3A_241 = arith.constant 0 : i32
      %dma_wait3A_242 = tpu.memref_slice %arg3[%dma_wait3A_240, %dma_wait3A_241] : memref<50000x8xf32, #tpu.memory_space<hbm>> -> memref<50000x8xf32, #tpu.memory_space<hbm>>
      tpu.wait_indirect_dma semaphore(%arg10 : memref<!tpu.dma_semaphore, #tpu.memory_space<semaphore_mem>>) src(%dma_wait3A_242 : memref<50000x8xf32, #tpu.memory_space<hbm>>) dst(%dma_wait3A_236 : memref<125x8xf32, #tpu.memory_space<vmem>>)
      %dma_wait3A_243 = arith.constant 3 : i32
      %dma_wait3A_244 = arith.constant 375 : i32
      %dma_wait3A_245 = arith.constant 0 : i32
      %dma_wait3A_246 = tpu.memref_slice %arg9[%dma_wait3A_244, %dma_wait3A_245] : memref<1000x8xf32, #tpu.memory_space<vmem>> -> memref<125x8xf32, #tpu.memory_space<vmem>>
      %dma_wait3A_247 = arith.constant 0 : i32
      %dma_wait3A_248 = tpu.memref_slice %arg7[%dma_wait3A_243, %dma_wait3A_247] : memref<8x125xi32, #tpu.memory_space<vmem>> -> memref<1x125xi32, #tpu.memory_space<vmem>>
      %dma_wait3A_249 = tpu.memref_squeeze %dma_wait3A_248 : memref<1x125xi32, #tpu.memory_space<vmem>> -> memref<125xi32, #tpu.memory_space<vmem>>
      %dma_wait3A_250 = arith.constant 0 : i32
      %dma_wait3A_251 = arith.constant 0 : i32
      %dma_wait3A_252 = tpu.memref_slice %arg3[%dma_wait3A_250, %dma_wait3A_251] : memref<50000x8xf32, #tpu.memory_space<hbm>> -> memref<50000x8xf32, #tpu.memory_space<hbm>>
      tpu.wait_indirect_dma semaphore(%arg10 : memref<!tpu.dma_semaphore, #tpu.memory_space<semaphore_mem>>) src(%dma_wait3A_252 : memref<50000x8xf32, #tpu.memory_space<hbm>>) dst(%dma_wait3A_246 : memref<125x8xf32, #tpu.memory_space<vmem>>)
      %dma_wait3A_253 = arith.constant 4 : i32
      %dma_wait3A_254 = arith.constant 500 : i32
      %dma_wait3A_255 = arith.constant 0 : i32
      %dma_wait3A_256 = tpu.memref_slice %arg8[%dma_wait3A_254, %dma_wait3A_255] : memref<1000x8xf32, #tpu.memory_space<vmem>> -> memref<125x8xf32, #tpu.memory_space<vmem>>
      %dma_wait3A_257 = arith.constant 0 : i32
      %dma_wait3A_258 = tpu.memref_slice %arg6[%dma_wait3A_253, %dma_wait3A_257] : memref<8x125xi32, #tpu.memory_space<vmem>> -> memref<1x125xi32, #tpu.memory_space<vmem>>
      %dma_wait3A_259 = tpu.memref_squeeze %dma_wait3A_258 : memref<1x125xi32, #tpu.memory_space<vmem>> -> memref<125xi32, #tpu.memory_space<vmem>>
      %dma_wait3A_260 = arith.constant 0 : i32
      %dma_wait3A_261 = arith.constant 0 : i32
      %dma_wait3A_262 = tpu.memref_slice %arg3[%dma_wait3A_260, %dma_wait3A_261] : memref<50000x8xf32, #tpu.memory_space<hbm>> -> memref<50000x8xf32, #tpu.memory_space<hbm>>
      tpu.wait_indirect_dma semaphore(%arg10 : memref<!tpu.dma_semaphore, #tpu.memory_space<semaphore_mem>>) src(%dma_wait3A_262 : memref<50000x8xf32, #tpu.memory_space<hbm>>) dst(%dma_wait3A_256 : memref<125x8xf32, #tpu.memory_space<vmem>>)
      %dma_wait3A_263 = arith.constant 4 : i32
      %dma_wait3A_264 = arith.constant 500 : i32
      %dma_wait3A_265 = arith.constant 0 : i32
      %dma_wait3A_266 = tpu.memref_slice %arg9[%dma_wait3A_264, %dma_wait3A_265] : memref<1000x8xf32, #tpu.memory_space<vmem>> -> memref<125x8xf32, #tpu.memory_space<vmem>>
      %dma_wait3A_267 = arith.constant 0 : i32
      %dma_wait3A_268 = tpu.memref_slice %arg7[%dma_wait3A_263, %dma_wait3A_267] : memref<8x125xi32, #tpu.memory_space<vmem>> -> memref<1x125xi32, #tpu.memory_space<vmem>>
      %dma_wait3A_269 = tpu.memref_squeeze %dma_wait3A_268 : memref<1x125xi32, #tpu.memory_space<vmem>> -> memref<125xi32, #tpu.memory_space<vmem>>
      %dma_wait3A_270 = arith.constant 0 : i32
      %dma_wait3A_271 = arith.constant 0 : i32
      %dma_wait3A_272 = tpu.memref_slice %arg3[%dma_wait3A_270, %dma_wait3A_271] : memref<50000x8xf32, #tpu.memory_space<hbm>> -> memref<50000x8xf32, #tpu.memory_space<hbm>>
      tpu.wait_indirect_dma semaphore(%arg10 : memref<!tpu.dma_semaphore, #tpu.memory_space<semaphore_mem>>) src(%dma_wait3A_272 : memref<50000x8xf32, #tpu.memory_space<hbm>>) dst(%dma_wait3A_266 : memref<125x8xf32, #tpu.memory_space<vmem>>)
      %dma_wait3A_273 = arith.constant 5 : i32
      %dma_wait3A_274 = arith.constant 625 : i32
      %dma_wait3A_275 = arith.constant 0 : i32
      %dma_wait3A_276 = tpu.memref_slice %arg8[%dma_wait3A_274, %dma_wait3A_275] : memref<1000x8xf32, #tpu.memory_space<vmem>> -> memref<125x8xf32, #tpu.memory_space<vmem>>
      %dma_wait3A_277 = arith.constant 0 : i32
      %dma_wait3A_278 = tpu.memref_slice %arg6[%dma_wait3A_273, %dma_wait3A_277] : memref<8x125xi32, #tpu.memory_space<vmem>> -> memref<1x125xi32, #tpu.memory_space<vmem>>
      %dma_wait3A_279 = tpu.memref_squeeze %dma_wait3A_278 : memref<1x125xi32, #tpu.memory_space<vmem>> -> memref<125xi32, #tpu.memory_space<vmem>>
      %dma_wait3A_280 = arith.constant 0 : i32
      %dma_wait3A_281 = arith.constant 0 : i32
      %dma_wait3A_282 = tpu.memref_slice %arg3[%dma_wait3A_280, %dma_wait3A_281] : memref<50000x8xf32, #tpu.memory_space<hbm>> -> memref<50000x8xf32, #tpu.memory_space<hbm>>
      tpu.wait_indirect_dma semaphore(%arg10 : memref<!tpu.dma_semaphore, #tpu.memory_space<semaphore_mem>>) src(%dma_wait3A_282 : memref<50000x8xf32, #tpu.memory_space<hbm>>) dst(%dma_wait3A_276 : memref<125x8xf32, #tpu.memory_space<vmem>>)
      %dma_wait3A_283 = arith.constant 5 : i32
      %dma_wait3A_284 = arith.constant 625 : i32
      %dma_wait3A_285 = arith.constant 0 : i32
      %dma_wait3A_286 = tpu.memref_slice %arg9[%dma_wait3A_284, %dma_wait3A_285] : memref<1000x8xf32, #tpu.memory_space<vmem>> -> memref<125x8xf32, #tpu.memory_space<vmem>>
      %dma_wait3A_287 = arith.constant 0 : i32
      %dma_wait3A_288 = tpu.memref_slice %arg7[%dma_wait3A_283, %dma_wait3A_287] : memref<8x125xi32, #tpu.memory_space<vmem>> -> memref<1x125xi32, #tpu.memory_space<vmem>>
      %dma_wait3A_289 = tpu.memref_squeeze %dma_wait3A_288 : memref<1x125xi32, #tpu.memory_space<vmem>> -> memref<125xi32, #tpu.memory_space<vmem>>
      %dma_wait3A_290 = arith.constant 0 : i32
      %dma_wait3A_291 = arith.constant 0 : i32
      %dma_wait3A_292 = tpu.memref_slice %arg3[%dma_wait3A_290, %dma_wait3A_291] : memref<50000x8xf32, #tpu.memory_space<hbm>> -> memref<50000x8xf32, #tpu.memory_space<hbm>>
      tpu.wait_indirect_dma semaphore(%arg10 : memref<!tpu.dma_semaphore, #tpu.memory_space<semaphore_mem>>) src(%dma_wait3A_292 : memref<50000x8xf32, #tpu.memory_space<hbm>>) dst(%dma_wait3A_286 : memref<125x8xf32, #tpu.memory_space<vmem>>)
      %dma_wait3A_293 = arith.constant 6 : i32
      %dma_wait3A_294 = arith.constant 750 : i32
      %dma_wait3A_295 = arith.constant 0 : i32
      %dma_wait3A_296 = tpu.memref_slice %arg8[%dma_wait3A_294, %dma_wait3A_295] : memref<1000x8xf32, #tpu.memory_space<vmem>> -> memref<125x8xf32, #tpu.memory_space<vmem>>
      %dma_wait3A_297 = arith.constant 0 : i32
      %dma_wait3A_298 = tpu.memref_slice %arg6[%dma_wait3A_293, %dma_wait3A_297] : memref<8x125xi32, #tpu.memory_space<vmem>> -> memref<1x125xi32, #tpu.memory_space<vmem>>
      %dma_wait3A_299 = tpu.memref_squeeze %dma_wait3A_298 : memref<1x125xi32, #tpu.memory_space<vmem>> -> memref<125xi32, #tpu.memory_space<vmem>>
      %dma_wait3A_300 = arith.constant 0 : i32
      %dma_wait3A_301 = arith.constant 0 : i32
      %dma_wait3A_302 = tpu.memref_slice %arg3[%dma_wait3A_300, %dma_wait3A_301] : memref<50000x8xf32, #tpu.memory_space<hbm>> -> memref<50000x8xf32, #tpu.memory_space<hbm>>
      tpu.wait_indirect_dma semaphore(%arg10 : memref<!tpu.dma_semaphore, #tpu.memory_space<semaphore_mem>>) src(%dma_wait3A_302 : memref<50000x8xf32, #tpu.memory_space<hbm>>) dst(%dma_wait3A_296 : memref<125x8xf32, #tpu.memory_space<vmem>>)
      %dma_wait3A_303 = arith.constant 6 : i32
      %dma_wait3A_304 = arith.constant 750 : i32
      %dma_wait3A_305 = arith.constant 0 : i32
      %dma_wait3A_306 = tpu.memref_slice %arg9[%dma_wait3A_304, %dma_wait3A_305] : memref<1000x8xf32, #tpu.memory_space<vmem>> -> memref<125x8xf32, #tpu.memory_space<vmem>>
      %dma_wait3A_307 = arith.constant 0 : i32
      %dma_wait3A_308 = tpu.memref_slice %arg7[%dma_wait3A_303, %dma_wait3A_307] : memref<8x125xi32, #tpu.memory_space<vmem>> -> memref<1x125xi32, #tpu.memory_space<vmem>>
      %dma_wait3A_309 = tpu.memref_squeeze %dma_wait3A_308 : memref<1x125xi32, #tpu.memory_space<vmem>> -> memref<125xi32, #tpu.memory_space<vmem>>
      %dma_wait3A_310 = arith.constant 0 : i32
      %dma_wait3A_311 = arith.constant 0 : i32
      %dma_wait3A_312 = tpu.memref_slice %arg3[%dma_wait3A_310, %dma_wait3A_311] : memref<50000x8xf32, #tpu.memory_space<hbm>> -> memref<50000x8xf32, #tpu.memory_space<hbm>>
      tpu.wait_indirect_dma semaphore(%arg10 : memref<!tpu.dma_semaphore, #tpu.memory_space<semaphore_mem>>) src(%dma_wait3A_312 : memref<50000x8xf32, #tpu.memory_space<hbm>>) dst(%dma_wait3A_306 : memref<125x8xf32, #tpu.memory_space<vmem>>)
      %dma_wait3A_313 = arith.constant 7 : i32
      %dma_wait3A_314 = arith.constant 875 : i32
      %dma_wait3A_315 = arith.constant 0 : i32
      %dma_wait3A_316 = tpu.memref_slice %arg8[%dma_wait3A_314, %dma_wait3A_315] : memref<1000x8xf32, #tpu.memory_space<vmem>> -> memref<125x8xf32, #tpu.memory_space<vmem>>
      %dma_wait3A_317 = arith.constant 0 : i32
      %dma_wait3A_318 = tpu.memref_slice %arg6[%dma_wait3A_313, %dma_wait3A_317] : memref<8x125xi32, #tpu.memory_space<vmem>> -> memref<1x125xi32, #tpu.memory_space<vmem>>
      %dma_wait3A_319 = tpu.memref_squeeze %dma_wait3A_318 : memref<1x125xi32, #tpu.memory_space<vmem>> -> memref<125xi32, #tpu.memory_space<vmem>>
      %dma_wait3A_320 = arith.constant 0 : i32
      %dma_wait3A_321 = arith.constant 0 : i32
      %dma_wait3A_322 = tpu.memref_slice %arg3[%dma_wait3A_320, %dma_wait3A_321] : memref<50000x8xf32, #tpu.memory_space<hbm>> -> memref<50000x8xf32, #tpu.memory_space<hbm>>
      tpu.wait_indirect_dma semaphore(%arg10 : memref<!tpu.dma_semaphore, #tpu.memory_space<semaphore_mem>>) src(%dma_wait3A_322 : memref<50000x8xf32, #tpu.memory_space<hbm>>) dst(%dma_wait3A_316 : memref<125x8xf32, #tpu.memory_space<vmem>>)
      %dma_wait3A_323 = arith.constant 7 : i32
      %dma_wait3A_324 = arith.constant 875 : i32
      %dma_wait3A_325 = arith.constant 0 : i32
      %dma_wait3A_326 = tpu.memref_slice %arg9[%dma_wait3A_324, %dma_wait3A_325] : memref<1000x8xf32, #tpu.memory_space<vmem>> -> memref<125x8xf32, #tpu.memory_space<vmem>>
      %dma_wait3A_327 = arith.constant 0 : i32
      %dma_wait3A_328 = tpu.memref_slice %arg7[%dma_wait3A_323, %dma_wait3A_327] : memref<8x125xi32, #tpu.memory_space<vmem>> -> memref<1x125xi32, #tpu.memory_space<vmem>>
      %dma_wait3A_329 = tpu.memref_squeeze %dma_wait3A_328 : memref<1x125xi32, #tpu.memory_space<vmem>> -> memref<125xi32, #tpu.memory_space<vmem>>
      %dma_wait3A_330 = arith.constant 0 : i32
      %dma_wait3A_331 = arith.constant 0 : i32
      %dma_wait3A_332 = tpu.memref_slice %arg3[%dma_wait3A_330, %dma_wait3A_331] : memref<50000x8xf32, #tpu.memory_space<hbm>> -> memref<50000x8xf32, #tpu.memory_space<hbm>>
      tpu.wait_indirect_dma semaphore(%arg10 : memref<!tpu.dma_semaphore, #tpu.memory_space<semaphore_mem>>) src(%dma_wait3A_332 : memref<50000x8xf32, #tpu.memory_space<hbm>>) dst(%dma_wait3A_326 : memref<125x8xf32, #tpu.memory_space<vmem>>)
      "tpu.region"() ({
        %run_scoped3A_333 = tpu.sem_alloc : memref<!tpu.dma_semaphore, #tpu.memory_space<semaphore_mem>>
        %dma_start3A_334 = arith.constant 0 : i32
        %dma_start3A_335 = tpu.memref_slice %arg4[%mul3A_13, %dma_start3A_334] : memref<800000x8xf32, #tpu.memory_space<hbm>> -> memref<1000x8xf32, #tpu.memory_space<hbm>>
        %dma_start3A_336 = arith.constant 0 : i32
        %dma_start3A_337 = tpu.memref_slice %arg4[%mul3A_13, %dma_start3A_336] : memref<800000x8xf32, #tpu.memory_space<hbm>> -> memref<1000x8xf32, #tpu.memory_space<hbm>>
        tpu.enqueue_dma source(%arg8 : memref<1000x8xf32, #tpu.memory_space<vmem>>) target(%dma_start3A_337 : memref<1000x8xf32, #tpu.memory_space<hbm>>) target_semaphore(%run_scoped3A_333 : memref<!tpu.dma_semaphore, #tpu.memory_space<semaphore_mem>>)
        %dma_wait3A_338 = arith.constant 0 : i32
        %dma_wait3A_339 = tpu.memref_slice %arg4[%mul3A_13, %dma_wait3A_338] : memref<800000x8xf32, #tpu.memory_space<hbm>> -> memref<1000x8xf32, #tpu.memory_space<hbm>>
        %dma_wait3A_340 = arith.constant 0 : i32
        %dma_wait3A_341 = tpu.memref_slice %arg4[%mul3A_13, %dma_wait3A_340] : memref<800000x8xf32, #tpu.memory_space<hbm>> -> memref<1000x8xf32, #tpu.memory_space<hbm>>
        tpu.wait_dma2 semaphore(%run_scoped3A_333 : memref<!tpu.dma_semaphore, #tpu.memory_space<semaphore_mem>>) src(%arg8 : memref<1000x8xf32, #tpu.memory_space<vmem>>) dst(%dma_wait3A_341 : memref<1000x8xf32, #tpu.memory_space<hbm>>)
        tpu.yield
      }) : () -> ()
      "tpu.region"() ({
        %run_scoped3A_333 = tpu.sem_alloc : memref<!tpu.dma_semaphore, #tpu.memory_space<semaphore_mem>>
        %dma_start3A_334 = arith.constant 0 : i32
        %dma_start3A_335 = tpu.memref_slice %arg5[%mul3A_13, %dma_start3A_334] : memref<800000x8xf32, #tpu.memory_space<hbm>> -> memref<1000x8xf32, #tpu.memory_space<hbm>>
        %dma_start3A_336 = arith.constant 0 : i32
        %dma_start3A_337 = tpu.memref_slice %arg5[%mul3A_13, %dma_start3A_336] : memref<800000x8xf32, #tpu.memory_space<hbm>> -> memref<1000x8xf32, #tpu.memory_space<hbm>>
        tpu.enqueue_dma source(%arg9 : memref<1000x8xf32, #tpu.memory_space<vmem>>) target(%dma_start3A_337 : memref<1000x8xf32, #tpu.memory_space<hbm>>) target_semaphore(%run_scoped3A_333 : memref<!tpu.dma_semaphore, #tpu.memory_space<semaphore_mem>>)
        %dma_wait3A_338 = arith.constant 0 : i32
        %dma_wait3A_339 = tpu.memref_slice %arg5[%mul3A_13, %dma_wait3A_338] : memref<800000x8xf32, #tpu.memory_space<hbm>> -> memref<1000x8xf32, #tpu.memory_space<hbm>>
        %dma_wait3A_340 = arith.constant 0 : i32
        %dma_wait3A_341 = tpu.memref_slice %arg5[%mul3A_13, %dma_wait3A_340] : memref<800000x8xf32, #tpu.memory_space<hbm>> -> memref<1000x8xf32, #tpu.memory_space<hbm>>
        tpu.wait_dma2 semaphore(%run_scoped3A_333 : memref<!tpu.dma_semaphore, #tpu.memory_space<semaphore_mem>>) src(%arg9 : memref<1000x8xf32, #tpu.memory_space<vmem>>) dst(%dma_wait3A_341 : memref<1000x8xf32, #tpu.memory_space<hbm>>)
        tpu.yield
      }) : () -> ()
    }
    %scan3A_5 = arith.constant 25 : i32
    return
  }
}

#map = affine_map<(d0, d1) -> (0, 0, 0)>
#map1 = affine_map<(d0, d1) -> (0, 0)>
module attributes {stable_mosaic.version = 14 : i64} {
  func.func @_scatter_body(%arg0: i32, %arg1: i32, %arg2: memref<2x6400x125xi32, #tpu.memory_space<hbm>>, %arg3: memref<800000x64xf32, #tpu.memory_space<hbm>>, %arg4: memref<3125x16xf32, #tpu.memory_space<hbm>>, %arg5: memref<50000x32xf32, #tpu.memory_space<hbm>>, %arg6: memref<8x125xi32, #tpu.memory_space<vmem>>, %arg7: memref<1000x16xf32, #tpu.memory_space<vmem>>, %arg8: memref<50000x16xf32, #tpu.memory_space<vmem_shared>>, %arg9: memref<!tpu.dma_semaphore, #tpu.memory_space<semaphore_mem>>) attributes {dimension_semantics = [#tpu.dimension_semantics<core_parallel>, #tpu.dimension_semantics<subcore_parallel>], iteration_bounds = array<i64: 2, 16>, scalar_prefetch = 0 : i64, scratch_operands = 4 : i64, tpu.core_type = #tpu.core_type<sc_vector_subcore>, window_params = [{transform_indices = #map}, {transform_indices = #map1}, {transform_indices = #map1}, {transform_indices = #map1}]} {
    %mul3A = arith.constant 3125 : i32
    %mul3A_0 = arith.muli %arg1, %mul3A : i32
    "tpu.region"() ({
      %run_scoped3A = tpu.sem_alloc : memref<!tpu.dma_semaphore, #tpu.memory_space<semaphore_mem>>
      %dma_start3A = arith.constant 0 : i32
      %dma_start3A_13 = tpu.memref_slice %arg8[%mul3A_0, %dma_start3A] : memref<50000x16xf32, #tpu.memory_space<vmem_shared>> -> memref<3125x16xf32, #tpu.memory_space<vmem_shared>>
      tpu.enqueue_dma source(%arg4 : memref<3125x16xf32, #tpu.memory_space<hbm>>) target(%dma_start3A_13 : memref<3125x16xf32, #tpu.memory_space<vmem_shared>>) target_semaphore(%run_scoped3A : memref<!tpu.dma_semaphore, #tpu.memory_space<semaphore_mem>>)
      %dma_wait3A = arith.constant 0 : i32
      %dma_wait3A_14 = tpu.memref_slice %arg8[%mul3A_0, %dma_wait3A] : memref<50000x16xf32, #tpu.memory_space<vmem_shared>> -> memref<3125x16xf32, #tpu.memory_space<vmem_shared>>
      tpu.wait_dma2 semaphore(%run_scoped3A : memref<!tpu.dma_semaphore, #tpu.memory_space<semaphore_mem>>) src(%arg4 : memref<3125x16xf32, #tpu.memory_space<hbm>>) dst(%dma_wait3A_14 : memref<3125x16xf32, #tpu.memory_space<vmem_shared>>)
      tpu.yield
    }) : () -> ()
    %barrier3A = arith.constant 0 : index
    tpu.barrier barrier_id(%barrier3A)
    %scan3A = arith.constant 0 : i32
    %scan3A_1 = arith.constant 0 : i32
    %scan3A_2 = arith.constant 50 : i32
    %scan3A_3 = arith.addi %scan3A_1, %scan3A_2 : i32
    %scan3A_4 = arith.constant 1 : i32
    scf.for %scan3A_13 = %scan3A_1 to %scan3A_3 step %scan3A_4  : i32 {
      %mul3A_14 = arith.constant 400 : i32
      %mul3A_15 = arith.muli %arg1, %mul3A_14 : i32
      %mul3A_16 = arith.constant 8 : i32
      %mul3A_17 = arith.muli %scan3A_13, %mul3A_16 : i32
      %add3A = arith.addi %mul3A_15, %mul3A_17 : i32
      %mul3A_18 = arith.constant 125 : i32
      %mul3A_19 = arith.muli %add3A, %mul3A_18 : i32
      %run_scoped3A = arith.constant 1 : i32
      "tpu.region"() ({
        %run_scoped3A_32 = tpu.sem_alloc : memref<!tpu.dma_semaphore, #tpu.memory_space<semaphore_mem>>
        %dma_start3A = arith.constant 0 : i32
        %dma_start3A_33 = tpu.memref_slice %arg2[%run_scoped3A, %add3A, %dma_start3A] : memref<2x6400x125xi32, #tpu.memory_space<hbm>> -> memref<1x8x125xi32, #tpu.memory_space<hbm>>
        %dma_start3A_34 = tpu.memref_squeeze %dma_start3A_33 : memref<1x8x125xi32, #tpu.memory_space<hbm>> -> memref<8x125xi32, #tpu.memory_space<hbm>>
        %dma_start3A_35 = arith.constant 0 : i32
        %dma_start3A_36 = tpu.memref_slice %arg2[%run_scoped3A, %add3A, %dma_start3A_35] : memref<2x6400x125xi32, #tpu.memory_space<hbm>> -> memref<1x8x125xi32, #tpu.memory_space<hbm>>
        %dma_start3A_37 = tpu.memref_squeeze %dma_start3A_36 : memref<1x8x125xi32, #tpu.memory_space<hbm>> -> memref<8x125xi32, #tpu.memory_space<hbm>>
        tpu.enqueue_dma source(%dma_start3A_37 : memref<8x125xi32, #tpu.memory_space<hbm>>) target(%arg6 : memref<8x125xi32, #tpu.memory_space<vmem>>) target_semaphore(%run_scoped3A_32 : memref<!tpu.dma_semaphore, #tpu.memory_space<semaphore_mem>>)
        %dma_wait3A = arith.constant 0 : i32
        %dma_wait3A_38 = tpu.memref_slice %arg2[%run_scoped3A, %add3A, %dma_wait3A] : memref<2x6400x125xi32, #tpu.memory_space<hbm>> -> memref<1x8x125xi32, #tpu.memory_space<hbm>>
        %dma_wait3A_39 = tpu.memref_squeeze %dma_wait3A_38 : memref<1x8x125xi32, #tpu.memory_space<hbm>> -> memref<8x125xi32, #tpu.memory_space<hbm>>
        %dma_wait3A_40 = arith.constant 0 : i32
        %dma_wait3A_41 = tpu.memref_slice %arg2[%run_scoped3A, %add3A, %dma_wait3A_40] : memref<2x6400x125xi32, #tpu.memory_space<hbm>> -> memref<1x8x125xi32, #tpu.memory_space<hbm>>
        %dma_wait3A_42 = tpu.memref_squeeze %dma_wait3A_41 : memref<1x8x125xi32, #tpu.memory_space<hbm>> -> memref<8x125xi32, #tpu.memory_space<hbm>>
        tpu.wait_dma2 semaphore(%run_scoped3A_32 : memref<!tpu.dma_semaphore, #tpu.memory_space<semaphore_mem>>) src(%dma_wait3A_42 : memref<8x125xi32, #tpu.memory_space<hbm>>) dst(%arg6 : memref<8x125xi32, #tpu.memory_space<vmem>>)
        tpu.yield
      }) : () -> ()
      %mul3A_20 = arith.constant 16 : i32
      %mul3A_21 = arith.muli %arg0, %mul3A_20 : i32
      %add3A_22 = arith.constant 0 : i32
      %add3A_23 = arith.addi %add3A_22, %mul3A_21 : i32
      "tpu.region"() ({
        %run_scoped3A_32 = tpu.sem_alloc : memref<!tpu.dma_semaphore, #tpu.memory_space<semaphore_mem>>
        %dma_start3A = tpu.memref_slice %arg3[%mul3A_19, %add3A_23] : memref<800000x64xf32, #tpu.memory_space<hbm>> -> memref<1000x16xf32, #tpu.memory_space<hbm>>
        %dma_start3A_33 = tpu.memref_slice %arg3[%mul3A_19, %add3A_23] : memref<800000x64xf32, #tpu.memory_space<hbm>> -> memref<1000x16xf32, #tpu.memory_space<hbm>>
        tpu.enqueue_dma source(%dma_start3A_33 : memref<1000x16xf32, #tpu.memory_space<hbm>>) target(%arg7 : memref<1000x16xf32, #tpu.memory_space<vmem>>) target_semaphore(%run_scoped3A_32 : memref<!tpu.dma_semaphore, #tpu.memory_space<semaphore_mem>>)
        %dma_wait3A = tpu.memref_slice %arg3[%mul3A_19, %add3A_23] : memref<800000x64xf32, #tpu.memory_space<hbm>> -> memref<1000x16xf32, #tpu.memory_space<hbm>>
        %dma_wait3A_34 = tpu.memref_slice %arg3[%mul3A_19, %add3A_23] : memref<800000x64xf32, #tpu.memory_space<hbm>> -> memref<1000x16xf32, #tpu.memory_space<hbm>>
        tpu.wait_dma2 semaphore(%run_scoped3A_32 : memref<!tpu.dma_semaphore, #tpu.memory_space<semaphore_mem>>) src(%dma_wait3A_34 : memref<1000x16xf32, #tpu.memory_space<hbm>>) dst(%arg7 : memref<1000x16xf32, #tpu.memory_space<vmem>>)
        tpu.yield
      }) : () -> ()
      %run_scoped3A_24 = arith.constant 0 : i32
      "tpu.region"() ({
        %run_scoped3A_32 = tpu.sem_alloc : memref<!tpu.dma_semaphore, #tpu.memory_space<semaphore_mem>>
        %dma_start3A = arith.constant 0 : i32
        %dma_start3A_33 = arith.constant 0 : i32
        %dma_start3A_34 = tpu.memref_slice %arg7[%dma_start3A, %dma_start3A_33] : memref<1000x16xf32, #tpu.memory_space<vmem>> -> memref<125x16xf32, #tpu.memory_space<vmem>>
        %dma_start3A_35 = arith.constant 0 : i32
        %dma_start3A_36 = tpu.memref_slice %arg6[%run_scoped3A_24, %dma_start3A_35] : memref<8x125xi32, #tpu.memory_space<vmem>> -> memref<1x125xi32, #tpu.memory_space<vmem>>
        %dma_start3A_37 = tpu.memref_squeeze %dma_start3A_36 : memref<1x125xi32, #tpu.memory_space<vmem>> -> memref<125xi32, #tpu.memory_space<vmem>>
        %dma_start3A_38 = arith.constant 0 : i32
        %dma_start3A_39 = arith.constant 0 : i32
        %dma_start3A_40 = tpu.memref_slice %arg8[%dma_start3A_38, %dma_start3A_39] : memref<50000x16xf32, #tpu.memory_space<vmem_shared>> -> memref<50000x16xf32, #tpu.memory_space<vmem_shared>>
        tpu.enqueue_indirect_dma source(%dma_start3A_34 : memref<125x16xf32, #tpu.memory_space<vmem>>) target(%dma_start3A_40 : memref<50000x16xf32, #tpu.memory_space<vmem_shared>>) offsets(%dma_start3A_37 : memref<125xi32, #tpu.memory_space<vmem>>) semaphore(%run_scoped3A_32 : memref<!tpu.dma_semaphore, #tpu.memory_space<semaphore_mem>>) {add = true}
        %dma_wait3A = arith.constant 0 : i32
        %dma_wait3A_41 = arith.constant 0 : i32
        %dma_wait3A_42 = tpu.memref_slice %arg7[%dma_wait3A, %dma_wait3A_41] : memref<1000x16xf32, #tpu.memory_space<vmem>> -> memref<125x16xf32, #tpu.memory_space<vmem>>
        %dma_wait3A_43 = arith.constant 0 : i32
        %dma_wait3A_44 = tpu.memref_slice %arg6[%run_scoped3A_24, %dma_wait3A_43] : memref<8x125xi32, #tpu.memory_space<vmem>> -> memref<1x125xi32, #tpu.memory_space<vmem>>
        %dma_wait3A_45 = tpu.memref_squeeze %dma_wait3A_44 : memref<1x125xi32, #tpu.memory_space<vmem>> -> memref<125xi32, #tpu.memory_space<vmem>>
        %dma_wait3A_46 = arith.constant 0 : i32
        %dma_wait3A_47 = arith.constant 0 : i32
        %dma_wait3A_48 = tpu.memref_slice %arg8[%dma_wait3A_46, %dma_wait3A_47] : memref<50000x16xf32, #tpu.memory_space<vmem_shared>> -> memref<50000x16xf32, #tpu.memory_space<vmem_shared>>
        tpu.wait_indirect_dma semaphore(%run_scoped3A_32 : memref<!tpu.dma_semaphore, #tpu.memory_space<semaphore_mem>>) src(%dma_wait3A_42 : memref<125x16xf32, #tpu.memory_space<vmem>>) dst(%dma_wait3A_48 : memref<50000x16xf32, #tpu.memory_space<vmem_shared>>)
        tpu.yield
      }) : () -> ()
      %run_scoped3A_25 = arith.constant 1 : i32
      "tpu.region"() ({
        %run_scoped3A_32 = tpu.sem_alloc : memref<!tpu.dma_semaphore, #tpu.memory_space<semaphore_mem>>
        %dma_start3A = arith.constant 125 : i32
        %dma_start3A_33 = arith.constant 0 : i32
        %dma_start3A_34 = tpu.memref_slice %arg7[%dma_start3A, %dma_start3A_33] : memref<1000x16xf32, #tpu.memory_space<vmem>> -> memref<125x16xf32, #tpu.memory_space<vmem>>
        %dma_start3A_35 = arith.constant 0 : i32
        %dma_start3A_36 = tpu.memref_slice %arg6[%run_scoped3A_25, %dma_start3A_35] : memref<8x125xi32, #tpu.memory_space<vmem>> -> memref<1x125xi32, #tpu.memory_space<vmem>>
        %dma_start3A_37 = tpu.memref_squeeze %dma_start3A_36 : memref<1x125xi32, #tpu.memory_space<vmem>> -> memref<125xi32, #tpu.memory_space<vmem>>
        %dma_start3A_38 = arith.constant 0 : i32
        %dma_start3A_39 = arith.constant 0 : i32
        %dma_start3A_40 = tpu.memref_slice %arg8[%dma_start3A_38, %dma_start3A_39] : memref<50000x16xf32, #tpu.memory_space<vmem_shared>> -> memref<50000x16xf32, #tpu.memory_space<vmem_shared>>
        tpu.enqueue_indirect_dma source(%dma_start3A_34 : memref<125x16xf32, #tpu.memory_space<vmem>>) target(%dma_start3A_40 : memref<50000x16xf32, #tpu.memory_space<vmem_shared>>) offsets(%dma_start3A_37 : memref<125xi32, #tpu.memory_space<vmem>>) semaphore(%run_scoped3A_32 : memref<!tpu.dma_semaphore, #tpu.memory_space<semaphore_mem>>) {add = true}
        %dma_wait3A = arith.constant 125 : i32
        %dma_wait3A_41 = arith.constant 0 : i32
        %dma_wait3A_42 = tpu.memref_slice %arg7[%dma_wait3A, %dma_wait3A_41] : memref<1000x16xf32, #tpu.memory_space<vmem>> -> memref<125x16xf32, #tpu.memory_space<vmem>>
        %dma_wait3A_43 = arith.constant 0 : i32
        %dma_wait3A_44 = tpu.memref_slice %arg6[%run_scoped3A_25, %dma_wait3A_43] : memref<8x125xi32, #tpu.memory_space<vmem>> -> memref<1x125xi32, #tpu.memory_space<vmem>>
        %dma_wait3A_45 = tpu.memref_squeeze %dma_wait3A_44 : memref<1x125xi32, #tpu.memory_space<vmem>> -> memref<125xi32, #tpu.memory_space<vmem>>
        %dma_wait3A_46 = arith.constant 0 : i32
        %dma_wait3A_47 = arith.constant 0 : i32
        %dma_wait3A_48 = tpu.memref_slice %arg8[%dma_wait3A_46, %dma_wait3A_47] : memref<50000x16xf32, #tpu.memory_space<vmem_shared>> -> memref<50000x16xf32, #tpu.memory_space<vmem_shared>>
        tpu.wait_indirect_dma semaphore(%run_scoped3A_32 : memref<!tpu.dma_semaphore, #tpu.memory_space<semaphore_mem>>) src(%dma_wait3A_42 : memref<125x16xf32, #tpu.memory_space<vmem>>) dst(%dma_wait3A_48 : memref<50000x16xf32, #tpu.memory_space<vmem_shared>>)
        tpu.yield
      }) : () -> ()
      %run_scoped3A_26 = arith.constant 2 : i32
      "tpu.region"() ({
        %run_scoped3A_32 = tpu.sem_alloc : memref<!tpu.dma_semaphore, #tpu.memory_space<semaphore_mem>>
        %dma_start3A = arith.constant 250 : i32
        %dma_start3A_33 = arith.constant 0 : i32
        %dma_start3A_34 = tpu.memref_slice %arg7[%dma_start3A, %dma_start3A_33] : memref<1000x16xf32, #tpu.memory_space<vmem>> -> memref<125x16xf32, #tpu.memory_space<vmem>>
        %dma_start3A_35 = arith.constant 0 : i32
        %dma_start3A_36 = tpu.memref_slice %arg6[%run_scoped3A_26, %dma_start3A_35] : memref<8x125xi32, #tpu.memory_space<vmem>> -> memref<1x125xi32, #tpu.memory_space<vmem>>
        %dma_start3A_37 = tpu.memref_squeeze %dma_start3A_36 : memref<1x125xi32, #tpu.memory_space<vmem>> -> memref<125xi32, #tpu.memory_space<vmem>>
        %dma_start3A_38 = arith.constant 0 : i32
        %dma_start3A_39 = arith.constant 0 : i32
        %dma_start3A_40 = tpu.memref_slice %arg8[%dma_start3A_38, %dma_start3A_39] : memref<50000x16xf32, #tpu.memory_space<vmem_shared>> -> memref<50000x16xf32, #tpu.memory_space<vmem_shared>>
        tpu.enqueue_indirect_dma source(%dma_start3A_34 : memref<125x16xf32, #tpu.memory_space<vmem>>) target(%dma_start3A_40 : memref<50000x16xf32, #tpu.memory_space<vmem_shared>>) offsets(%dma_start3A_37 : memref<125xi32, #tpu.memory_space<vmem>>) semaphore(%run_scoped3A_32 : memref<!tpu.dma_semaphore, #tpu.memory_space<semaphore_mem>>) {add = true}
        %dma_wait3A = arith.constant 250 : i32
        %dma_wait3A_41 = arith.constant 0 : i32
        %dma_wait3A_42 = tpu.memref_slice %arg7[%dma_wait3A, %dma_wait3A_41] : memref<1000x16xf32, #tpu.memory_space<vmem>> -> memref<125x16xf32, #tpu.memory_space<vmem>>
        %dma_wait3A_43 = arith.constant 0 : i32
        %dma_wait3A_44 = tpu.memref_slice %arg6[%run_scoped3A_26, %dma_wait3A_43] : memref<8x125xi32, #tpu.memory_space<vmem>> -> memref<1x125xi32, #tpu.memory_space<vmem>>
        %dma_wait3A_45 = tpu.memref_squeeze %dma_wait3A_44 : memref<1x125xi32, #tpu.memory_space<vmem>> -> memref<125xi32, #tpu.memory_space<vmem>>
        %dma_wait3A_46 = arith.constant 0 : i32
        %dma_wait3A_47 = arith.constant 0 : i32
        %dma_wait3A_48 = tpu.memref_slice %arg8[%dma_wait3A_46, %dma_wait3A_47] : memref<50000x16xf32, #tpu.memory_space<vmem_shared>> -> memref<50000x16xf32, #tpu.memory_space<vmem_shared>>
        tpu.wait_indirect_dma semaphore(%run_scoped3A_32 : memref<!tpu.dma_semaphore, #tpu.memory_space<semaphore_mem>>) src(%dma_wait3A_42 : memref<125x16xf32, #tpu.memory_space<vmem>>) dst(%dma_wait3A_48 : memref<50000x16xf32, #tpu.memory_space<vmem_shared>>)
        tpu.yield
      }) : () -> ()
      %run_scoped3A_27 = arith.constant 3 : i32
      "tpu.region"() ({
        %run_scoped3A_32 = tpu.sem_alloc : memref<!tpu.dma_semaphore, #tpu.memory_space<semaphore_mem>>
        %dma_start3A = arith.constant 375 : i32
        %dma_start3A_33 = arith.constant 0 : i32
        %dma_start3A_34 = tpu.memref_slice %arg7[%dma_start3A, %dma_start3A_33] : memref<1000x16xf32, #tpu.memory_space<vmem>> -> memref<125x16xf32, #tpu.memory_space<vmem>>
        %dma_start3A_35 = arith.constant 0 : i32
        %dma_start3A_36 = tpu.memref_slice %arg6[%run_scoped3A_27, %dma_start3A_35] : memref<8x125xi32, #tpu.memory_space<vmem>> -> memref<1x125xi32, #tpu.memory_space<vmem>>
        %dma_start3A_37 = tpu.memref_squeeze %dma_start3A_36 : memref<1x125xi32, #tpu.memory_space<vmem>> -> memref<125xi32, #tpu.memory_space<vmem>>
        %dma_start3A_38 = arith.constant 0 : i32
        %dma_start3A_39 = arith.constant 0 : i32
        %dma_start3A_40 = tpu.memref_slice %arg8[%dma_start3A_38, %dma_start3A_39] : memref<50000x16xf32, #tpu.memory_space<vmem_shared>> -> memref<50000x16xf32, #tpu.memory_space<vmem_shared>>
        tpu.enqueue_indirect_dma source(%dma_start3A_34 : memref<125x16xf32, #tpu.memory_space<vmem>>) target(%dma_start3A_40 : memref<50000x16xf32, #tpu.memory_space<vmem_shared>>) offsets(%dma_start3A_37 : memref<125xi32, #tpu.memory_space<vmem>>) semaphore(%run_scoped3A_32 : memref<!tpu.dma_semaphore, #tpu.memory_space<semaphore_mem>>) {add = true}
        %dma_wait3A = arith.constant 375 : i32
        %dma_wait3A_41 = arith.constant 0 : i32
        %dma_wait3A_42 = tpu.memref_slice %arg7[%dma_wait3A, %dma_wait3A_41] : memref<1000x16xf32, #tpu.memory_space<vmem>> -> memref<125x16xf32, #tpu.memory_space<vmem>>
        %dma_wait3A_43 = arith.constant 0 : i32
        %dma_wait3A_44 = tpu.memref_slice %arg6[%run_scoped3A_27, %dma_wait3A_43] : memref<8x125xi32, #tpu.memory_space<vmem>> -> memref<1x125xi32, #tpu.memory_space<vmem>>
        %dma_wait3A_45 = tpu.memref_squeeze %dma_wait3A_44 : memref<1x125xi32, #tpu.memory_space<vmem>> -> memref<125xi32, #tpu.memory_space<vmem>>
        %dma_wait3A_46 = arith.constant 0 : i32
        %dma_wait3A_47 = arith.constant 0 : i32
        %dma_wait3A_48 = tpu.memref_slice %arg8[%dma_wait3A_46, %dma_wait3A_47] : memref<50000x16xf32, #tpu.memory_space<vmem_shared>> -> memref<50000x16xf32, #tpu.memory_space<vmem_shared>>
        tpu.wait_indirect_dma semaphore(%run_scoped3A_32 : memref<!tpu.dma_semaphore, #tpu.memory_space<semaphore_mem>>) src(%dma_wait3A_42 : memref<125x16xf32, #tpu.memory_space<vmem>>) dst(%dma_wait3A_48 : memref<50000x16xf32, #tpu.memory_space<vmem_shared>>)
        tpu.yield
      }) : () -> ()
      %run_scoped3A_28 = arith.constant 4 : i32
      "tpu.region"() ({
        %run_scoped3A_32 = tpu.sem_alloc : memref<!tpu.dma_semaphore, #tpu.memory_space<semaphore_mem>>
        %dma_start3A = arith.constant 500 : i32
        %dma_start3A_33 = arith.constant 0 : i32
        %dma_start3A_34 = tpu.memref_slice %arg7[%dma_start3A, %dma_start3A_33] : memref<1000x16xf32, #tpu.memory_space<vmem>> -> memref<125x16xf32, #tpu.memory_space<vmem>>
        %dma_start3A_35 = arith.constant 0 : i32
        %dma_start3A_36 = tpu.memref_slice %arg6[%run_scoped3A_28, %dma_start3A_35] : memref<8x125xi32, #tpu.memory_space<vmem>> -> memref<1x125xi32, #tpu.memory_space<vmem>>
        %dma_start3A_37 = tpu.memref_squeeze %dma_start3A_36 : memref<1x125xi32, #tpu.memory_space<vmem>> -> memref<125xi32, #tpu.memory_space<vmem>>
        %dma_start3A_38 = arith.constant 0 : i32
        %dma_start3A_39 = arith.constant 0 : i32
        %dma_start3A_40 = tpu.memref_slice %arg8[%dma_start3A_38, %dma_start3A_39] : memref<50000x16xf32, #tpu.memory_space<vmem_shared>> -> memref<50000x16xf32, #tpu.memory_space<vmem_shared>>
        tpu.enqueue_indirect_dma source(%dma_start3A_34 : memref<125x16xf32, #tpu.memory_space<vmem>>) target(%dma_start3A_40 : memref<50000x16xf32, #tpu.memory_space<vmem_shared>>) offsets(%dma_start3A_37 : memref<125xi32, #tpu.memory_space<vmem>>) semaphore(%run_scoped3A_32 : memref<!tpu.dma_semaphore, #tpu.memory_space<semaphore_mem>>) {add = true}
        %dma_wait3A = arith.constant 500 : i32
        %dma_wait3A_41 = arith.constant 0 : i32
        %dma_wait3A_42 = tpu.memref_slice %arg7[%dma_wait3A, %dma_wait3A_41] : memref<1000x16xf32, #tpu.memory_space<vmem>> -> memref<125x16xf32, #tpu.memory_space<vmem>>
        %dma_wait3A_43 = arith.constant 0 : i32
        %dma_wait3A_44 = tpu.memref_slice %arg6[%run_scoped3A_28, %dma_wait3A_43] : memref<8x125xi32, #tpu.memory_space<vmem>> -> memref<1x125xi32, #tpu.memory_space<vmem>>
        %dma_wait3A_45 = tpu.memref_squeeze %dma_wait3A_44 : memref<1x125xi32, #tpu.memory_space<vmem>> -> memref<125xi32, #tpu.memory_space<vmem>>
        %dma_wait3A_46 = arith.constant 0 : i32
        %dma_wait3A_47 = arith.constant 0 : i32
        %dma_wait3A_48 = tpu.memref_slice %arg8[%dma_wait3A_46, %dma_wait3A_47] : memref<50000x16xf32, #tpu.memory_space<vmem_shared>> -> memref<50000x16xf32, #tpu.memory_space<vmem_shared>>
        tpu.wait_indirect_dma semaphore(%run_scoped3A_32 : memref<!tpu.dma_semaphore, #tpu.memory_space<semaphore_mem>>) src(%dma_wait3A_42 : memref<125x16xf32, #tpu.memory_space<vmem>>) dst(%dma_wait3A_48 : memref<50000x16xf32, #tpu.memory_space<vmem_shared>>)
        tpu.yield
      }) : () -> ()
      %run_scoped3A_29 = arith.constant 5 : i32
      "tpu.region"() ({
        %run_scoped3A_32 = tpu.sem_alloc : memref<!tpu.dma_semaphore, #tpu.memory_space<semaphore_mem>>
        %dma_start3A = arith.constant 625 : i32
        %dma_start3A_33 = arith.constant 0 : i32
        %dma_start3A_34 = tpu.memref_slice %arg7[%dma_start3A, %dma_start3A_33] : memref<1000x16xf32, #tpu.memory_space<vmem>> -> memref<125x16xf32, #tpu.memory_space<vmem>>
        %dma_start3A_35 = arith.constant 0 : i32
        %dma_start3A_36 = tpu.memref_slice %arg6[%run_scoped3A_29, %dma_start3A_35] : memref<8x125xi32, #tpu.memory_space<vmem>> -> memref<1x125xi32, #tpu.memory_space<vmem>>
        %dma_start3A_37 = tpu.memref_squeeze %dma_start3A_36 : memref<1x125xi32, #tpu.memory_space<vmem>> -> memref<125xi32, #tpu.memory_space<vmem>>
        %dma_start3A_38 = arith.constant 0 : i32
        %dma_start3A_39 = arith.constant 0 : i32
        %dma_start3A_40 = tpu.memref_slice %arg8[%dma_start3A_38, %dma_start3A_39] : memref<50000x16xf32, #tpu.memory_space<vmem_shared>> -> memref<50000x16xf32, #tpu.memory_space<vmem_shared>>
        tpu.enqueue_indirect_dma source(%dma_start3A_34 : memref<125x16xf32, #tpu.memory_space<vmem>>) target(%dma_start3A_40 : memref<50000x16xf32, #tpu.memory_space<vmem_shared>>) offsets(%dma_start3A_37 : memref<125xi32, #tpu.memory_space<vmem>>) semaphore(%run_scoped3A_32 : memref<!tpu.dma_semaphore, #tpu.memory_space<semaphore_mem>>) {add = true}
        %dma_wait3A = arith.constant 625 : i32
        %dma_wait3A_41 = arith.constant 0 : i32
        %dma_wait3A_42 = tpu.memref_slice %arg7[%dma_wait3A, %dma_wait3A_41] : memref<1000x16xf32, #tpu.memory_space<vmem>> -> memref<125x16xf32, #tpu.memory_space<vmem>>
        %dma_wait3A_43 = arith.constant 0 : i32
        %dma_wait3A_44 = tpu.memref_slice %arg6[%run_scoped3A_29, %dma_wait3A_43] : memref<8x125xi32, #tpu.memory_space<vmem>> -> memref<1x125xi32, #tpu.memory_space<vmem>>
        %dma_wait3A_45 = tpu.memref_squeeze %dma_wait3A_44 : memref<1x125xi32, #tpu.memory_space<vmem>> -> memref<125xi32, #tpu.memory_space<vmem>>
        %dma_wait3A_46 = arith.constant 0 : i32
        %dma_wait3A_47 = arith.constant 0 : i32
        %dma_wait3A_48 = tpu.memref_slice %arg8[%dma_wait3A_46, %dma_wait3A_47] : memref<50000x16xf32, #tpu.memory_space<vmem_shared>> -> memref<50000x16xf32, #tpu.memory_space<vmem_shared>>
        tpu.wait_indirect_dma semaphore(%run_scoped3A_32 : memref<!tpu.dma_semaphore, #tpu.memory_space<semaphore_mem>>) src(%dma_wait3A_42 : memref<125x16xf32, #tpu.memory_space<vmem>>) dst(%dma_wait3A_48 : memref<50000x16xf32, #tpu.memory_space<vmem_shared>>)
        tpu.yield
      }) : () -> ()
      %run_scoped3A_30 = arith.constant 6 : i32
      "tpu.region"() ({
        %run_scoped3A_32 = tpu.sem_alloc : memref<!tpu.dma_semaphore, #tpu.memory_space<semaphore_mem>>
        %dma_start3A = arith.constant 750 : i32
        %dma_start3A_33 = arith.constant 0 : i32
        %dma_start3A_34 = tpu.memref_slice %arg7[%dma_start3A, %dma_start3A_33] : memref<1000x16xf32, #tpu.memory_space<vmem>> -> memref<125x16xf32, #tpu.memory_space<vmem>>
        %dma_start3A_35 = arith.constant 0 : i32
        %dma_start3A_36 = tpu.memref_slice %arg6[%run_scoped3A_30, %dma_start3A_35] : memref<8x125xi32, #tpu.memory_space<vmem>> -> memref<1x125xi32, #tpu.memory_space<vmem>>
        %dma_start3A_37 = tpu.memref_squeeze %dma_start3A_36 : memref<1x125xi32, #tpu.memory_space<vmem>> -> memref<125xi32, #tpu.memory_space<vmem>>
        %dma_start3A_38 = arith.constant 0 : i32
        %dma_start3A_39 = arith.constant 0 : i32
        %dma_start3A_40 = tpu.memref_slice %arg8[%dma_start3A_38, %dma_start3A_39] : memref<50000x16xf32, #tpu.memory_space<vmem_shared>> -> memref<50000x16xf32, #tpu.memory_space<vmem_shared>>
        tpu.enqueue_indirect_dma source(%dma_start3A_34 : memref<125x16xf32, #tpu.memory_space<vmem>>) target(%dma_start3A_40 : memref<50000x16xf32, #tpu.memory_space<vmem_shared>>) offsets(%dma_start3A_37 : memref<125xi32, #tpu.memory_space<vmem>>) semaphore(%run_scoped3A_32 : memref<!tpu.dma_semaphore, #tpu.memory_space<semaphore_mem>>) {add = true}
        %dma_wait3A = arith.constant 750 : i32
        %dma_wait3A_41 = arith.constant 0 : i32
        %dma_wait3A_42 = tpu.memref_slice %arg7[%dma_wait3A, %dma_wait3A_41] : memref<1000x16xf32, #tpu.memory_space<vmem>> -> memref<125x16xf32, #tpu.memory_space<vmem>>
        %dma_wait3A_43 = arith.constant 0 : i32
        %dma_wait3A_44 = tpu.memref_slice %arg6[%run_scoped3A_30, %dma_wait3A_43] : memref<8x125xi32, #tpu.memory_space<vmem>> -> memref<1x125xi32, #tpu.memory_space<vmem>>
        %dma_wait3A_45 = tpu.memref_squeeze %dma_wait3A_44 : memref<1x125xi32, #tpu.memory_space<vmem>> -> memref<125xi32, #tpu.memory_space<vmem>>
        %dma_wait3A_46 = arith.constant 0 : i32
        %dma_wait3A_47 = arith.constant 0 : i32
        %dma_wait3A_48 = tpu.memref_slice %arg8[%dma_wait3A_46, %dma_wait3A_47] : memref<50000x16xf32, #tpu.memory_space<vmem_shared>> -> memref<50000x16xf32, #tpu.memory_space<vmem_shared>>
        tpu.wait_indirect_dma semaphore(%run_scoped3A_32 : memref<!tpu.dma_semaphore, #tpu.memory_space<semaphore_mem>>) src(%dma_wait3A_42 : memref<125x16xf32, #tpu.memory_space<vmem>>) dst(%dma_wait3A_48 : memref<50000x16xf32, #tpu.memory_space<vmem_shared>>)
        tpu.yield
      }) : () -> ()
      %run_scoped3A_31 = arith.constant 7 : i32
      "tpu.region"() ({
        %run_scoped3A_32 = tpu.sem_alloc : memref<!tpu.dma_semaphore, #tpu.memory_space<semaphore_mem>>
        %dma_start3A = arith.constant 875 : i32
        %dma_start3A_33 = arith.constant 0 : i32
        %dma_start3A_34 = tpu.memref_slice %arg7[%dma_start3A, %dma_start3A_33] : memref<1000x16xf32, #tpu.memory_space<vmem>> -> memref<125x16xf32, #tpu.memory_space<vmem>>
        %dma_start3A_35 = arith.constant 0 : i32
        %dma_start3A_36 = tpu.memref_slice %arg6[%run_scoped3A_31, %dma_start3A_35] : memref<8x125xi32, #tpu.memory_space<vmem>> -> memref<1x125xi32, #tpu.memory_space<vmem>>
        %dma_start3A_37 = tpu.memref_squeeze %dma_start3A_36 : memref<1x125xi32, #tpu.memory_space<vmem>> -> memref<125xi32, #tpu.memory_space<vmem>>
        %dma_start3A_38 = arith.constant 0 : i32
        %dma_start3A_39 = arith.constant 0 : i32
        %dma_start3A_40 = tpu.memref_slice %arg8[%dma_start3A_38, %dma_start3A_39] : memref<50000x16xf32, #tpu.memory_space<vmem_shared>> -> memref<50000x16xf32, #tpu.memory_space<vmem_shared>>
        tpu.enqueue_indirect_dma source(%dma_start3A_34 : memref<125x16xf32, #tpu.memory_space<vmem>>) target(%dma_start3A_40 : memref<50000x16xf32, #tpu.memory_space<vmem_shared>>) offsets(%dma_start3A_37 : memref<125xi32, #tpu.memory_space<vmem>>) semaphore(%run_scoped3A_32 : memref<!tpu.dma_semaphore, #tpu.memory_space<semaphore_mem>>) {add = true}
        %dma_wait3A = arith.constant 875 : i32
        %dma_wait3A_41 = arith.constant 0 : i32
        %dma_wait3A_42 = tpu.memref_slice %arg7[%dma_wait3A, %dma_wait3A_41] : memref<1000x16xf32, #tpu.memory_space<vmem>> -> memref<125x16xf32, #tpu.memory_space<vmem>>
        %dma_wait3A_43 = arith.constant 0 : i32
        %dma_wait3A_44 = tpu.memref_slice %arg6[%run_scoped3A_31, %dma_wait3A_43] : memref<8x125xi32, #tpu.memory_space<vmem>> -> memref<1x125xi32, #tpu.memory_space<vmem>>
        %dma_wait3A_45 = tpu.memref_squeeze %dma_wait3A_44 : memref<1x125xi32, #tpu.memory_space<vmem>> -> memref<125xi32, #tpu.memory_space<vmem>>
        %dma_wait3A_46 = arith.constant 0 : i32
        %dma_wait3A_47 = arith.constant 0 : i32
        %dma_wait3A_48 = tpu.memref_slice %arg8[%dma_wait3A_46, %dma_wait3A_47] : memref<50000x16xf32, #tpu.memory_space<vmem_shared>> -> memref<50000x16xf32, #tpu.memory_space<vmem_shared>>
        tpu.wait_indirect_dma semaphore(%run_scoped3A_32 : memref<!tpu.dma_semaphore, #tpu.memory_space<semaphore_mem>>) src(%dma_wait3A_42 : memref<125x16xf32, #tpu.memory_space<vmem>>) dst(%dma_wait3A_48 : memref<50000x16xf32, #tpu.memory_space<vmem_shared>>)
        tpu.yield
      }) : () -> ()
    }
    %scan3A_5 = arith.constant 50 : i32
    %barrier3A_6 = arith.constant 0 : index
    tpu.barrier barrier_id(%barrier3A_6)
    %mul3A_7 = arith.constant 3125 : i32
    %mul3A_8 = arith.muli %arg1, %mul3A_7 : i32
    %mul3A_9 = arith.constant 3125 : i32
    %mul3A_10 = arith.muli %arg1, %mul3A_9 : i32
    %mul3A_11 = arith.constant 16 : i32
    %mul3A_12 = arith.muli %arg0, %mul3A_11 : i32
    "tpu.region"() ({
      %run_scoped3A = tpu.sem_alloc : memref<!tpu.dma_semaphore, #tpu.memory_space<semaphore_mem>>
      %dma_start3A = tpu.memref_slice %arg5[%mul3A_10, %mul3A_12] : memref<50000x32xf32, #tpu.memory_space<hbm>> -> memref<3125x16xf32, #tpu.memory_space<hbm>>
      %dma_start3A_13 = arith.constant 0 : i32
      %dma_start3A_14 = tpu.memref_slice %arg8[%mul3A_8, %dma_start3A_13] : memref<50000x16xf32, #tpu.memory_space<vmem_shared>> -> memref<3125x16xf32, #tpu.memory_space<vmem_shared>>
      tpu.enqueue_dma source(%dma_start3A_14 : memref<3125x16xf32, #tpu.memory_space<vmem_shared>>) target(%dma_start3A : memref<3125x16xf32, #tpu.memory_space<hbm>>) target_semaphore(%run_scoped3A : memref<!tpu.dma_semaphore, #tpu.memory_space<semaphore_mem>>)
      %dma_wait3A = tpu.memref_slice %arg5[%mul3A_10, %mul3A_12] : memref<50000x32xf32, #tpu.memory_space<hbm>> -> memref<3125x16xf32, #tpu.memory_space<hbm>>
      %dma_wait3A_15 = arith.constant 0 : i32
      %dma_wait3A_16 = tpu.memref_slice %arg8[%mul3A_8, %dma_wait3A_15] : memref<50000x16xf32, #tpu.memory_space<vmem_shared>> -> memref<3125x16xf32, #tpu.memory_space<vmem_shared>>
      tpu.wait_dma2 semaphore(%run_scoped3A : memref<!tpu.dma_semaphore, #tpu.memory_space<semaphore_mem>>) src(%dma_wait3A_16 : memref<3125x16xf32, #tpu.memory_space<vmem_shared>>) dst(%dma_wait3A : memref<3125x16xf32, #tpu.memory_space<hbm>>)
      tpu.yield
    }) : () -> ()
    return
  }
}

#map = affine_map<(d0, d1) -> (0, 0, 0)>
#map1 = affine_map<(d0, d1) -> (0, 0)>
module attributes {stable_mosaic.version = 14 : i64} {
  func.func @_scatter_body(%arg0: i32, %arg1: i32, %arg2: memref<2x6400x125xi32, #tpu.memory_space<hbm>>, %arg3: memref<800000x64xf32, #tpu.memory_space<hbm>>, %arg4: memref<3125x16xf32, #tpu.memory_space<hbm>>, %arg5: memref<50000x32xf32, #tpu.memory_space<hbm>>, %arg6: memref<8x125xi32, #tpu.memory_space<vmem>>, %arg7: memref<1000x16xf32, #tpu.memory_space<vmem>>, %arg8: memref<50000x16xf32, #tpu.memory_space<vmem_shared>>, %arg9: memref<!tpu.dma_semaphore, #tpu.memory_space<semaphore_mem>>) attributes {dimension_semantics = [#tpu.dimension_semantics<core_parallel>, #tpu.dimension_semantics<subcore_parallel>], iteration_bounds = array<i64: 2, 16>, scalar_prefetch = 0 : i64, scratch_operands = 4 : i64, tpu.core_type = #tpu.core_type<sc_vector_subcore>, window_params = [{transform_indices = #map}, {transform_indices = #map1}, {transform_indices = #map1}, {transform_indices = #map1}]} {
    %mul3A = arith.constant 3125 : i32
    %mul3A_0 = arith.muli %arg1, %mul3A : i32
    "tpu.region"() ({
      %run_scoped3A = tpu.sem_alloc : memref<!tpu.dma_semaphore, #tpu.memory_space<semaphore_mem>>
      %dma_start3A = arith.constant 0 : i32
      %dma_start3A_13 = tpu.memref_slice %arg8[%mul3A_0, %dma_start3A] : memref<50000x16xf32, #tpu.memory_space<vmem_shared>> -> memref<3125x16xf32, #tpu.memory_space<vmem_shared>>
      tpu.enqueue_dma source(%arg4 : memref<3125x16xf32, #tpu.memory_space<hbm>>) target(%dma_start3A_13 : memref<3125x16xf32, #tpu.memory_space<vmem_shared>>) target_semaphore(%run_scoped3A : memref<!tpu.dma_semaphore, #tpu.memory_space<semaphore_mem>>)
      %dma_wait3A = arith.constant 0 : i32
      %dma_wait3A_14 = tpu.memref_slice %arg8[%mul3A_0, %dma_wait3A] : memref<50000x16xf32, #tpu.memory_space<vmem_shared>> -> memref<3125x16xf32, #tpu.memory_space<vmem_shared>>
      tpu.wait_dma2 semaphore(%run_scoped3A : memref<!tpu.dma_semaphore, #tpu.memory_space<semaphore_mem>>) src(%arg4 : memref<3125x16xf32, #tpu.memory_space<hbm>>) dst(%dma_wait3A_14 : memref<3125x16xf32, #tpu.memory_space<vmem_shared>>)
      tpu.yield
    }) : () -> ()
    %barrier3A = arith.constant 0 : index
    tpu.barrier barrier_id(%barrier3A)
    %scan3A = arith.constant 0 : i32
    %scan3A_1 = arith.constant 0 : i32
    %scan3A_2 = arith.constant 50 : i32
    %scan3A_3 = arith.addi %scan3A_1, %scan3A_2 : i32
    %scan3A_4 = arith.constant 1 : i32
    scf.for %scan3A_13 = %scan3A_1 to %scan3A_3 step %scan3A_4  : i32 {
      %mul3A_14 = arith.constant 400 : i32
      %mul3A_15 = arith.muli %arg1, %mul3A_14 : i32
      %mul3A_16 = arith.constant 8 : i32
      %mul3A_17 = arith.muli %scan3A_13, %mul3A_16 : i32
      %add3A = arith.addi %mul3A_15, %mul3A_17 : i32
      %mul3A_18 = arith.constant 125 : i32
      %mul3A_19 = arith.muli %add3A, %mul3A_18 : i32
      %run_scoped3A = arith.constant 1 : i32
      "tpu.region"() ({
        %run_scoped3A_32 = tpu.sem_alloc : memref<!tpu.dma_semaphore, #tpu.memory_space<semaphore_mem>>
        %dma_start3A = arith.constant 0 : i32
        %dma_start3A_33 = tpu.memref_slice %arg2[%run_scoped3A, %add3A, %dma_start3A] : memref<2x6400x125xi32, #tpu.memory_space<hbm>> -> memref<1x8x125xi32, #tpu.memory_space<hbm>>
        %dma_start3A_34 = tpu.memref_squeeze %dma_start3A_33 : memref<1x8x125xi32, #tpu.memory_space<hbm>> -> memref<8x125xi32, #tpu.memory_space<hbm>>
        %dma_start3A_35 = arith.constant 0 : i32
        %dma_start3A_36 = tpu.memref_slice %arg2[%run_scoped3A, %add3A, %dma_start3A_35] : memref<2x6400x125xi32, #tpu.memory_space<hbm>> -> memref<1x8x125xi32, #tpu.memory_space<hbm>>
        %dma_start3A_37 = tpu.memref_squeeze %dma_start3A_36 : memref<1x8x125xi32, #tpu.memory_space<hbm>> -> memref<8x125xi32, #tpu.memory_space<hbm>>
        tpu.enqueue_dma source(%dma_start3A_37 : memref<8x125xi32, #tpu.memory_space<hbm>>) target(%arg6 : memref<8x125xi32, #tpu.memory_space<vmem>>) target_semaphore(%run_scoped3A_32 : memref<!tpu.dma_semaphore, #tpu.memory_space<semaphore_mem>>)
        %dma_wait3A = arith.constant 0 : i32
        %dma_wait3A_38 = tpu.memref_slice %arg2[%run_scoped3A, %add3A, %dma_wait3A] : memref<2x6400x125xi32, #tpu.memory_space<hbm>> -> memref<1x8x125xi32, #tpu.memory_space<hbm>>
        %dma_wait3A_39 = tpu.memref_squeeze %dma_wait3A_38 : memref<1x8x125xi32, #tpu.memory_space<hbm>> -> memref<8x125xi32, #tpu.memory_space<hbm>>
        %dma_wait3A_40 = arith.constant 0 : i32
        %dma_wait3A_41 = tpu.memref_slice %arg2[%run_scoped3A, %add3A, %dma_wait3A_40] : memref<2x6400x125xi32, #tpu.memory_space<hbm>> -> memref<1x8x125xi32, #tpu.memory_space<hbm>>
        %dma_wait3A_42 = tpu.memref_squeeze %dma_wait3A_41 : memref<1x8x125xi32, #tpu.memory_space<hbm>> -> memref<8x125xi32, #tpu.memory_space<hbm>>
        tpu.wait_dma2 semaphore(%run_scoped3A_32 : memref<!tpu.dma_semaphore, #tpu.memory_space<semaphore_mem>>) src(%dma_wait3A_42 : memref<8x125xi32, #tpu.memory_space<hbm>>) dst(%arg6 : memref<8x125xi32, #tpu.memory_space<vmem>>)
        tpu.yield
      }) : () -> ()
      %mul3A_20 = arith.constant 16 : i32
      %mul3A_21 = arith.muli %arg0, %mul3A_20 : i32
      %add3A_22 = arith.constant 32 : i32
      %add3A_23 = arith.addi %add3A_22, %mul3A_21 : i32
      "tpu.region"() ({
        %run_scoped3A_32 = tpu.sem_alloc : memref<!tpu.dma_semaphore, #tpu.memory_space<semaphore_mem>>
        %dma_start3A = tpu.memref_slice %arg3[%mul3A_19, %add3A_23] : memref<800000x64xf32, #tpu.memory_space<hbm>> -> memref<1000x16xf32, #tpu.memory_space<hbm>>
        %dma_start3A_33 = tpu.memref_slice %arg3[%mul3A_19, %add3A_23] : memref<800000x64xf32, #tpu.memory_space<hbm>> -> memref<1000x16xf32, #tpu.memory_space<hbm>>
        tpu.enqueue_dma source(%dma_start3A_33 : memref<1000x16xf32, #tpu.memory_space<hbm>>) target(%arg7 : memref<1000x16xf32, #tpu.memory_space<vmem>>) target_semaphore(%run_scoped3A_32 : memref<!tpu.dma_semaphore, #tpu.memory_space<semaphore_mem>>)
        %dma_wait3A = tpu.memref_slice %arg3[%mul3A_19, %add3A_23] : memref<800000x64xf32, #tpu.memory_space<hbm>> -> memref<1000x16xf32, #tpu.memory_space<hbm>>
        %dma_wait3A_34 = tpu.memref_slice %arg3[%mul3A_19, %add3A_23] : memref<800000x64xf32, #tpu.memory_space<hbm>> -> memref<1000x16xf32, #tpu.memory_space<hbm>>
        tpu.wait_dma2 semaphore(%run_scoped3A_32 : memref<!tpu.dma_semaphore, #tpu.memory_space<semaphore_mem>>) src(%dma_wait3A_34 : memref<1000x16xf32, #tpu.memory_space<hbm>>) dst(%arg7 : memref<1000x16xf32, #tpu.memory_space<vmem>>)
        tpu.yield
      }) : () -> ()
      %run_scoped3A_24 = arith.constant 0 : i32
      "tpu.region"() ({
        %run_scoped3A_32 = tpu.sem_alloc : memref<!tpu.dma_semaphore, #tpu.memory_space<semaphore_mem>>
        %dma_start3A = arith.constant 0 : i32
        %dma_start3A_33 = arith.constant 0 : i32
        %dma_start3A_34 = tpu.memref_slice %arg7[%dma_start3A, %dma_start3A_33] : memref<1000x16xf32, #tpu.memory_space<vmem>> -> memref<125x16xf32, #tpu.memory_space<vmem>>
        %dma_start3A_35 = arith.constant 0 : i32
        %dma_start3A_36 = tpu.memref_slice %arg6[%run_scoped3A_24, %dma_start3A_35] : memref<8x125xi32, #tpu.memory_space<vmem>> -> memref<1x125xi32, #tpu.memory_space<vmem>>
        %dma_start3A_37 = tpu.memref_squeeze %dma_start3A_36 : memref<1x125xi32, #tpu.memory_space<vmem>> -> memref<125xi32, #tpu.memory_space<vmem>>
        %dma_start3A_38 = arith.constant 0 : i32
        %dma_start3A_39 = arith.constant 0 : i32
        %dma_start3A_40 = tpu.memref_slice %arg8[%dma_start3A_38, %dma_start3A_39] : memref<50000x16xf32, #tpu.memory_space<vmem_shared>> -> memref<50000x16xf32, #tpu.memory_space<vmem_shared>>
        tpu.enqueue_indirect_dma source(%dma_start3A_34 : memref<125x16xf32, #tpu.memory_space<vmem>>) target(%dma_start3A_40 : memref<50000x16xf32, #tpu.memory_space<vmem_shared>>) offsets(%dma_start3A_37 : memref<125xi32, #tpu.memory_space<vmem>>) semaphore(%run_scoped3A_32 : memref<!tpu.dma_semaphore, #tpu.memory_space<semaphore_mem>>) {add = true}
        %dma_wait3A = arith.constant 0 : i32
        %dma_wait3A_41 = arith.constant 0 : i32
        %dma_wait3A_42 = tpu.memref_slice %arg7[%dma_wait3A, %dma_wait3A_41] : memref<1000x16xf32, #tpu.memory_space<vmem>> -> memref<125x16xf32, #tpu.memory_space<vmem>>
        %dma_wait3A_43 = arith.constant 0 : i32
        %dma_wait3A_44 = tpu.memref_slice %arg6[%run_scoped3A_24, %dma_wait3A_43] : memref<8x125xi32, #tpu.memory_space<vmem>> -> memref<1x125xi32, #tpu.memory_space<vmem>>
        %dma_wait3A_45 = tpu.memref_squeeze %dma_wait3A_44 : memref<1x125xi32, #tpu.memory_space<vmem>> -> memref<125xi32, #tpu.memory_space<vmem>>
        %dma_wait3A_46 = arith.constant 0 : i32
        %dma_wait3A_47 = arith.constant 0 : i32
        %dma_wait3A_48 = tpu.memref_slice %arg8[%dma_wait3A_46, %dma_wait3A_47] : memref<50000x16xf32, #tpu.memory_space<vmem_shared>> -> memref<50000x16xf32, #tpu.memory_space<vmem_shared>>
        tpu.wait_indirect_dma semaphore(%run_scoped3A_32 : memref<!tpu.dma_semaphore, #tpu.memory_space<semaphore_mem>>) src(%dma_wait3A_42 : memref<125x16xf32, #tpu.memory_space<vmem>>) dst(%dma_wait3A_48 : memref<50000x16xf32, #tpu.memory_space<vmem_shared>>)
        tpu.yield
      }) : () -> ()
      %run_scoped3A_25 = arith.constant 1 : i32
      "tpu.region"() ({
        %run_scoped3A_32 = tpu.sem_alloc : memref<!tpu.dma_semaphore, #tpu.memory_space<semaphore_mem>>
        %dma_start3A = arith.constant 125 : i32
        %dma_start3A_33 = arith.constant 0 : i32
        %dma_start3A_34 = tpu.memref_slice %arg7[%dma_start3A, %dma_start3A_33] : memref<1000x16xf32, #tpu.memory_space<vmem>> -> memref<125x16xf32, #tpu.memory_space<vmem>>
        %dma_start3A_35 = arith.constant 0 : i32
        %dma_start3A_36 = tpu.memref_slice %arg6[%run_scoped3A_25, %dma_start3A_35] : memref<8x125xi32, #tpu.memory_space<vmem>> -> memref<1x125xi32, #tpu.memory_space<vmem>>
        %dma_start3A_37 = tpu.memref_squeeze %dma_start3A_36 : memref<1x125xi32, #tpu.memory_space<vmem>> -> memref<125xi32, #tpu.memory_space<vmem>>
        %dma_start3A_38 = arith.constant 0 : i32
        %dma_start3A_39 = arith.constant 0 : i32
        %dma_start3A_40 = tpu.memref_slice %arg8[%dma_start3A_38, %dma_start3A_39] : memref<50000x16xf32, #tpu.memory_space<vmem_shared>> -> memref<50000x16xf32, #tpu.memory_space<vmem_shared>>
        tpu.enqueue_indirect_dma source(%dma_start3A_34 : memref<125x16xf32, #tpu.memory_space<vmem>>) target(%dma_start3A_40 : memref<50000x16xf32, #tpu.memory_space<vmem_shared>>) offsets(%dma_start3A_37 : memref<125xi32, #tpu.memory_space<vmem>>) semaphore(%run_scoped3A_32 : memref<!tpu.dma_semaphore, #tpu.memory_space<semaphore_mem>>) {add = true}
        %dma_wait3A = arith.constant 125 : i32
        %dma_wait3A_41 = arith.constant 0 : i32
        %dma_wait3A_42 = tpu.memref_slice %arg7[%dma_wait3A, %dma_wait3A_41] : memref<1000x16xf32, #tpu.memory_space<vmem>> -> memref<125x16xf32, #tpu.memory_space<vmem>>
        %dma_wait3A_43 = arith.constant 0 : i32
        %dma_wait3A_44 = tpu.memref_slice %arg6[%run_scoped3A_25, %dma_wait3A_43] : memref<8x125xi32, #tpu.memory_space<vmem>> -> memref<1x125xi32, #tpu.memory_space<vmem>>
        %dma_wait3A_45 = tpu.memref_squeeze %dma_wait3A_44 : memref<1x125xi32, #tpu.memory_space<vmem>> -> memref<125xi32, #tpu.memory_space<vmem>>
        %dma_wait3A_46 = arith.constant 0 : i32
        %dma_wait3A_47 = arith.constant 0 : i32
        %dma_wait3A_48 = tpu.memref_slice %arg8[%dma_wait3A_46, %dma_wait3A_47] : memref<50000x16xf32, #tpu.memory_space<vmem_shared>> -> memref<50000x16xf32, #tpu.memory_space<vmem_shared>>
        tpu.wait_indirect_dma semaphore(%run_scoped3A_32 : memref<!tpu.dma_semaphore, #tpu.memory_space<semaphore_mem>>) src(%dma_wait3A_42 : memref<125x16xf32, #tpu.memory_space<vmem>>) dst(%dma_wait3A_48 : memref<50000x16xf32, #tpu.memory_space<vmem_shared>>)
        tpu.yield
      }) : () -> ()
      %run_scoped3A_26 = arith.constant 2 : i32
      "tpu.region"() ({
        %run_scoped3A_32 = tpu.sem_alloc : memref<!tpu.dma_semaphore, #tpu.memory_space<semaphore_mem>>
        %dma_start3A = arith.constant 250 : i32
        %dma_start3A_33 = arith.constant 0 : i32
        %dma_start3A_34 = tpu.memref_slice %arg7[%dma_start3A, %dma_start3A_33] : memref<1000x16xf32, #tpu.memory_space<vmem>> -> memref<125x16xf32, #tpu.memory_space<vmem>>
        %dma_start3A_35 = arith.constant 0 : i32
        %dma_start3A_36 = tpu.memref_slice %arg6[%run_scoped3A_26, %dma_start3A_35] : memref<8x125xi32, #tpu.memory_space<vmem>> -> memref<1x125xi32, #tpu.memory_space<vmem>>
        %dma_start3A_37 = tpu.memref_squeeze %dma_start3A_36 : memref<1x125xi32, #tpu.memory_space<vmem>> -> memref<125xi32, #tpu.memory_space<vmem>>
        %dma_start3A_38 = arith.constant 0 : i32
        %dma_start3A_39 = arith.constant 0 : i32
        %dma_start3A_40 = tpu.memref_slice %arg8[%dma_start3A_38, %dma_start3A_39] : memref<50000x16xf32, #tpu.memory_space<vmem_shared>> -> memref<50000x16xf32, #tpu.memory_space<vmem_shared>>
        tpu.enqueue_indirect_dma source(%dma_start3A_34 : memref<125x16xf32, #tpu.memory_space<vmem>>) target(%dma_start3A_40 : memref<50000x16xf32, #tpu.memory_space<vmem_shared>>) offsets(%dma_start3A_37 : memref<125xi32, #tpu.memory_space<vmem>>) semaphore(%run_scoped3A_32 : memref<!tpu.dma_semaphore, #tpu.memory_space<semaphore_mem>>) {add = true}
        %dma_wait3A = arith.constant 250 : i32
        %dma_wait3A_41 = arith.constant 0 : i32
        %dma_wait3A_42 = tpu.memref_slice %arg7[%dma_wait3A, %dma_wait3A_41] : memref<1000x16xf32, #tpu.memory_space<vmem>> -> memref<125x16xf32, #tpu.memory_space<vmem>>
        %dma_wait3A_43 = arith.constant 0 : i32
        %dma_wait3A_44 = tpu.memref_slice %arg6[%run_scoped3A_26, %dma_wait3A_43] : memref<8x125xi32, #tpu.memory_space<vmem>> -> memref<1x125xi32, #tpu.memory_space<vmem>>
        %dma_wait3A_45 = tpu.memref_squeeze %dma_wait3A_44 : memref<1x125xi32, #tpu.memory_space<vmem>> -> memref<125xi32, #tpu.memory_space<vmem>>
        %dma_wait3A_46 = arith.constant 0 : i32
        %dma_wait3A_47 = arith.constant 0 : i32
        %dma_wait3A_48 = tpu.memref_slice %arg8[%dma_wait3A_46, %dma_wait3A_47] : memref<50000x16xf32, #tpu.memory_space<vmem_shared>> -> memref<50000x16xf32, #tpu.memory_space<vmem_shared>>
        tpu.wait_indirect_dma semaphore(%run_scoped3A_32 : memref<!tpu.dma_semaphore, #tpu.memory_space<semaphore_mem>>) src(%dma_wait3A_42 : memref<125x16xf32, #tpu.memory_space<vmem>>) dst(%dma_wait3A_48 : memref<50000x16xf32, #tpu.memory_space<vmem_shared>>)
        tpu.yield
      }) : () -> ()
      %run_scoped3A_27 = arith.constant 3 : i32
      "tpu.region"() ({
        %run_scoped3A_32 = tpu.sem_alloc : memref<!tpu.dma_semaphore, #tpu.memory_space<semaphore_mem>>
        %dma_start3A = arith.constant 375 : i32
        %dma_start3A_33 = arith.constant 0 : i32
        %dma_start3A_34 = tpu.memref_slice %arg7[%dma_start3A, %dma_start3A_33] : memref<1000x16xf32, #tpu.memory_space<vmem>> -> memref<125x16xf32, #tpu.memory_space<vmem>>
        %dma_start3A_35 = arith.constant 0 : i32
        %dma_start3A_36 = tpu.memref_slice %arg6[%run_scoped3A_27, %dma_start3A_35] : memref<8x125xi32, #tpu.memory_space<vmem>> -> memref<1x125xi32, #tpu.memory_space<vmem>>
        %dma_start3A_37 = tpu.memref_squeeze %dma_start3A_36 : memref<1x125xi32, #tpu.memory_space<vmem>> -> memref<125xi32, #tpu.memory_space<vmem>>
        %dma_start3A_38 = arith.constant 0 : i32
        %dma_start3A_39 = arith.constant 0 : i32
        %dma_start3A_40 = tpu.memref_slice %arg8[%dma_start3A_38, %dma_start3A_39] : memref<50000x16xf32, #tpu.memory_space<vmem_shared>> -> memref<50000x16xf32, #tpu.memory_space<vmem_shared>>
        tpu.enqueue_indirect_dma source(%dma_start3A_34 : memref<125x16xf32, #tpu.memory_space<vmem>>) target(%dma_start3A_40 : memref<50000x16xf32, #tpu.memory_space<vmem_shared>>) offsets(%dma_start3A_37 : memref<125xi32, #tpu.memory_space<vmem>>) semaphore(%run_scoped3A_32 : memref<!tpu.dma_semaphore, #tpu.memory_space<semaphore_mem>>) {add = true}
        %dma_wait3A = arith.constant 375 : i32
        %dma_wait3A_41 = arith.constant 0 : i32
        %dma_wait3A_42 = tpu.memref_slice %arg7[%dma_wait3A, %dma_wait3A_41] : memref<1000x16xf32, #tpu.memory_space<vmem>> -> memref<125x16xf32, #tpu.memory_space<vmem>>
        %dma_wait3A_43 = arith.constant 0 : i32
        %dma_wait3A_44 = tpu.memref_slice %arg6[%run_scoped3A_27, %dma_wait3A_43] : memref<8x125xi32, #tpu.memory_space<vmem>> -> memref<1x125xi32, #tpu.memory_space<vmem>>
        %dma_wait3A_45 = tpu.memref_squeeze %dma_wait3A_44 : memref<1x125xi32, #tpu.memory_space<vmem>> -> memref<125xi32, #tpu.memory_space<vmem>>
        %dma_wait3A_46 = arith.constant 0 : i32
        %dma_wait3A_47 = arith.constant 0 : i32
        %dma_wait3A_48 = tpu.memref_slice %arg8[%dma_wait3A_46, %dma_wait3A_47] : memref<50000x16xf32, #tpu.memory_space<vmem_shared>> -> memref<50000x16xf32, #tpu.memory_space<vmem_shared>>
        tpu.wait_indirect_dma semaphore(%run_scoped3A_32 : memref<!tpu.dma_semaphore, #tpu.memory_space<semaphore_mem>>) src(%dma_wait3A_42 : memref<125x16xf32, #tpu.memory_space<vmem>>) dst(%dma_wait3A_48 : memref<50000x16xf32, #tpu.memory_space<vmem_shared>>)
        tpu.yield
      }) : () -> ()
      %run_scoped3A_28 = arith.constant 4 : i32
      "tpu.region"() ({
        %run_scoped3A_32 = tpu.sem_alloc : memref<!tpu.dma_semaphore, #tpu.memory_space<semaphore_mem>>
        %dma_start3A = arith.constant 500 : i32
        %dma_start3A_33 = arith.constant 0 : i32
        %dma_start3A_34 = tpu.memref_slice %arg7[%dma_start3A, %dma_start3A_33] : memref<1000x16xf32, #tpu.memory_space<vmem>> -> memref<125x16xf32, #tpu.memory_space<vmem>>
        %dma_start3A_35 = arith.constant 0 : i32
        %dma_start3A_36 = tpu.memref_slice %arg6[%run_scoped3A_28, %dma_start3A_35] : memref<8x125xi32, #tpu.memory_space<vmem>> -> memref<1x125xi32, #tpu.memory_space<vmem>>
        %dma_start3A_37 = tpu.memref_squeeze %dma_start3A_36 : memref<1x125xi32, #tpu.memory_space<vmem>> -> memref<125xi32, #tpu.memory_space<vmem>>
        %dma_start3A_38 = arith.constant 0 : i32
        %dma_start3A_39 = arith.constant 0 : i32
        %dma_start3A_40 = tpu.memref_slice %arg8[%dma_start3A_38, %dma_start3A_39] : memref<50000x16xf32, #tpu.memory_space<vmem_shared>> -> memref<50000x16xf32, #tpu.memory_space<vmem_shared>>
        tpu.enqueue_indirect_dma source(%dma_start3A_34 : memref<125x16xf32, #tpu.memory_space<vmem>>) target(%dma_start3A_40 : memref<50000x16xf32, #tpu.memory_space<vmem_shared>>) offsets(%dma_start3A_37 : memref<125xi32, #tpu.memory_space<vmem>>) semaphore(%run_scoped3A_32 : memref<!tpu.dma_semaphore, #tpu.memory_space<semaphore_mem>>) {add = true}
        %dma_wait3A = arith.constant 500 : i32
        %dma_wait3A_41 = arith.constant 0 : i32
        %dma_wait3A_42 = tpu.memref_slice %arg7[%dma_wait3A, %dma_wait3A_41] : memref<1000x16xf32, #tpu.memory_space<vmem>> -> memref<125x16xf32, #tpu.memory_space<vmem>>
        %dma_wait3A_43 = arith.constant 0 : i32
        %dma_wait3A_44 = tpu.memref_slice %arg6[%run_scoped3A_28, %dma_wait3A_43] : memref<8x125xi32, #tpu.memory_space<vmem>> -> memref<1x125xi32, #tpu.memory_space<vmem>>
        %dma_wait3A_45 = tpu.memref_squeeze %dma_wait3A_44 : memref<1x125xi32, #tpu.memory_space<vmem>> -> memref<125xi32, #tpu.memory_space<vmem>>
        %dma_wait3A_46 = arith.constant 0 : i32
        %dma_wait3A_47 = arith.constant 0 : i32
        %dma_wait3A_48 = tpu.memref_slice %arg8[%dma_wait3A_46, %dma_wait3A_47] : memref<50000x16xf32, #tpu.memory_space<vmem_shared>> -> memref<50000x16xf32, #tpu.memory_space<vmem_shared>>
        tpu.wait_indirect_dma semaphore(%run_scoped3A_32 : memref<!tpu.dma_semaphore, #tpu.memory_space<semaphore_mem>>) src(%dma_wait3A_42 : memref<125x16xf32, #tpu.memory_space<vmem>>) dst(%dma_wait3A_48 : memref<50000x16xf32, #tpu.memory_space<vmem_shared>>)
        tpu.yield
      }) : () -> ()
      %run_scoped3A_29 = arith.constant 5 : i32
      "tpu.region"() ({
        %run_scoped3A_32 = tpu.sem_alloc : memref<!tpu.dma_semaphore, #tpu.memory_space<semaphore_mem>>
        %dma_start3A = arith.constant 625 : i32
        %dma_start3A_33 = arith.constant 0 : i32
        %dma_start3A_34 = tpu.memref_slice %arg7[%dma_start3A, %dma_start3A_33] : memref<1000x16xf32, #tpu.memory_space<vmem>> -> memref<125x16xf32, #tpu.memory_space<vmem>>
        %dma_start3A_35 = arith.constant 0 : i32
        %dma_start3A_36 = tpu.memref_slice %arg6[%run_scoped3A_29, %dma_start3A_35] : memref<8x125xi32, #tpu.memory_space<vmem>> -> memref<1x125xi32, #tpu.memory_space<vmem>>
        %dma_start3A_37 = tpu.memref_squeeze %dma_start3A_36 : memref<1x125xi32, #tpu.memory_space<vmem>> -> memref<125xi32, #tpu.memory_space<vmem>>
        %dma_start3A_38 = arith.constant 0 : i32
        %dma_start3A_39 = arith.constant 0 : i32
        %dma_start3A_40 = tpu.memref_slice %arg8[%dma_start3A_38, %dma_start3A_39] : memref<50000x16xf32, #tpu.memory_space<vmem_shared>> -> memref<50000x16xf32, #tpu.memory_space<vmem_shared>>
        tpu.enqueue_indirect_dma source(%dma_start3A_34 : memref<125x16xf32, #tpu.memory_space<vmem>>) target(%dma_start3A_40 : memref<50000x16xf32, #tpu.memory_space<vmem_shared>>) offsets(%dma_start3A_37 : memref<125xi32, #tpu.memory_space<vmem>>) semaphore(%run_scoped3A_32 : memref<!tpu.dma_semaphore, #tpu.memory_space<semaphore_mem>>) {add = true}
        %dma_wait3A = arith.constant 625 : i32
        %dma_wait3A_41 = arith.constant 0 : i32
        %dma_wait3A_42 = tpu.memref_slice %arg7[%dma_wait3A, %dma_wait3A_41] : memref<1000x16xf32, #tpu.memory_space<vmem>> -> memref<125x16xf32, #tpu.memory_space<vmem>>
        %dma_wait3A_43 = arith.constant 0 : i32
        %dma_wait3A_44 = tpu.memref_slice %arg6[%run_scoped3A_29, %dma_wait3A_43] : memref<8x125xi32, #tpu.memory_space<vmem>> -> memref<1x125xi32, #tpu.memory_space<vmem>>
        %dma_wait3A_45 = tpu.memref_squeeze %dma_wait3A_44 : memref<1x125xi32, #tpu.memory_space<vmem>> -> memref<125xi32, #tpu.memory_space<vmem>>
        %dma_wait3A_46 = arith.constant 0 : i32
        %dma_wait3A_47 = arith.constant 0 : i32
        %dma_wait3A_48 = tpu.memref_slice %arg8[%dma_wait3A_46, %dma_wait3A_47] : memref<50000x16xf32, #tpu.memory_space<vmem_shared>> -> memref<50000x16xf32, #tpu.memory_space<vmem_shared>>
        tpu.wait_indirect_dma semaphore(%run_scoped3A_32 : memref<!tpu.dma_semaphore, #tpu.memory_space<semaphore_mem>>) src(%dma_wait3A_42 : memref<125x16xf32, #tpu.memory_space<vmem>>) dst(%dma_wait3A_48 : memref<50000x16xf32, #tpu.memory_space<vmem_shared>>)
        tpu.yield
      }) : () -> ()
      %run_scoped3A_30 = arith.constant 6 : i32
      "tpu.region"() ({
        %run_scoped3A_32 = tpu.sem_alloc : memref<!tpu.dma_semaphore, #tpu.memory_space<semaphore_mem>>
        %dma_start3A = arith.constant 750 : i32
        %dma_start3A_33 = arith.constant 0 : i32
        %dma_start3A_34 = tpu.memref_slice %arg7[%dma_start3A, %dma_start3A_33] : memref<1000x16xf32, #tpu.memory_space<vmem>> -> memref<125x16xf32, #tpu.memory_space<vmem>>
        %dma_start3A_35 = arith.constant 0 : i32
        %dma_start3A_36 = tpu.memref_slice %arg6[%run_scoped3A_30, %dma_start3A_35] : memref<8x125xi32, #tpu.memory_space<vmem>> -> memref<1x125xi32, #tpu.memory_space<vmem>>
        %dma_start3A_37 = tpu.memref_squeeze %dma_start3A_36 : memref<1x125xi32, #tpu.memory_space<vmem>> -> memref<125xi32, #tpu.memory_space<vmem>>
        %dma_start3A_38 = arith.constant 0 : i32
        %dma_start3A_39 = arith.constant 0 : i32
        %dma_start3A_40 = tpu.memref_slice %arg8[%dma_start3A_38, %dma_start3A_39] : memref<50000x16xf32, #tpu.memory_space<vmem_shared>> -> memref<50000x16xf32, #tpu.memory_space<vmem_shared>>
        tpu.enqueue_indirect_dma source(%dma_start3A_34 : memref<125x16xf32, #tpu.memory_space<vmem>>) target(%dma_start3A_40 : memref<50000x16xf32, #tpu.memory_space<vmem_shared>>) offsets(%dma_start3A_37 : memref<125xi32, #tpu.memory_space<vmem>>) semaphore(%run_scoped3A_32 : memref<!tpu.dma_semaphore, #tpu.memory_space<semaphore_mem>>) {add = true}
        %dma_wait3A = arith.constant 750 : i32
        %dma_wait3A_41 = arith.constant 0 : i32
        %dma_wait3A_42 = tpu.memref_slice %arg7[%dma_wait3A, %dma_wait3A_41] : memref<1000x16xf32, #tpu.memory_space<vmem>> -> memref<125x16xf32, #tpu.memory_space<vmem>>
        %dma_wait3A_43 = arith.constant 0 : i32
        %dma_wait3A_44 = tpu.memref_slice %arg6[%run_scoped3A_30, %dma_wait3A_43] : memref<8x125xi32, #tpu.memory_space<vmem>> -> memref<1x125xi32, #tpu.memory_space<vmem>>
        %dma_wait3A_45 = tpu.memref_squeeze %dma_wait3A_44 : memref<1x125xi32, #tpu.memory_space<vmem>> -> memref<125xi32, #tpu.memory_space<vmem>>
        %dma_wait3A_46 = arith.constant 0 : i32
        %dma_wait3A_47 = arith.constant 0 : i32
        %dma_wait3A_48 = tpu.memref_slice %arg8[%dma_wait3A_46, %dma_wait3A_47] : memref<50000x16xf32, #tpu.memory_space<vmem_shared>> -> memref<50000x16xf32, #tpu.memory_space<vmem_shared>>
        tpu.wait_indirect_dma semaphore(%run_scoped3A_32 : memref<!tpu.dma_semaphore, #tpu.memory_space<semaphore_mem>>) src(%dma_wait3A_42 : memref<125x16xf32, #tpu.memory_space<vmem>>) dst(%dma_wait3A_48 : memref<50000x16xf32, #tpu.memory_space<vmem_shared>>)
        tpu.yield
      }) : () -> ()
      %run_scoped3A_31 = arith.constant 7 : i32
      "tpu.region"() ({
        %run_scoped3A_32 = tpu.sem_alloc : memref<!tpu.dma_semaphore, #tpu.memory_space<semaphore_mem>>
        %dma_start3A = arith.constant 875 : i32
        %dma_start3A_33 = arith.constant 0 : i32
        %dma_start3A_34 = tpu.memref_slice %arg7[%dma_start3A, %dma_start3A_33] : memref<1000x16xf32, #tpu.memory_space<vmem>> -> memref<125x16xf32, #tpu.memory_space<vmem>>
        %dma_start3A_35 = arith.constant 0 : i32
        %dma_start3A_36 = tpu.memref_slice %arg6[%run_scoped3A_31, %dma_start3A_35] : memref<8x125xi32, #tpu.memory_space<vmem>> -> memref<1x125xi32, #tpu.memory_space<vmem>>
        %dma_start3A_37 = tpu.memref_squeeze %dma_start3A_36 : memref<1x125xi32, #tpu.memory_space<vmem>> -> memref<125xi32, #tpu.memory_space<vmem>>
        %dma_start3A_38 = arith.constant 0 : i32
        %dma_start3A_39 = arith.constant 0 : i32
        %dma_start3A_40 = tpu.memref_slice %arg8[%dma_start3A_38, %dma_start3A_39] : memref<50000x16xf32, #tpu.memory_space<vmem_shared>> -> memref<50000x16xf32, #tpu.memory_space<vmem_shared>>
        tpu.enqueue_indirect_dma source(%dma_start3A_34 : memref<125x16xf32, #tpu.memory_space<vmem>>) target(%dma_start3A_40 : memref<50000x16xf32, #tpu.memory_space<vmem_shared>>) offsets(%dma_start3A_37 : memref<125xi32, #tpu.memory_space<vmem>>) semaphore(%run_scoped3A_32 : memref<!tpu.dma_semaphore, #tpu.memory_space<semaphore_mem>>) {add = true}
        %dma_wait3A = arith.constant 875 : i32
        %dma_wait3A_41 = arith.constant 0 : i32
        %dma_wait3A_42 = tpu.memref_slice %arg7[%dma_wait3A, %dma_wait3A_41] : memref<1000x16xf32, #tpu.memory_space<vmem>> -> memref<125x16xf32, #tpu.memory_space<vmem>>
        %dma_wait3A_43 = arith.constant 0 : i32
        %dma_wait3A_44 = tpu.memref_slice %arg6[%run_scoped3A_31, %dma_wait3A_43] : memref<8x125xi32, #tpu.memory_space<vmem>> -> memref<1x125xi32, #tpu.memory_space<vmem>>
        %dma_wait3A_45 = tpu.memref_squeeze %dma_wait3A_44 : memref<1x125xi32, #tpu.memory_space<vmem>> -> memref<125xi32, #tpu.memory_space<vmem>>
        %dma_wait3A_46 = arith.constant 0 : i32
        %dma_wait3A_47 = arith.constant 0 : i32
        %dma_wait3A_48 = tpu.memref_slice %arg8[%dma_wait3A_46, %dma_wait3A_47] : memref<50000x16xf32, #tpu.memory_space<vmem_shared>> -> memref<50000x16xf32, #tpu.memory_space<vmem_shared>>
        tpu.wait_indirect_dma semaphore(%run_scoped3A_32 : memref<!tpu.dma_semaphore, #tpu.memory_space<semaphore_mem>>) src(%dma_wait3A_42 : memref<125x16xf32, #tpu.memory_space<vmem>>) dst(%dma_wait3A_48 : memref<50000x16xf32, #tpu.memory_space<vmem_shared>>)
        tpu.yield
      }) : () -> ()
    }
    %scan3A_5 = arith.constant 50 : i32
    %barrier3A_6 = arith.constant 0 : index
    tpu.barrier barrier_id(%barrier3A_6)
    %mul3A_7 = arith.constant 3125 : i32
    %mul3A_8 = arith.muli %arg1, %mul3A_7 : i32
    %mul3A_9 = arith.constant 3125 : i32
    %mul3A_10 = arith.muli %arg1, %mul3A_9 : i32
    %mul3A_11 = arith.constant 16 : i32
    %mul3A_12 = arith.muli %arg0, %mul3A_11 : i32
    "tpu.region"() ({
      %run_scoped3A = tpu.sem_alloc : memref<!tpu.dma_semaphore, #tpu.memory_space<semaphore_mem>>
      %dma_start3A = tpu.memref_slice %arg5[%mul3A_10, %mul3A_12] : memref<50000x32xf32, #tpu.memory_space<hbm>> -> memref<3125x16xf32, #tpu.memory_space<hbm>>
      %dma_start3A_13 = arith.constant 0 : i32
      %dma_start3A_14 = tpu.memref_slice %arg8[%mul3A_8, %dma_start3A_13] : memref<50000x16xf32, #tpu.memory_space<vmem_shared>> -> memref<3125x16xf32, #tpu.memory_space<vmem_shared>>
      tpu.enqueue_dma source(%dma_start3A_14 : memref<3125x16xf32, #tpu.memory_space<vmem_shared>>) target(%dma_start3A : memref<3125x16xf32, #tpu.memory_space<hbm>>) target_semaphore(%run_scoped3A : memref<!tpu.dma_semaphore, #tpu.memory_space<semaphore_mem>>)
      %dma_wait3A = tpu.memref_slice %arg5[%mul3A_10, %mul3A_12] : memref<50000x32xf32, #tpu.memory_space<hbm>> -> memref<3125x16xf32, #tpu.memory_space<hbm>>
      %dma_wait3A_15 = arith.constant 0 : i32
      %dma_wait3A_16 = tpu.memref_slice %arg8[%mul3A_8, %dma_wait3A_15] : memref<50000x16xf32, #tpu.memory_space<vmem_shared>> -> memref<3125x16xf32, #tpu.memory_space<vmem_shared>>
      tpu.wait_dma2 semaphore(%run_scoped3A : memref<!tpu.dma_semaphore, #tpu.memory_space<semaphore_mem>>) src(%dma_wait3A_16 : memref<3125x16xf32, #tpu.memory_space<vmem_shared>>) dst(%dma_wait3A : memref<3125x16xf32, #tpu.memory_space<hbm>>)
      tpu.yield
    }) : () -> ()
    return
  }
}

module attributes {stable_mosaic.version = 14 : i64} {
  func.func @_node_prep_body(%arg0: i32, %arg1: memref<2000x2xf32, #tpu.memory_space<vmem>>, %arg2: memref<2000x2xf32, #tpu.memory_space<vmem>>, %arg3: memref<2000x1xi32, #tpu.memory_space<vmem>>, %arg4: memref<3x16xf32, #tpu.memory_space<vmem>>, %arg5: memref<4x32xf32, #tpu.memory_space<vmem>>, %arg6: memref<16x32xf32, #tpu.memory_space<vmem>>, %arg7: memref<32xf32, #tpu.memory_space<vmem>>, %arg8: memref<32x32xf32, #tpu.memory_space<vmem>>, %arg9: memref<32xf32, #tpu.memory_space<vmem>>, %arg10: memref<32x2xf32, #tpu.memory_space<vmem>>, %arg11: memref<2xf32, #tpu.memory_space<vmem>>, %arg12: memref<2000x8xf32, #tpu.memory_space<vmem>>, %arg13: memref<2000x2xf32, #tpu.memory_space<vmem>>) attributes {dimension_semantics = [#tpu.dimension_semantics<arbitrary>], iteration_bounds = array<i64: 25>, scalar_prefetch = 0 : i64, scratch_operands = 0 : i64, tpu.core_type = #tpu.core_type<tc>, window_params = [{transform_indices = @transform_0, window_bounds = array<i64: 2000, 2>}, {transform_indices = @transform_1, window_bounds = array<i64: 2000, 2>}, {transform_indices = @transform_2, window_bounds = array<i64: 2000, 1>}, {pipeline_mode = #tpu.pipeline_mode<synchronous>, transform_indices = @transform_3, window_bounds = array<i64: 3, 16>}, {pipeline_mode = #tpu.pipeline_mode<synchronous>, transform_indices = @transform_4, window_bounds = array<i64: 4, 32>}, {pipeline_mode = #tpu.pipeline_mode<synchronous>, transform_indices = @transform_5, window_bounds = array<i64: 16, 32>}, {pipeline_mode = #tpu.pipeline_mode<synchronous>, transform_indices = @transform_6, window_bounds = array<i64: 32>}, {pipeline_mode = #tpu.pipeline_mode<synchronous>, transform_indices = @transform_7, window_bounds = array<i64: 32, 32>}, {pipeline_mode = #tpu.pipeline_mode<synchronous>, transform_indices = @transform_8, window_bounds = array<i64: 32>}, {pipeline_mode = #tpu.pipeline_mode<synchronous>, transform_indices = @transform_9, window_bounds = array<i64: 32, 2>}, {pipeline_mode = #tpu.pipeline_mode<synchronous>, transform_indices = @transform_10, window_bounds = array<i64: 2>}, {transform_indices = @transform_11, window_bounds = array<i64: 2000, 8>}, {transform_indices = @transform_12, window_bounds = array<i64: 2000, 2>}]} {
    %get3A = arith.constant 0 : index
    %get3A_0 = arith.constant 0 : index
    %get3A_1 = vector.load %arg1[%get3A, %get3A_0] : memref<2000x2xf32, #tpu.memory_space<vmem>>, vector<2000x1xf32>
    %get3A_2 = arith.constant 0 : index
    %get3A_3 = arith.constant 1 : index
    %get3A_4 = vector.load %arg1[%get3A_2, %get3A_3] : memref<2000x2xf32, #tpu.memory_space<vmem>>, vector<2000x1xf32>
    %get3A_5 = arith.constant 0 : index
    %get3A_6 = arith.constant 0 : index
    %get3A_7 = vector.load %arg2[%get3A_5, %get3A_6] : memref<2000x2xf32, #tpu.memory_space<vmem>>, vector<2000x1xf32>
    %get3A_8 = arith.constant 0 : index
    %get3A_9 = arith.constant 1 : index
    %get3A_10 = vector.load %arg2[%get3A_8, %get3A_9] : memref<2000x2xf32, #tpu.memory_space<vmem>>, vector<2000x1xf32>
    %mul3A = arith.mulf %get3A_7, %get3A_7 : vector<2000x1xf32>
    %mul3A_11 = arith.mulf %get3A_10, %get3A_10 : vector<2000x1xf32>
    %add3A = arith.addf %mul3A, %mul3A_11 : vector<2000x1xf32>
    %max3A = arith.constant 1.000000e-30 : f32
    %max3A_12 = vector.broadcast %max3A : f32 to vector<2000x1xf32>
    %max3A_13 = arith.maximumf %add3A, %max3A_12 : vector<2000x1xf32>
    %rsqrt3A = math.rsqrt %max3A_13 : vector<2000x1xf32>
    %mul3A_14 = arith.mulf %get3A_7, %rsqrt3A : vector<2000x1xf32>
    %mul3A_15 = arith.mulf %get3A_10, %rsqrt3A : vector<2000x1xf32>
    %mul3A_16 = arith.mulf %mul3A_14, %get3A_7 : vector<2000x1xf32>
    %mul3A_17 = arith.mulf %mul3A_15, %get3A_10 : vector<2000x1xf32>
    %add3A_18 = arith.addf %mul3A_16, %mul3A_17 : vector<2000x1xf32>
    %mul3A_19 = arith.mulf %mul3A_14, %get3A_10 : vector<2000x1xf32>
    %mul3A_20 = arith.mulf %mul3A_15, %get3A_7 : vector<2000x1xf32>
    %sub3A = arith.subf %mul3A_19, %mul3A_20 : vector<2000x1xf32>
    %add3A_21 = arith.constant 9.99999993E-9 : f32
    %add3A_22 = vector.broadcast %add3A_21 : f32 to vector<2000x1xf32>
    %add3A_23 = arith.addf %add3A, %add3A_22 : vector<2000x1xf32>
    %sqrt3A = math.sqrt %add3A_23 : vector<2000x1xf32>
    %get3A_24 = arith.constant 0 : index
    %get3A_25 = arith.constant 0 : index
    %get3A_26 = vector.load %arg3[%get3A_24, %get3A_25] : memref<2000x1xi32, #tpu.memory_space<vmem>>, vector<2000x1xi32>
    %add3A_27 = arith.constant 1 : i32
    %add3A_28 = vector.broadcast %add3A_27 : i32 to vector<2000x1xi32>
    %add3A_29 = arith.addi %get3A_26, %add3A_28 : vector<2000x1xi32>
    %jit3A = arith.constant 0 : i32
    %jit3A_30 = arith.constant 2 : i32
    %max3A_31 = vector.broadcast %jit3A : i32 to vector<2000x1xi32>
    %max3A_32 = arith.maxsi %max3A_31, %add3A_29 : vector<2000x1xi32>
    %min3A = vector.broadcast %jit3A_30 : i32 to vector<2000x1xi32>
    %min3A_33 = arith.minsi %min3A, %max3A_32 : vector<2000x1xi32>
    %get3A_34 = arith.constant 0 : index
    %get3A_35 = arith.constant 0 : index
    %get3A_36 = vector.load %arg4[%get3A_34, %get3A_35] : memref<3x16xf32, #tpu.memory_space<vmem>>, vector<3x16xf32>
    %eq3A = arith.constant 0 : i32
    %eq3A_37 = vector.broadcast %eq3A : i32 to vector<2000x1xi32>
    %eq3A_38 = arith.cmpi eq, %min3A_33, %eq3A_37 : vector<2000x1xi32>
    %convert_element_type3A = arith.extui %eq3A_38 : vector<2000x1xi1> to vector<2000x1xi32>
    %convert_element_type3A_39 = arith.sitofp %convert_element_type3A : vector<2000x1xi32> to vector<2000x1xf32>
    %slice3A = vector.extract_strided_slice %get3A_36 {offsets = [0, 0], sizes = [1, 16], strides = [1, 1]} : vector<3x16xf32> to vector<1x16xf32>
    %mul3A_40 = vector.broadcast %convert_element_type3A_39 : vector<2000x1xf32> to vector<2000x16xf32>
    %mul3A_41 = vector.broadcast %slice3A : vector<1x16xf32> to vector<2000x16xf32>
    %mul3A_42 = arith.mulf %mul3A_40, %mul3A_41 : vector<2000x16xf32>
    %eq3A_43 = arith.constant 1 : i32
    %eq3A_44 = vector.broadcast %eq3A_43 : i32 to vector<2000x1xi32>
    %eq3A_45 = arith.cmpi eq, %min3A_33, %eq3A_44 : vector<2000x1xi32>
    %convert_element_type3A_46 = arith.extui %eq3A_45 : vector<2000x1xi1> to vector<2000x1xi32>
    %convert_element_type3A_47 = arith.sitofp %convert_element_type3A_46 : vector<2000x1xi32> to vector<2000x1xf32>
    %slice3A_48 = vector.extract_strided_slice %get3A_36 {offsets = [1, 0], sizes = [1, 16], strides = [1, 1]} : vector<3x16xf32> to vector<1x16xf32>
    %mul3A_49 = vector.broadcast %convert_element_type3A_47 : vector<2000x1xf32> to vector<2000x16xf32>
    %mul3A_50 = vector.broadcast %slice3A_48 : vector<1x16xf32> to vector<2000x16xf32>
    %mul3A_51 = arith.mulf %mul3A_49, %mul3A_50 : vector<2000x16xf32>
    %add3A_52 = arith.addf %mul3A_42, %mul3A_51 : vector<2000x16xf32>
    %eq3A_53 = arith.constant 2 : i32
    %eq3A_54 = vector.broadcast %eq3A_53 : i32 to vector<2000x1xi32>
    %eq3A_55 = arith.cmpi eq, %min3A_33, %eq3A_54 : vector<2000x1xi32>
    %convert_element_type3A_56 = arith.extui %eq3A_55 : vector<2000x1xi1> to vector<2000x1xi32>
    %convert_element_type3A_57 = arith.sitofp %convert_element_type3A_56 : vector<2000x1xi32> to vector<2000x1xf32>
    %slice3A_58 = vector.extract_strided_slice %get3A_36 {offsets = [2, 0], sizes = [1, 16], strides = [1, 1]} : vector<3x16xf32> to vector<1x16xf32>
    %mul3A_59 = vector.broadcast %convert_element_type3A_57 : vector<2000x1xf32> to vector<2000x16xf32>
    %mul3A_60 = vector.broadcast %slice3A_58 : vector<1x16xf32> to vector<2000x16xf32>
    %mul3A_61 = arith.mulf %mul3A_59, %mul3A_60 : vector<2000x16xf32>
    %add3A_62 = arith.addf %add3A_52, %mul3A_61 : vector<2000x16xf32>
    %get3A_63 = arith.constant 0 : index
    %get3A_64 = arith.constant 0 : index
    %get3A_65 = vector.load %arg5[%get3A_63, %get3A_64] : memref<4x32xf32, #tpu.memory_space<vmem>>, vector<4x32xf32>
    %get3A_66 = arith.constant 0 : index
    %get3A_67 = vector.load %arg7[%get3A_66] : memref<32xf32, #tpu.memory_space<vmem>>, vector<32xf32>
    %slice3A_68 = vector.extract_strided_slice %get3A_65 {offsets = [0, 0], sizes = [1, 32], strides = [1, 1]} : vector<4x32xf32> to vector<1x32xf32>
    %mul3A_69 = vector.broadcast %get3A_1 : vector<2000x1xf32> to vector<2000x32xf32>
    %mul3A_70 = vector.broadcast %slice3A_68 : vector<1x32xf32> to vector<2000x32xf32>
    %mul3A_71 = arith.mulf %mul3A_69, %mul3A_70 : vector<2000x32xf32>
    %broadcast_in_dim3A = vector.shape_cast %get3A_67 : vector<32xf32> to vector<1x32xf32>
    %add3A_72 = vector.broadcast %broadcast_in_dim3A : vector<1x32xf32> to vector<2000x32xf32>
    %add3A_73 = arith.addf %add3A_72, %mul3A_71 : vector<2000x32xf32>
    %slice3A_74 = vector.extract_strided_slice %get3A_65 {offsets = [1, 0], sizes = [1, 32], strides = [1, 1]} : vector<4x32xf32> to vector<1x32xf32>
    %mul3A_75 = vector.broadcast %get3A_4 : vector<2000x1xf32> to vector<2000x32xf32>
    %mul3A_76 = vector.broadcast %slice3A_74 : vector<1x32xf32> to vector<2000x32xf32>
    %mul3A_77 = arith.mulf %mul3A_75, %mul3A_76 : vector<2000x32xf32>
    %add3A_78 = arith.addf %add3A_73, %mul3A_77 : vector<2000x32xf32>
    %slice3A_79 = vector.extract_strided_slice %get3A_65 {offsets = [2, 0], sizes = [1, 32], strides = [1, 1]} : vector<4x32xf32> to vector<1x32xf32>
    %mul3A_80 = vector.broadcast %get3A_7 : vector<2000x1xf32> to vector<2000x32xf32>
    %mul3A_81 = vector.broadcast %slice3A_79 : vector<1x32xf32> to vector<2000x32xf32>
    %mul3A_82 = arith.mulf %mul3A_80, %mul3A_81 : vector<2000x32xf32>
    %add3A_83 = arith.addf %add3A_78, %mul3A_82 : vector<2000x32xf32>
    %slice3A_84 = vector.extract_strided_slice %get3A_65 {offsets = [3, 0], sizes = [1, 32], strides = [1, 1]} : vector<4x32xf32> to vector<1x32xf32>
    %mul3A_85 = vector.broadcast %get3A_10 : vector<2000x1xf32> to vector<2000x32xf32>
    %mul3A_86 = vector.broadcast %slice3A_84 : vector<1x32xf32> to vector<2000x32xf32>
    %mul3A_87 = arith.mulf %mul3A_85, %mul3A_86 : vector<2000x32xf32>
    %add3A_88 = arith.addf %add3A_83, %mul3A_87 : vector<2000x32xf32>
    %get3A_89 = arith.constant 0 : index
    %get3A_90 = arith.constant 0 : index
    %get3A_91 = vector.load %arg6[%get3A_89, %get3A_90] : memref<16x32xf32, #tpu.memory_space<vmem>>, vector<16x32xf32>
    %dot_general3A = arith.constant dense<0.000000e+00> : vector<2000x32xf32>
    %dot_general3A_92 = tpu.matmul %add3A_62, %get3A_91, %dot_general3A {dimension_numbers = #tpu.dot_dimension_numbers<[1], [0], [0], [1], [0, 0, 1, 1], [], []>, precision = #tpu.contract_precision<fp32>, transpose_lhs_hint = false} : vector<2000x16xf32>, vector<16x32xf32>, vector<2000x32xf32> -> vector<2000x32xf32>
    %add3A_93 = arith.addf %add3A_88, %dot_general3A_92 : vector<2000x32xf32>
    %logistic3A = arith.negf %add3A_93 : vector<2000x32xf32>
    %logistic3A_94 = math.exp %logistic3A : vector<2000x32xf32>
    %logistic3A_95 = arith.constant 1.000000e+00 : f32
    %logistic3A_96 = vector.broadcast %logistic3A_95 : f32 to vector<2000x32xf32>
    %logistic3A_97 = arith.addf %logistic3A_96, %logistic3A_94 : vector<2000x32xf32>
    %logistic3A_98 = arith.divf %logistic3A_96, %logistic3A_97 : vector<2000x32xf32>
    %mul3A_99 = arith.mulf %add3A_93, %logistic3A_98 : vector<2000x32xf32>
    %get3A_100 = arith.constant 0 : index
    %get3A_101 = arith.constant 0 : index
    %get3A_102 = vector.load %arg8[%get3A_100, %get3A_101] : memref<32x32xf32, #tpu.memory_space<vmem>>, vector<32x32xf32>
    %dot_general3A_103 = arith.constant dense<0.000000e+00> : vector<2000x32xf32>
    %dot_general3A_104 = tpu.matmul %mul3A_99, %get3A_102, %dot_general3A_103 {dimension_numbers = #tpu.dot_dimension_numbers<[1], [0], [0], [1], [0, 0, 1, 1], [], []>, precision = #tpu.contract_precision<fp32>, transpose_lhs_hint = false} : vector<2000x32xf32>, vector<32x32xf32>, vector<2000x32xf32> -> vector<2000x32xf32>
    %get3A_105 = arith.constant 0 : index
    %get3A_106 = vector.load %arg9[%get3A_105] : memref<32xf32, #tpu.memory_space<vmem>>, vector<32xf32>
    %broadcast_in_dim3A_107 = vector.shape_cast %get3A_106 : vector<32xf32> to vector<1x32xf32>
    %add3A_108 = vector.broadcast %broadcast_in_dim3A_107 : vector<1x32xf32> to vector<2000x32xf32>
    %add3A_109 = arith.addf %dot_general3A_104, %add3A_108 : vector<2000x32xf32>
    %logistic3A_110 = arith.negf %add3A_109 : vector<2000x32xf32>
    %logistic3A_111 = math.exp %logistic3A_110 : vector<2000x32xf32>
    %logistic3A_112 = arith.constant 1.000000e+00 : f32
    %logistic3A_113 = vector.broadcast %logistic3A_112 : f32 to vector<2000x32xf32>
    %logistic3A_114 = arith.addf %logistic3A_113, %logistic3A_111 : vector<2000x32xf32>
    %logistic3A_115 = arith.divf %logistic3A_113, %logistic3A_114 : vector<2000x32xf32>
    %mul3A_116 = arith.mulf %add3A_109, %logistic3A_115 : vector<2000x32xf32>
    %get3A_117 = arith.constant 0 : index
    %get3A_118 = arith.constant 0 : index
    %get3A_119 = vector.load %arg10[%get3A_117, %get3A_118] : memref<32x2xf32, #tpu.memory_space<vmem>>, vector<32x2xf32>
    %dot_general3A_120 = arith.constant dense<0.000000e+00> : vector<2000x2xf32>
    %dot_general3A_121 = tpu.matmul %mul3A_116, %get3A_119, %dot_general3A_120 {dimension_numbers = #tpu.dot_dimension_numbers<[1], [0], [0], [1], [0, 0, 1, 1], [], []>, precision = #tpu.contract_precision<fp32>, transpose_lhs_hint = false} : vector<2000x32xf32>, vector<32x2xf32>, vector<2000x2xf32> -> vector<2000x2xf32>
    %get3A_122 = arith.constant 0 : index
    %get3A_123 = vector.load %arg11[%get3A_122] : memref<2xf32, #tpu.memory_space<vmem>>, vector<2xf32>
    %broadcast_in_dim3A_124 = vector.shape_cast %get3A_123 : vector<2xf32> to vector<1x2xf32>
    %add3A_125 = vector.broadcast %broadcast_in_dim3A_124 : vector<1x2xf32> to vector<2000x2xf32>
    %add3A_126 = arith.addf %dot_general3A_121, %add3A_125 : vector<2000x2xf32>
    %broadcast_in_dim3A_127 = arith.constant 0.000000e+00 : f32
    %broadcast_in_dim3A_128 = vector.broadcast %broadcast_in_dim3A_127 : f32 to vector<2000x1xf32>
    %concatenate3A = tpu.concatenate %get3A_1, %get3A_4, %add3A_18, %sub3A, %sqrt3A, %mul3A_14, %mul3A_15, %broadcast_in_dim3A_128 in 1 : vector<2000x1xf32>, vector<2000x1xf32>, vector<2000x1xf32>, vector<2000x1xf32>, vector<2000x1xf32>, vector<2000x1xf32>, vector<2000x1xf32>, vector<2000x1xf32> -> vector<2000x8xf32>
    %swap3A = arith.constant 0 : index
    %swap3A_129 = arith.constant 0 : index
    %swap3A_130 = vector.load %arg12[%swap3A, %swap3A_129] : memref<2000x8xf32, #tpu.memory_space<vmem>>, vector<2000x8xf32>
    tpu.vector_store %arg12[%swap3A, %swap3A_129], %concatenate3A {strides = array<i32>} : memref<2000x8xf32, #tpu.memory_space<vmem>>, vector<2000x8xf32>,
    %swap3A_131 = arith.constant 0 : index
    %swap3A_132 = arith.constant 0 : index
    %swap3A_133 = vector.load %arg13[%swap3A_131, %swap3A_132] : memref<2000x2xf32, #tpu.memory_space<vmem>>, vector<2000x2xf32>
    tpu.vector_store %arg13[%swap3A_131, %swap3A_132], %add3A_126 {strides = array<i32>} : memref<2000x2xf32, #tpu.memory_space<vmem>>, vector<2000x2xf32>,
    return
  }
  func.func @transform_0(%arg0: i32) -> (i32, i32) {
    %c0_i32 = arith.constant 0 : i32
    %c0_i32_0 = arith.constant 0 : i32
    return %arg0, %c0_i32 : i32, i32
  }
  func.func @transform_1(%arg0: i32) -> (i32, i32) {
    %c0_i32 = arith.constant 0 : i32
    %c0_i32_0 = arith.constant 0 : i32
    return %arg0, %c0_i32 : i32, i32
  }
  func.func @transform_2(%arg0: i32) -> (i32, i32) {
    %c0_i32 = arith.constant 0 : i32
    %c0_i32_0 = arith.constant 0 : i32
    return %arg0, %c0_i32 : i32, i32
  }
  func.func @transform_3(%arg0: i32) -> (i32, i32) {
    %c0_i32 = arith.constant 0 : i32
    %c0_i32_0 = arith.constant 0 : i32
    %c0_i32_1 = arith.constant 0 : i32
    return %c0_i32, %c0_i32_0 : i32, i32
  }
  func.func @transform_4(%arg0: i32) -> (i32, i32) {
    %c0_i32 = arith.constant 0 : i32
    %c0_i32_0 = arith.constant 0 : i32
    %c0_i32_1 = arith.constant 0 : i32
    return %c0_i32, %c0_i32_0 : i32, i32
  }
  func.func @transform_5(%arg0: i32) -> (i32, i32) {
    %c0_i32 = arith.constant 0 : i32
    %c0_i32_0 = arith.constant 0 : i32
    %c0_i32_1 = arith.constant 0 : i32
    return %c0_i32, %c0_i32_0 : i32, i32
  }
  func.func @transform_6(%arg0: i32) -> i32 {
    %c0_i32 = arith.constant 0 : i32
    %c0_i32_0 = arith.constant 0 : i32
    return %c0_i32 : i32
  }
  func.func @transform_7(%arg0: i32) -> (i32, i32) {
    %c0_i32 = arith.constant 0 : i32
    %c0_i32_0 = arith.constant 0 : i32
    %c0_i32_1 = arith.constant 0 : i32
    return %c0_i32, %c0_i32_0 : i32, i32
  }
  func.func @transform_8(%arg0: i32) -> i32 {
    %c0_i32 = arith.constant 0 : i32
    %c0_i32_0 = arith.constant 0 : i32
    return %c0_i32 : i32
  }
  func.func @transform_9(%arg0: i32) -> (i32, i32) {
    %c0_i32 = arith.constant 0 : i32
    %c0_i32_0 = arith.constant 0 : i32
    %c0_i32_1 = arith.constant 0 : i32
    return %c0_i32, %c0_i32_0 : i32, i32
  }
  func.func @transform_10(%arg0: i32) -> i32 {
    %c0_i32 = arith.constant 0 : i32
    %c0_i32_0 = arith.constant 0 : i32
    return %c0_i32 : i32
  }
  func.func @transform_11(%arg0: i32) -> (i32, i32) {
    %c0_i32 = arith.constant 0 : i32
    %c0_i32_0 = arith.constant 0 : i32
    return %arg0, %c0_i32 : i32, i32
  }
  func.func @transform_12(%arg0: i32) -> (i32, i32) {
    %c0_i32 = arith.constant 0 : i32
    %c0_i32_0 = arith.constant 0 : i32
    return %arg0, %c0_i32 : i32, i32
  }
}

module attributes {stable_mosaic.version = 14 : i64} {
  func.func @_edge_body(%arg0: i32, %arg1: memref<2000x8xf32, #tpu.memory_space<vmem>>, %arg2: memref<2000x8xf32, #tpu.memory_space<vmem>>, %arg3: memref<2000x4xf32, #tpu.memory_space<vmem>>, %arg4: memref<64x13xf32, #tpu.memory_space<vmem>>, %arg5: memref<64x1xf32, #tpu.memory_space<vmem>>, %arg6: memref<64x64xf32, #tpu.memory_space<vmem>>, %arg7: memref<64x1xf32, #tpu.memory_space<vmem>>, %arg8: memref<2000x64xf32, #tpu.memory_space<vmem>>) attributes {dimension_semantics = [#tpu.dimension_semantics<arbitrary>], iteration_bounds = array<i64: 400>, scalar_prefetch = 0 : i64, scratch_operands = 0 : i64, tpu.core_type = #tpu.core_type<tc>, window_params = [{transform_indices = @transform_0, window_bounds = array<i64: 2000, 8>}, {transform_indices = @transform_1, window_bounds = array<i64: 2000, 8>}, {transform_indices = @transform_2, window_bounds = array<i64: 2000, 4>}, {pipeline_mode = #tpu.pipeline_mode<synchronous>, transform_indices = @transform_3, window_bounds = array<i64: 64, 13>}, {pipeline_mode = #tpu.pipeline_mode<synchronous>, transform_indices = @transform_4, window_bounds = array<i64: 64, 1>}, {pipeline_mode = #tpu.pipeline_mode<synchronous>, transform_indices = @transform_5, window_bounds = array<i64: 64, 64>}, {pipeline_mode = #tpu.pipeline_mode<synchronous>, transform_indices = @transform_6, window_bounds = array<i64: 64, 1>}, {transform_indices = @transform_7, window_bounds = array<i64: 2000, 64>}]} {
    %get3A = arith.constant 0 : index
    %get3A_0 = arith.constant 0 : index
    %get3A_1 = vector.load %arg1[%get3A, %get3A_0] : memref<2000x8xf32, #tpu.memory_space<vmem>>, vector<2000x8xf32>
    %transpose3A = tpu.transpose %get3A_1, [1, 0] : vector<2000x8xf32> -> vector<8x2000xf32>
    %get3A_2 = arith.constant 0 : index
    %get3A_3 = arith.constant 0 : index
    %get3A_4 = vector.load %arg2[%get3A_2, %get3A_3] : memref<2000x8xf32, #tpu.memory_space<vmem>>, vector<2000x8xf32>
    %transpose3A_5 = tpu.transpose %get3A_4, [1, 0] : vector<2000x8xf32> -> vector<8x2000xf32>
    %get3A_6 = arith.constant 0 : index
    %get3A_7 = arith.constant 0 : index
    %get3A_8 = vector.load %arg3[%get3A_6, %get3A_7] : memref<2000x4xf32, #tpu.memory_space<vmem>>, vector<2000x4xf32>
    %transpose3A_9 = tpu.transpose %get3A_8, [1, 0] : vector<2000x4xf32> -> vector<4x2000xf32>
    %slice3A = vector.extract_strided_slice %transpose3A {offsets = [0, 0], sizes = [1, 2000], strides = [1, 1]} : vector<8x2000xf32> to vector<1x2000xf32>
    %slice3A_10 = vector.extract_strided_slice %transpose3A_5 {offsets = [0, 0], sizes = [1, 2000], strides = [1, 1]} : vector<8x2000xf32> to vector<1x2000xf32>
    %sub3A = arith.subf %slice3A, %slice3A_10 : vector<1x2000xf32>
    %slice3A_11 = vector.extract_strided_slice %transpose3A {offsets = [1, 0], sizes = [1, 2000], strides = [1, 1]} : vector<8x2000xf32> to vector<1x2000xf32>
    %slice3A_12 = vector.extract_strided_slice %transpose3A_5 {offsets = [1, 0], sizes = [1, 2000], strides = [1, 1]} : vector<8x2000xf32> to vector<1x2000xf32>
    %sub3A_13 = arith.subf %slice3A_11, %slice3A_12 : vector<1x2000xf32>
    %slice3A_14 = vector.extract_strided_slice %transpose3A_5 {offsets = [5, 0], sizes = [1, 2000], strides = [1, 1]} : vector<8x2000xf32> to vector<1x2000xf32>
    %slice3A_15 = vector.extract_strided_slice %transpose3A_5 {offsets = [6, 0], sizes = [1, 2000], strides = [1, 1]} : vector<8x2000xf32> to vector<1x2000xf32>
    %mul3A = arith.mulf %slice3A_14, %sub3A : vector<1x2000xf32>
    %mul3A_16 = arith.mulf %slice3A_15, %sub3A_13 : vector<1x2000xf32>
    %add3A = arith.addf %mul3A, %mul3A_16 : vector<1x2000xf32>
    %mul3A_17 = arith.mulf %slice3A_14, %sub3A_13 : vector<1x2000xf32>
    %mul3A_18 = arith.mulf %slice3A_15, %sub3A : vector<1x2000xf32>
    %sub3A_19 = arith.subf %mul3A_17, %mul3A_18 : vector<1x2000xf32>
    %mul3A_20 = arith.mulf %add3A, %add3A : vector<1x2000xf32>
    %mul3A_21 = arith.mulf %sub3A_19, %sub3A_19 : vector<1x2000xf32>
    %add3A_22 = arith.addf %mul3A_20, %mul3A_21 : vector<1x2000xf32>
    %add3A_23 = arith.constant 9.99999993E-9 : f32
    %add3A_24 = vector.broadcast %add3A_23 : f32 to vector<1x2000xf32>
    %add3A_25 = arith.addf %add3A_22, %add3A_24 : vector<1x2000xf32>
    %sqrt3A = math.sqrt %add3A_25 : vector<1x2000xf32>
    %slice3A_26 = vector.extract_strided_slice %transpose3A {offsets = [2, 0], sizes = [3, 2000], strides = [1, 1]} : vector<8x2000xf32> to vector<3x2000xf32>
    %slice3A_27 = vector.extract_strided_slice %transpose3A_5 {offsets = [2, 0], sizes = [3, 2000], strides = [1, 1]} : vector<8x2000xf32> to vector<3x2000xf32>
    %concatenate3A = tpu.concatenate %slice3A_26, %slice3A_27, %add3A, %sub3A_19, %sqrt3A, %transpose3A_9 in 0 : vector<3x2000xf32>, vector<3x2000xf32>, vector<1x2000xf32>, vector<1x2000xf32>, vector<1x2000xf32>, vector<4x2000xf32> -> vector<13x2000xf32>
    %get3A_28 = arith.constant 0 : index
    %get3A_29 = arith.constant 0 : index
    %get3A_30 = vector.load %arg4[%get3A_28, %get3A_29] : memref<64x13xf32, #tpu.memory_space<vmem>>, vector<64x13xf32>
    %dot_general3A = arith.constant dense<0.000000e+00> : vector<64x2000xf32>
    %dot_general3A_31 = tpu.matmul %get3A_30, %concatenate3A, %dot_general3A {dimension_numbers = #tpu.dot_dimension_numbers<[1], [0], [0], [1], [0, 0, 1, 1], [], []>, transpose_lhs_hint = false} : vector<64x13xf32>, vector<13x2000xf32>, vector<64x2000xf32> -> vector<64x2000xf32>
    %get3A_32 = arith.constant 0 : index
    %get3A_33 = arith.constant 0 : index
    %get3A_34 = vector.load %arg5[%get3A_32, %get3A_33] : memref<64x1xf32, #tpu.memory_space<vmem>>, vector<64x1xf32>
    %add3A_35 = vector.broadcast %get3A_34 : vector<64x1xf32> to vector<64x2000xf32>
    %add3A_36 = arith.addf %dot_general3A_31, %add3A_35 : vector<64x2000xf32>
    %logistic3A = arith.negf %add3A_36 : vector<64x2000xf32>
    %logistic3A_37 = math.exp %logistic3A : vector<64x2000xf32>
    %logistic3A_38 = arith.constant 1.000000e+00 : f32
    %logistic3A_39 = vector.broadcast %logistic3A_38 : f32 to vector<64x2000xf32>
    %logistic3A_40 = arith.addf %logistic3A_39, %logistic3A_37 : vector<64x2000xf32>
    %logistic3A_41 = arith.divf %logistic3A_39, %logistic3A_40 : vector<64x2000xf32>
    %mul3A_42 = arith.mulf %add3A_36, %logistic3A_41 : vector<64x2000xf32>
    %get3A_43 = arith.constant 0 : index
    %get3A_44 = arith.constant 0 : index
    %get3A_45 = vector.load %arg6[%get3A_43, %get3A_44] : memref<64x64xf32, #tpu.memory_space<vmem>>, vector<64x64xf32>
    %dot_general3A_46 = arith.constant dense<0.000000e+00> : vector<64x2000xf32>
    %dot_general3A_47 = tpu.matmul %get3A_45, %mul3A_42, %dot_general3A_46 {dimension_numbers = #tpu.dot_dimension_numbers<[1], [0], [0], [1], [0, 0, 1, 1], [], []>, transpose_lhs_hint = false} : vector<64x64xf32>, vector<64x2000xf32>, vector<64x2000xf32> -> vector<64x2000xf32>
    %get3A_48 = arith.constant 0 : index
    %get3A_49 = arith.constant 0 : index
    %get3A_50 = vector.load %arg7[%get3A_48, %get3A_49] : memref<64x1xf32, #tpu.memory_space<vmem>>, vector<64x1xf32>
    %add3A_51 = vector.broadcast %get3A_50 : vector<64x1xf32> to vector<64x2000xf32>
    %add3A_52 = arith.addf %dot_general3A_47, %add3A_51 : vector<64x2000xf32>
    %logistic3A_53 = arith.negf %add3A_52 : vector<64x2000xf32>
    %logistic3A_54 = math.exp %logistic3A_53 : vector<64x2000xf32>
    %logistic3A_55 = arith.constant 1.000000e+00 : f32
    %logistic3A_56 = vector.broadcast %logistic3A_55 : f32 to vector<64x2000xf32>
    %logistic3A_57 = arith.addf %logistic3A_56, %logistic3A_54 : vector<64x2000xf32>
    %logistic3A_58 = arith.divf %logistic3A_56, %logistic3A_57 : vector<64x2000xf32>
    %mul3A_59 = arith.mulf %add3A_52, %logistic3A_58 : vector<64x2000xf32>
    %transpose3A_60 = tpu.transpose %mul3A_59, [1, 0] : vector<64x2000xf32> -> vector<2000x64xf32>
    %swap3A = arith.constant 0 : index
    %swap3A_61 = arith.constant 0 : index
    %swap3A_62 = vector.load %arg8[%swap3A, %swap3A_61] : memref<2000x64xf32, #tpu.memory_space<vmem>>, vector<2000x64xf32>
    tpu.vector_store %arg8[%swap3A, %swap3A_61], %transpose3A_60 {strides = array<i32>} : memref<2000x64xf32, #tpu.memory_space<vmem>>, vector<2000x64xf32>,
    return
  }
  func.func @transform_0(%arg0: i32) -> (i32, i32) {
    %c0_i32 = arith.constant 0 : i32
    %c0_i32_0 = arith.constant 0 : i32
    return %arg0, %c0_i32 : i32, i32
  }
  func.func @transform_1(%arg0: i32) -> (i32, i32) {
    %c0_i32 = arith.constant 0 : i32
    %c0_i32_0 = arith.constant 0 : i32
    return %arg0, %c0_i32 : i32, i32
  }
  func.func @transform_2(%arg0: i32) -> (i32, i32) {
    %c0_i32 = arith.constant 0 : i32
    %c0_i32_0 = arith.constant 0 : i32
    return %arg0, %c0_i32 : i32, i32
  }
  func.func @transform_3(%arg0: i32) -> (i32, i32) {
    %c0_i32 = arith.constant 0 : i32
    %c0_i32_0 = arith.constant 0 : i32
    %c0_i32_1 = arith.constant 0 : i32
    return %c0_i32, %c0_i32_0 : i32, i32
  }
  func.func @transform_4(%arg0: i32) -> (i32, i32) {
    %c0_i32 = arith.constant 0 : i32
    %c0_i32_0 = arith.constant 0 : i32
    %c0_i32_1 = arith.constant 0 : i32
    return %c0_i32, %c0_i32_0 : i32, i32
  }
  func.func @transform_5(%arg0: i32) -> (i32, i32) {
    %c0_i32 = arith.constant 0 : i32
    %c0_i32_0 = arith.constant 0 : i32
    %c0_i32_1 = arith.constant 0 : i32
    return %c0_i32, %c0_i32_0 : i32, i32
  }
  func.func @transform_6(%arg0: i32) -> (i32, i32) {
    %c0_i32 = arith.constant 0 : i32
    %c0_i32_0 = arith.constant 0 : i32
    %c0_i32_1 = arith.constant 0 : i32
    return %c0_i32, %c0_i32_0 : i32, i32
  }
  func.func @transform_7(%arg0: i32) -> (i32, i32) {
    %c0_i32 = arith.constant 0 : i32
    %c0_i32_0 = arith.constant 0 : i32
    return %arg0, %c0_i32 : i32, i32
  }
}

module attributes {stable_mosaic.version = 14 : i64} {
  func.func @_node_out_body(%arg0: i32, %arg1: memref<2000x8xf32, #tpu.memory_space<vmem>>, %arg2: memref<2000x2xf32, #tpu.memory_space<vmem>>, %arg3: memref<2000x32xf32, #tpu.memory_space<vmem>>, %arg4: memref<2000x32xf32, #tpu.memory_space<vmem>>, %arg5: memref<3x64xf32, #tpu.memory_space<vmem>>, %arg6: memref<32x64xf32, #tpu.memory_space<vmem>>, %arg7: memref<32x64xf32, #tpu.memory_space<vmem>>, %arg8: memref<64xf32, #tpu.memory_space<vmem>>, %arg9: memref<2x64xf32, #tpu.memory_space<vmem>>, %arg10: memref<1x2xf32, #tpu.memory_space<vmem>>, %arg11: memref<2000x2xf32, #tpu.memory_space<vmem>>) attributes {dimension_semantics = [#tpu.dimension_semantics<arbitrary>], iteration_bounds = array<i64: 25>, scalar_prefetch = 0 : i64, scratch_operands = 0 : i64, tpu.core_type = #tpu.core_type<tc>, window_params = [{transform_indices = @transform_0, window_bounds = array<i64: 2000, 8>}, {transform_indices = @transform_1, window_bounds = array<i64: 2000, 2>}, {transform_indices = @transform_2, window_bounds = array<i64: 2000, 32>}, {transform_indices = @transform_3, window_bounds = array<i64: 2000, 32>}, {pipeline_mode = #tpu.pipeline_mode<synchronous>, transform_indices = @transform_4, window_bounds = array<i64: 3, 64>}, {pipeline_mode = #tpu.pipeline_mode<synchronous>, transform_indices = @transform_5, window_bounds = array<i64: 32, 64>}, {pipeline_mode = #tpu.pipeline_mode<synchronous>, transform_indices = @transform_6, window_bounds = array<i64: 32, 64>}, {pipeline_mode = #tpu.pipeline_mode<synchronous>, transform_indices = @transform_7, window_bounds = array<i64: 64>}, {pipeline_mode = #tpu.pipeline_mode<synchronous>, transform_indices = @transform_8, window_bounds = array<i64: 2, 64>}, {pipeline_mode = #tpu.pipeline_mode<synchronous>, transform_indices = @transform_9, window_bounds = array<i64: 1, 2>}, {transform_indices = @transform_10, window_bounds = array<i64: 2000, 2>}]} {
    %get3A = arith.constant 0 : index
    %get3A_0 = arith.constant 0 : index
    %get3A_1 = vector.load %arg1[%get3A, %get3A_0] : memref<2000x8xf32, #tpu.memory_space<vmem>>, vector<2000x8xf32>
    %slice3A = vector.extract_strided_slice %get3A_1 {offsets = [0, 2], sizes = [2000, 1], strides = [1, 1]} : vector<2000x8xf32> to vector<2000x1xf32>
    %slice3A_2 = vector.extract_strided_slice %get3A_1 {offsets = [0, 3], sizes = [2000, 1], strides = [1, 1]} : vector<2000x8xf32> to vector<2000x1xf32>
    %slice3A_3 = vector.extract_strided_slice %get3A_1 {offsets = [0, 4], sizes = [2000, 1], strides = [1, 1]} : vector<2000x8xf32> to vector<2000x1xf32>
    %slice3A_4 = vector.extract_strided_slice %get3A_1 {offsets = [0, 5], sizes = [2000, 1], strides = [1, 1]} : vector<2000x8xf32> to vector<2000x1xf32>
    %slice3A_5 = vector.extract_strided_slice %get3A_1 {offsets = [0, 6], sizes = [2000, 1], strides = [1, 1]} : vector<2000x8xf32> to vector<2000x1xf32>
    %get3A_6 = arith.constant 0 : index
    %get3A_7 = arith.constant 0 : index
    %get3A_8 = vector.load %arg5[%get3A_6, %get3A_7] : memref<3x64xf32, #tpu.memory_space<vmem>>, vector<3x64xf32>
    %get3A_9 = arith.constant 0 : index
    %get3A_10 = vector.load %arg8[%get3A_9] : memref<64xf32, #tpu.memory_space<vmem>>, vector<64xf32>
    %slice3A_11 = vector.extract_strided_slice %get3A_8 {offsets = [0, 0], sizes = [1, 64], strides = [1, 1]} : vector<3x64xf32> to vector<1x64xf32>
    %mul3A = vector.broadcast %slice3A : vector<2000x1xf32> to vector<2000x64xf32>
    %mul3A_12 = vector.broadcast %slice3A_11 : vector<1x64xf32> to vector<2000x64xf32>
    %mul3A_13 = arith.mulf %mul3A, %mul3A_12 : vector<2000x64xf32>
    %broadcast_in_dim3A = vector.shape_cast %get3A_10 : vector<64xf32> to vector<1x64xf32>
    %add3A = vector.broadcast %broadcast_in_dim3A : vector<1x64xf32> to vector<2000x64xf32>
    %add3A_14 = arith.addf %add3A, %mul3A_13 : vector<2000x64xf32>
    %slice3A_15 = vector.extract_strided_slice %get3A_8 {offsets = [1, 0], sizes = [1, 64], strides = [1, 1]} : vector<3x64xf32> to vector<1x64xf32>
    %mul3A_16 = vector.broadcast %slice3A_2 : vector<2000x1xf32> to vector<2000x64xf32>
    %mul3A_17 = vector.broadcast %slice3A_15 : vector<1x64xf32> to vector<2000x64xf32>
    %mul3A_18 = arith.mulf %mul3A_16, %mul3A_17 : vector<2000x64xf32>
    %add3A_19 = arith.addf %add3A_14, %mul3A_18 : vector<2000x64xf32>
    %slice3A_20 = vector.extract_strided_slice %get3A_8 {offsets = [2, 0], sizes = [1, 64], strides = [1, 1]} : vector<3x64xf32> to vector<1x64xf32>
    %mul3A_21 = vector.broadcast %slice3A_3 : vector<2000x1xf32> to vector<2000x64xf32>
    %mul3A_22 = vector.broadcast %slice3A_20 : vector<1x64xf32> to vector<2000x64xf32>
    %mul3A_23 = arith.mulf %mul3A_21, %mul3A_22 : vector<2000x64xf32>
    %add3A_24 = arith.addf %add3A_19, %mul3A_23 : vector<2000x64xf32>
    %get3A_25 = arith.constant 0 : index
    %get3A_26 = arith.constant 0 : index
    %get3A_27 = vector.load %arg3[%get3A_25, %get3A_26] : memref<2000x32xf32, #tpu.memory_space<vmem>>, vector<2000x32xf32>
    %get3A_28 = arith.constant 0 : index
    %get3A_29 = arith.constant 0 : index
    %get3A_30 = vector.load %arg6[%get3A_28, %get3A_29] : memref<32x64xf32, #tpu.memory_space<vmem>>, vector<32x64xf32>
    %dot_general3A = arith.constant dense<0.000000e+00> : vector<2000x64xf32>
    %dot_general3A_31 = tpu.matmul %get3A_27, %get3A_30, %dot_general3A {dimension_numbers = #tpu.dot_dimension_numbers<[1], [0], [0], [1], [0, 0, 1, 1], [], []>, precision = #tpu.contract_precision<fp32>, transpose_lhs_hint = false} : vector<2000x32xf32>, vector<32x64xf32>, vector<2000x64xf32> -> vector<2000x64xf32>
    %add3A_32 = arith.addf %add3A_24, %dot_general3A_31 : vector<2000x64xf32>
    %get3A_33 = arith.constant 0 : index
    %get3A_34 = arith.constant 0 : index
    %get3A_35 = vector.load %arg4[%get3A_33, %get3A_34] : memref<2000x32xf32, #tpu.memory_space<vmem>>, vector<2000x32xf32>
    %get3A_36 = arith.constant 0 : index
    %get3A_37 = arith.constant 0 : index
    %get3A_38 = vector.load %arg7[%get3A_36, %get3A_37] : memref<32x64xf32, #tpu.memory_space<vmem>>, vector<32x64xf32>
    %dot_general3A_39 = arith.constant dense<0.000000e+00> : vector<2000x64xf32>
    %dot_general3A_40 = tpu.matmul %get3A_35, %get3A_38, %dot_general3A_39 {dimension_numbers = #tpu.dot_dimension_numbers<[1], [0], [0], [1], [0, 0, 1, 1], [], []>, precision = #tpu.contract_precision<fp32>, transpose_lhs_hint = false} : vector<2000x32xf32>, vector<32x64xf32>, vector<2000x64xf32> -> vector<2000x64xf32>
    %add3A_41 = arith.addf %add3A_32, %dot_general3A_40 : vector<2000x64xf32>
    %logistic3A = arith.negf %add3A_41 : vector<2000x64xf32>
    %logistic3A_42 = math.exp %logistic3A : vector<2000x64xf32>
    %logistic3A_43 = arith.constant 1.000000e+00 : f32
    %logistic3A_44 = vector.broadcast %logistic3A_43 : f32 to vector<2000x64xf32>
    %logistic3A_45 = arith.addf %logistic3A_44, %logistic3A_42 : vector<2000x64xf32>
    %logistic3A_46 = arith.divf %logistic3A_44, %logistic3A_45 : vector<2000x64xf32>
    %mul3A_47 = arith.mulf %add3A_41, %logistic3A_46 : vector<2000x64xf32>
    %get3A_48 = arith.constant 0 : index
    %get3A_49 = arith.constant 0 : index
    %get3A_50 = vector.load %arg9[%get3A_48, %get3A_49] : memref<2x64xf32, #tpu.memory_space<vmem>>, vector<2x64xf32>
    %slice3A_51 = vector.extract_strided_slice %get3A_50 {offsets = [0, 0], sizes = [1, 64], strides = [1, 1]} : vector<2x64xf32> to vector<1x64xf32>
    %mul3A_52 = vector.broadcast %slice3A_51 : vector<1x64xf32> to vector<2000x64xf32>
    %mul3A_53 = arith.mulf %mul3A_47, %mul3A_52 : vector<2000x64xf32>
    %reduce_sum3A = arith.constant dense<0.000000e+00> : vector<2000xf32>
    %reduce_sum3A_54 = vector.multi_reduction <add>, %mul3A_53, %reduce_sum3A [1] : vector<2000x64xf32> to vector<2000xf32>
    %broadcast_in_dim3A_55 = vector.shape_cast %reduce_sum3A_54 : vector<2000xf32> to vector<2000x1xf32>
    %get3A_56 = arith.constant 0 : index
    %get3A_57 = arith.constant 0 : index
    %get3A_58 = vector.load %arg10[%get3A_56, %get3A_57] : memref<1x2xf32, #tpu.memory_space<vmem>>, vector<1x1xf32>
    %add3A_59 = vector.broadcast %get3A_58 : vector<1x1xf32> to vector<2000x1xf32>
    %add3A_60 = arith.addf %broadcast_in_dim3A_55, %add3A_59 : vector<2000x1xf32>
    %slice3A_61 = vector.extract_strided_slice %get3A_50 {offsets = [1, 0], sizes = [1, 64], strides = [1, 1]} : vector<2x64xf32> to vector<1x64xf32>
    %mul3A_62 = vector.broadcast %slice3A_61 : vector<1x64xf32> to vector<2000x64xf32>
    %mul3A_63 = arith.mulf %mul3A_47, %mul3A_62 : vector<2000x64xf32>
    %reduce_sum3A_64 = arith.constant dense<0.000000e+00> : vector<2000xf32>
    %reduce_sum3A_65 = vector.multi_reduction <add>, %mul3A_63, %reduce_sum3A_64 [1] : vector<2000x64xf32> to vector<2000xf32>
    %broadcast_in_dim3A_66 = vector.shape_cast %reduce_sum3A_65 : vector<2000xf32> to vector<2000x1xf32>
    %get3A_67 = arith.constant 0 : index
    %get3A_68 = arith.constant 1 : index
    %get3A_69 = vector.load %arg10[%get3A_67, %get3A_68] : memref<1x2xf32, #tpu.memory_space<vmem>>, vector<1x1xf32>
    %add3A_70 = vector.broadcast %get3A_69 : vector<1x1xf32> to vector<2000x1xf32>
    %add3A_71 = arith.addf %broadcast_in_dim3A_66, %add3A_70 : vector<2000x1xf32>
    %get3A_72 = arith.constant 0 : index
    %get3A_73 = arith.constant 0 : index
    %get3A_74 = vector.load %arg2[%get3A_72, %get3A_73] : memref<2000x2xf32, #tpu.memory_space<vmem>>, vector<2000x2xf32>
    %slice3A_75 = vector.extract_strided_slice %get3A_1 {offsets = [0, 0], sizes = [2000, 1], strides = [1, 1]} : vector<2000x8xf32> to vector<2000x1xf32>
    %mul3A_76 = arith.mulf %slice3A_4, %add3A_60 : vector<2000x1xf32>
    %mul3A_77 = arith.mulf %slice3A_5, %add3A_71 : vector<2000x1xf32>
    %sub3A = arith.subf %mul3A_76, %mul3A_77 : vector<2000x1xf32>
    %add3A_78 = arith.addf %slice3A_75, %sub3A : vector<2000x1xf32>
    %slice3A_79 = vector.extract_strided_slice %get3A_74 {offsets = [0, 0], sizes = [2000, 1], strides = [1, 1]} : vector<2000x2xf32> to vector<2000x1xf32>
    %add3A_80 = arith.addf %add3A_78, %slice3A_79 : vector<2000x1xf32>
    %slice3A_81 = vector.extract_strided_slice %get3A_1 {offsets = [0, 1], sizes = [2000, 1], strides = [1, 1]} : vector<2000x8xf32> to vector<2000x1xf32>
    %mul3A_82 = arith.mulf %slice3A_5, %add3A_60 : vector<2000x1xf32>
    %mul3A_83 = arith.mulf %slice3A_4, %add3A_71 : vector<2000x1xf32>
    %add3A_84 = arith.addf %mul3A_82, %mul3A_83 : vector<2000x1xf32>
    %add3A_85 = arith.addf %slice3A_81, %add3A_84 : vector<2000x1xf32>
    %slice3A_86 = vector.extract_strided_slice %get3A_74 {offsets = [0, 1], sizes = [2000, 1], strides = [1, 1]} : vector<2000x2xf32> to vector<2000x1xf32>
    %add3A_87 = arith.addf %add3A_85, %slice3A_86 : vector<2000x1xf32>
    %concatenate3A = tpu.concatenate %add3A_80, %add3A_87 in 1 : vector<2000x1xf32>, vector<2000x1xf32> -> vector<2000x2xf32>
    %swap3A = arith.constant 0 : index
    %swap3A_88 = arith.constant 0 : index
    %swap3A_89 = vector.load %arg11[%swap3A, %swap3A_88] : memref<2000x2xf32, #tpu.memory_space<vmem>>, vector<2000x2xf32>
    tpu.vector_store %arg11[%swap3A, %swap3A_88], %concatenate3A {strides = array<i32>} : memref<2000x2xf32, #tpu.memory_space<vmem>>, vector<2000x2xf32>,
    return
  }
  func.func @transform_0(%arg0: i32) -> (i32, i32) {
    %c0_i32 = arith.constant 0 : i32
    %c0_i32_0 = arith.constant 0 : i32
    return %arg0, %c0_i32 : i32, i32
  }
  func.func @transform_1(%arg0: i32) -> (i32, i32) {
    %c0_i32 = arith.constant 0 : i32
    %c0_i32_0 = arith.constant 0 : i32
    return %arg0, %c0_i32 : i32, i32
  }
  func.func @transform_2(%arg0: i32) -> (i32, i32) {
    %c0_i32 = arith.constant 0 : i32
    %c0_i32_0 = arith.constant 0 : i32
    return %arg0, %c0_i32 : i32, i32
  }
  func.func @transform_3(%arg0: i32) -> (i32, i32) {
    %c0_i32 = arith.constant 0 : i32
    %c0_i32_0 = arith.constant 0 : i32
    return %arg0, %c0_i32 : i32, i32
  }
  func.func @transform_4(%arg0: i32) -> (i32, i32) {
    %c0_i32 = arith.constant 0 : i32
    %c0_i32_0 = arith.constant 0 : i32
    %c0_i32_1 = arith.constant 0 : i32
    return %c0_i32, %c0_i32_0 : i32, i32
  }
  func.func @transform_5(%arg0: i32) -> (i32, i32) {
    %c0_i32 = arith.constant 0 : i32
    %c0_i32_0 = arith.constant 0 : i32
    %c0_i32_1 = arith.constant 0 : i32
    return %c0_i32, %c0_i32_0 : i32, i32
  }
  func.func @transform_6(%arg0: i32) -> (i32, i32) {
    %c0_i32 = arith.constant 0 : i32
    %c0_i32_0 = arith.constant 0 : i32
    %c0_i32_1 = arith.constant 0 : i32
    return %c0_i32, %c0_i32_0 : i32, i32
  }
  func.func @transform_7(%arg0: i32) -> i32 {
    %c0_i32 = arith.constant 0 : i32
    %c0_i32_0 = arith.constant 0 : i32
    return %c0_i32 : i32
  }
  func.func @transform_8(%arg0: i32) -> (i32, i32) {
    %c0_i32 = arith.constant 0 : i32
    %c0_i32_0 = arith.constant 0 : i32
    %c0_i32_1 = arith.constant 0 : i32
    return %c0_i32, %c0_i32_0 : i32, i32
  }
  func.func @transform_9(%arg0: i32) -> (i32, i32) {
    %c0_i32 = arith.constant 0 : i32
    %c0_i32_0 = arith.constant 0 : i32
    %c0_i32_1 = arith.constant 0 : i32
    return %c0_i32, %c0_i32_0 : i32, i32
  }
  func.func @transform_10(%arg0: i32) -> (i32, i32) {
    %c0_i32 = arith.constant 0 : i32
    %c0_i32_0 = arith.constant 0 : i32
    return %arg0, %c0_i32 : i32, i32
  }
}

</mosaic_0001>

<sc_bundles>
// kernel: kernel.11.cloned.1.call-start
scs
__scs_entry_jumppad:
0x0: {  	(pc) =	sbr.rel $0x88, $3  }
0x1: {  	(tag) =	ssettag $0x0;
	lr =	simm.s32 $0x1  }
0x2: {  	[smem:$0x3F8D] =	sst lr;
	_ =	strace $0xD0000000  }
0x3: {  	_ = 	snop  }
0x4: {  	_ = 	snop  }
0x5: {  	_ = 	snop  }
0x6: {  	_ = 	snop  }
0x7: {  	_ = 	snop  }
__scs_overlays_trampoline_lowered:
0x8: {  	[smem:$0x3F9C] =	sst s0  }
0x9: {  	[smem:$0x3F9D] =	sst s1  }
0xa: {  	[smem:$0x3F9E] =	sst s2  }
0xb: {  	[smem:$0x3F9F] =	sst s3  }
0xc: {  	[smem:$0x3FA0] =	sst s4  }
0xd: {  	[smem:$0x3FA1] =	sst s5  }
0xe: {  	[smem:$0x3FA2] =	sst s6  }
0xf: {  	[smem:$0x3FA3] =	sst s7  }
0x10: {  	[smem:$0x3FA4] =	sst s8  }
0x11: {  	[smem:$0x3FA5] =	sst s9;
	s0 =	simm.s32 @!p0 $0x0  }
0x12: {  	s1 =	sld [smem:$0x3F8B];
	s0 =	simm.s32 @p0 $0x1  }
0x13: {  	[smem:$0x3FA6] =	sst s0;
	s0 =	simm.s32 @!p1 $0x0  }
0x14: {  	s2 =	sld [smem:$0x3F8A];
	s0 =	simm.s32 @p1 $0x1  }
0x15: {  	[smem:$0x3FA7] =	sst s0;
	s0 =	simm.s32 @!p2 $0x0  }
0x16: {  	s3 =	sld [smem:$0x3FDB];
	s0 =	simm.s32 @p2 $0x1  }
0x17: {  	s4 =	simm.s32 $0x1BF5;
	[smem:$0x3FA9] =	sst s0  }
0x18: {  	s0 =	sld [smem:$0x3F8C];
	_ =	swait.ge [sflag:s4], $0x0  }
0x19: {  	s7 =	sld [smem:$0x3F8D]  }
0x1a: {  	s8 =	sadd.s32 $0xFFFFE003, lr  }
0x1b: {  	s9 =	sadd.s32 $0xFFFFFEF7, lr;
	s5 =	simm.s32 $0xFFFFFFFF;
	p2 =	slt.u32 s8, $0xFFFFF086  }
0x1c: {  	p1 =	slt.u32 s9, $0xF7A;
	s5 =	simm.s32 @!p2 $0x0  }
0x1d: {  	s5 =	simm.s32 @p1 $0x1;
	p0 =	seq.s32 s7, s2  }
0x1e: {  	s7 =	smul.u32 @!p0 $0xF7A, s2;
	p2 =	seq.s32 @!p0 s5, $0x0  }
0x1f: {  	s9 =	smul.u32 $0xF7A, s1;
	s8 =	simm.s32 @!p0 $0x1BF5;
	p2 =	por !p2, p0  }
0x20: {  	[sflag:s8] =	ssyncset.s32 @!p0 $0xFFFFF086;
	s6 =	sadd.s32 @!p0 s3, s7;
	s7 =	simm.s32 @!p0 $0x108  }
0x21: {  	s3 =	sadd.s32 s3, s9;
	s6 =	sadd.s32 @!p0 $0x88, s6;
	s7 =	simm.s32 @p2 $0x1082  }
0x22: {  	[simem:s7], [sflag:s8] =	dma.local @!p0 [hbm:s6], $0xF7A  }
0x23: {  	s9 =	sor.u32 $0xD0000000, s2;
	s6 =	simm.s32 $0x108;
	_ =	swait.ge @!p0 [sflag:s8], $0x0  }
0x24: {  	s3 =	sadd.s32 $0x88, s3;
	s6 =	simm.s32 @!p1 $0x1082;
	[sflag:s4] =	ssyncset.s32 $0xFFFFF086  }
0x25: {  	[simem:s6], [sflag:s4] =	dma.local [hbm:s3], $0xF7A  }
0x26: {  	[smem:$0x3F8D] =	sst s1;
	(tag) =	ssettag s2;
	_ =	strace s9  }
0x27: {  	s1 =	sld [smem:$0x3F9D]  }
0x28: {  	s2 =	sld [smem:$0x3F9E]  }
0x29: {  	s4 =	sld [smem:$0x3FA0]  }
0x2a: {  	p0 =	seq.s32 s5, $0x0;
	s5 =	sld [smem:$0x3FA1]  }
0x2b: {  	s6 =	sld [smem:$0x3FA2]  }
0x2c: {  	s7 =	sld [smem:$0x3FA3]  }
0x2d: {  	s3 =	simm.s32 $0x108;
	s8 =	sld [smem:$0x3FA4]  }
0x2e: {  	s3 =	simm.s32 @!p0 $0x1082;
	s9 =	sld [smem:$0x3FA5]  }
0x2f: {  	lr =	sadd.s32 s0, s3;
	s0 =	sld [smem:$0x3F9C]  }
0x30: {  	s3 =	sld [smem:$0x3F9F]  }
0x31: {  	[smem:$0x3FA8] =	sst s10  }
0x32: {  	s10 =	sld [smem:$0x3FA6];
	_ =	sdelay $0x3  }
0x33: {  	p0 =	seq.s32 s10, $0x1;
	s10 =	sld [smem:$0x3FA8];
	_ =	sdelay $0x3  }
0x34: {  	[smem:$0x3FA8] =	sst s10  }
0x35: {  	s10 =	sld [smem:$0x3FA7];
	_ =	sdelay $0x3  }
0x36: {  	p1 =	seq.s32 s10, $0x1;
	s10 =	sld [smem:$0x3FA8];
	_ =	sdelay $0x3  }
0x37: {  	[smem:$0x3FA8] =	sst s10  }
0x38: {  	s10 =	sld [smem:$0x3FA9]  }
0x39: {  	_ = 	snop;
	(pc) =	sbr.ind lr, $3  }
0x3a: {  	_ = 	snop  }
0x3b: {  	_ = 	snop  }
0x3c: {  	p2 =	seq.s32 s10, $0x1;
	s10 =	sld [smem:$0x3FA8]  }
0x3d: {  	_ =	shalt  }
0x3e: {  	_ =	shalt  }
0x3f: {  	_ =	shalt  }
0x40: {  	_ =	shalt  }
0x41: {  	_ =	shalt  }
0x42: {  	_ =	shalt  }
0x43: {  	_ =	shalt  }
0x44: {  	_ =	shalt  }
0x45: {  	_ =	shalt  }
0x46: {  	_ =	shalt  }
0x47: {  	_ =	shalt  }
0x48: {  	_ =	shalt  }
0x49: {  	_ =	shalt  }
0x4a: {  	_ =	shalt  }
0x4b: {  	_ =	shalt  }
0x4c: {  	_ =	shalt  }
0x4d: {  	_ =	shalt  }
0x4e: {  	_ =	shalt  }
0x4f: {  	_ =	shalt  }
0x50: {  	_ =	shalt  }
0x51: {  	_ =	shalt  }
0x52: {  	_ =	shalt  }
0x53: {  	_ =	shalt  }
0x54: {  	_ =	shalt  }
0x55: {  	_ =	shalt  }
0x56: {  	_ =	shalt  }
0x57: {  	_ =	shalt  }
0x58: {  	_ =	shalt  }
0x59: {  	_ =	shalt  }
0x5a: {  	_ =	shalt  }
0x5b: {  	_ =	shalt  }
0x5c: {  	_ =	shalt  }
0x5d: {  	_ =	shalt  }
0x5e: {  	_ =	shalt  }
0x5f: {  	_ =	shalt  }
0x60: {  	_ =	shalt  }
0x61: {  	_ =	shalt  }
0x62: {  	_ =	shalt  }
0x63: {  	_ =	shalt  }
0x64: {  	_ =	shalt  }
0x65: {  	_ =	shalt  }
0x66: {  	_ =	shalt  }
0x67: {  	_ =	shalt  }
0x68: {  	_ =	shalt  }
0x69: {  	_ =	shalt  }
0x6a: {  	_ =	shalt  }
0x6b: {  	_ =	shalt  }
0x6c: {  	_ =	shalt  }
0x6d: {  	_ =	shalt  }
0x6e: {  	_ =	shalt  }
0x6f: {  	_ =	shalt  }
0x70: {  	_ =	shalt  }
0x71: {  	_ =	shalt  }
0x72: {  	_ =	shalt  }
0x73: {  	_ =	shalt  }
0x74: {  	_ =	shalt  }
0x75: {  	_ =	shalt  }
0x76: {  	_ =	shalt  }
0x77: {  	_ =	shalt  }
0x78: {  	_ =	shalt  }
0x79: {  	_ =	shalt  }
0x7a: {  	_ =	shalt  }
0x7b: {  	_ =	shalt  }
0x7c: {  	_ =	shalt  }
0x7d: {  	_ =	shalt  }
0x7e: {  	_ =	shalt  }
0x7f: {  	_ =	shalt  }
0x80: {  	_ =	shalt  }
0x81: {  	_ =	shalt  }
0x82: {  	_ =	shalt  }
0x83: {  	_ =	shalt  }
0x84: {  	_ =	shalt  }
0x85: {  	_ =	shalt  }
0x86: {  	_ =	shalt  }
0x87: {  	_ =	shalt  }
.Lfunc_end0:
.L_simem_size_0:
called_computation.1_lowered:
.L_overlay_start_0:
0x88: {  	s2 =	sld [smem:$0x3FD9]  }
0x89: {  	s3 =	sld [smem:$0x3FFE];
	_ =	sdelay $0x1  }
0x8a: {  	s1 =	srdreg.scid  }
0x8b: {  	s0 =	sand.u32 $0x1, s1  }
0x8c: {  	s17 =	sshll.u32 s0, $0xA;
	s2 =	sadd.s32 s3, s2  }
0x8d: {  	s2 =	sadd.s32 s2, s17  }
0x8e: {  	[smem:$0x3FB4] =	sst s2  }
0x8f: {  	_ = 	snop  }
0x90: {  	s2 =	sld [smem:$0x3FD0];
	(tm) =	ssettm $0x1  }
0x91: {  	s18 =	sld [smem:$0x3FFB];
	_ =	sdelay $0x3  }
0x92: {  	_ =	strace s18  }
0x93: {  	s3 =	sld [smem:$0x3FFC];
	_ =	sdelay $0x3  }
0x94: {  	_ =	strace s3  }
0x95: {  	s3 =	sld [smem:$0x3FFD];
	_ =	sdelay $0x3  }
0x96: {  	_ =	strace s3  }
0x97: {  	_ =	strace $0x8FFFFFFF  }
0x98: {  	s19 =	sld [smem:$0x3FDB];
	_ =	sdelay $0x1  }
0x99: {  	s4 =	simm.s32 $_scs_section_size  }
0x9a: {  	s5 =	simm.s32 $_size__tile_overlayer_lowered;
	s6 =	simm.s32 $_tile_overlayer_lowered  }
0x9b: {  	s22 =	simm.s32 $0x1BFF;
	s21 =	sshll.u32 s6, $0x1;
	s3 =	sadd.s32 s4, s19  }
0x9c: {  	s7 =	simm.s32 $0x0;
	s20 =	sshll.u32 s5, $0x1;
	s5 =	sadd.s32 s21, s3  }
0x9d: {  	[timem:s7], [sflag:s22] =	dma.local [hbm:s5], s20  }
0x9e: {  	_ =	swait.ge [sflag:s22], s20  }
0x9f: {  	s4 =	ssub.s32 $0x0, s20;
	[sflag:s22] =	ssyncset.done $0x0  }
0xa0: {  	[sflag:s22] =	ssyncadd.s32 s4;
	_ =	sdelay $0x1  }
0xa1: {  	s23 =	simm.s32 $0x1B8B  }
0xa2: {  	_ =	swait.ge [sflag:s23], $0x1  }
0xa3: {  	[sflag:s23] =	ssyncset.done $0x0  }
0xa4: {  	s25 =	simm.s32 $0x1B8E;
	s24 =	sld [smem:$0x3FFE];
	[sflag:s23] =	ssyncadd.s32 $0xFFFFFFFF  }
0xa5: {  	s26 =	simm.s32 $execute0_lowered;
	[smem:$0x3FD2] =	sst s25  }
0xa6: {  	s5 =	sshll.u32 s26, $0x1;
	_ =	strace $0x80000049;
	[dreg:$0x1] =	wrdreg $0xFFFFFFFF  }
0xa7: {  	s28 =	simm.s32 $_size_execute0_lowered;
	s3 =	sadd.s32 s3, s5;
	[dreg:$0x0] =	wrdreg $0x0  }
0xa8: {  	s5 =	sshll.u32 s28, $0x1;
	[dreg:$0x2] =	wrdreg s3  }
0xa9: {  	[dreg:$0x3] =	wrdreg s5  }
0xaa: {  	[dreg:$0x4] =	wrdreg $0xC0  }
0xab: {  	_ =	task [dreg:s7], $0x5FFFF  }
0xac: {  	[dreg:$0x1] =	wrdreg $0xFFFFFFFF  }
0xad: {  	[dreg:$0x0] =	wrdreg $0x60  }
0xae: {  	[dreg:$0x2] =	wrdreg s24  }
0xaf: {  	[dreg:$0x3] =	wrdreg s2  }
0xb0: {  	[dreg:$0x4] =	wrdreg $0x42800  }
0xb1: {  	[dreg:$0x5] =	wrdreg $0x9  }
0xb2: {  	_ =	task.clear_ibuf [dreg:s7], $0x6FFFF;
	_ =	strace $0x90000049  }
0xb3: {  	s29 =	simm.s32 $0x9;
	_ =	strace $0x8000004B  }
0xb4: {  	_ =	swait.ge [sflag:s29], $0x1  }
0xb5: {  	[sflag:s29] =	ssyncadd.s32 $0xFFFFFFFF  }
0xb6: {  	_ =	strace $0x9000004B  }
0xb7: {  	_ =	sfence  }
0xb8: {  	s30 =	sld [smem:$0x0];
	_ =	sdelay $0x2  }
0xb9: {  	s31 =	sshll.u32 s1, $0xD;
	s1 =	sshrl.u32 s1, $0x2  }
0xba: {  	s3 =	sand.u32 $0x4000, s31;
	s1 =	sadd.s32 s1, s30  }
0xbb: {  	s0 =	sor.u32 s3, s0;
	s1 =	sshll.u32 s1, $0x11  }
0xbc: {  	s0 =	sor.u32 s1, s0  }
0xbd: {  	s0 =	sadd.s32 $0x8F2B, s0  }
0xbe: {  	[sflag:s0] =	ssyncadd.remote.s32 $0x1  }
0xbf: {  	_ =	sfence.sel $0xFFFF  }
0xc0: {  	[dreg:$0x0] =	wrdreg $0xFFFFFFFF;
	(pc) =	sbr.abs _section_cstart, $3  }
0xc1: {  	[dreg:$0x1] =	wrdreg $0xFFFFFFFF  }
0xc2: {  	_ =	task.clear_ibuf [dreg:s7], $0x2FFFF;
	_ =	strace $0x9FFFFFFF  }
0xc3: {  	(tm) =	ssettm $0x7FFFFFFF  }
tec
execute0_lowered:
.L_overlay_start_1:
0x0: {  	(tag) =	ssettag $0x1  }
0x1: {  	s0 =	rddreg [dreg:$0x0]  }
0x2: {  	s3 =	rddreg [dreg:$0x2];
	s8 =	stileid.u32  }
0x3: {  	s4 =	simm.s32 $0x0;
	s2 =	srdreg.scid;
	s11 =	simm.s32 $0x1  }
0x4: {  	s12 =	simm.s32 $0x10;
	s13 =	simm.s32 $0x40;
	s14 =	simm.s32 $0x400  }
0x5: {  	s15 =	simm.s32 $0x7D;
	s16 =	simm.s32 $0x80;
	s17 =	simm.s32 $0xBD0  }
0x6: {  	s18 =	simm.s32 $0x100;
	s19 =	simm.s32 $0x13A0;
	s20 =	simm.s32 $0x180  }
0x7: {  	s21 =	simm.s32 $0x1B70;
	s22 =	simm.s32 $0x200;
	s1 =	smul.u32 $0x1900, s8  }
0x8: {  	s28 =	simm.s32 $0x32E0;
	s29 =	simm.s32 $0x380;
	s5 =	smul.u32 $0x30D400, s8  }
0x9: {  	s30 =	simm.s32 $0x3AB0;
	[smem:$0x7FF] =	sst s4;
	s6 =	smul.u32 $0x186A0, s8  }
0xa: {  	s2 =	sand.u32 $0x1, s2;
	s23 =	smul.u32 $0x30D40, s8;
	s26 =	sshll.u32 s8, $0x6  }
0xb: {  	_ =	strace $0x8000004A;
	s7 =	sshll.u32 s2, $0x4;
	s2 =	ssub.s32 $0x2, s2  }
0xc: {  	s1 =	sadd.s32 s1, s0;
	s5 =	sor.u32 s7, s5;
	s6 =	sor.u32 s7, s6  }
0xd: {  	s24 =	sshrl.u32 s2, $0x1;
	s25 =	sshrl.u32 s23, $0x2;
	s23 =	simm.s32 $0x2340  }
0xe: {  	s5 =	sshrl.u32 s5, $0x3;
	s6 =	sshrl.u32 s6, $0x3;
	s2 =	ssub.s32 s2, s24  }
0xf: {  	s8 =	sadd.s32 $0x2AA00, s1;
	s24 =	simm.s32 $0x280;
	s1 =	simm.s32 $0x0  }
0x10: {  	s9 =	sadd.s32 s5, s0;
	s0 =	sadd.s32 s6, s0;
	s6 =	sadd.s32 s25, s3  }
0x11: {  	s5 =	sor.u32 $0x1C01, s26;
	s31 =	smax.u32 s2, $0x1;
	s25 =	simm.s32 $0x2B10  }
0x12: {  	s26 =	simm.s32 $0x300;
	s0 =	sadd.s32 $0x43A00, s0;
	[dreg:$0x5] =	wrdreg s31  }
0x13: {  	s9 =	sadd.s32 $0x3D6400, s9;
	s10 =	sshrl.u32 s6, $0x3;
	[dreg:$0x4] =	wrdreg s0  }
.LBB2_1:
0x14: {  	s0 =	rddreg [dreg:$0x1]  }
0x15: {  	[spmem:s10], [sflag:s5] =	dma.local [hbm:s0], $0x186A  }
0x16: {  	_ =	swait.ge [sflag:s11], $0x186A  }
0x17: {  	[sflag:s11] =	ssyncset.done $0x0  }
0x18: {  	[sflag:s11] =	ssyncadd.s32 $0xFFFFE796  }
0x19: {  	s7 =	sadd.s32 $0x0, s8;
	[bflag:$0x0] =	sbarrier.arrive $0xFFFF  }
0x1a: {  	[tilespmem:s4], [sflag:$0x1] =	stream.linear.gather [hbm4b:s7+s4], $0x400, $0x38;
	[tilespmem:$0x105D0] =	vst v63  }
0x1b: {  	_ =	swait.ge [sflag:s11], $0x400  }
0x1c: {  	[sflag:s11] =	ssyncset.done $0x0  }
0x1d: {  	[sflag:s11] =	ssyncadd.s32 $0xFFFFFC00  }
0x1e: {  	[tilespmem:s14], [sflag:$0x1] =	stream.strided.gather [hbm4b:s9+s12], $0x3E80, s13, s12, $0x38;
	[tilespmem:$0x105D0] =	vst v63  }
0x1f: {  	_ =	swait.ge [sflag:s11], $0x3E80  }
0x20: {  	[sflag:s11] =	ssyncset.done $0x0  }
0x21: {  	[sflag:s11] =	ssyncadd.s32 $0xFFFFC180  }
0x22: {  	[spmem:s3] =	stream.indirect.scatter.add.f32 [tilespmem:s14], [sflag:$0x1], $0x10, s4, s15, $0xb8;
	[tilespmem:$0x105D0] =	vst v63  }
0x23: {  	_ =	swait.ge [sflag:s11], $0x7D0  }
0x24: {  	[sflag:s11] =	ssyncset.done $0x0  }
0x25: {  	[sflag:s11] =	ssyncadd.s32 $0xFFFFF830  }
0x26: {  	[spmem:s3] =	stream.indirect.scatter.add.f32 [tilespmem:s17], [sflag:$0x1], $0x10, s16, s15, $0xb8;
	[tilespmem:$0x105D0] =	vst v63  }
0x27: {  	_ =	swait.ge [sflag:s11], $0x7D0  }
0x28: {  	[sflag:s11] =	ssyncset.done $0x0  }
0x29: {  	[sflag:s11] =	ssyncadd.s32 $0xFFFFF830  }
0x2a: {  	[spmem:s3] =	stream.indirect.scatter.add.f32 [tilespmem:s19], [sflag:$0x1], $0x10, s18, s15, $0xb8;
	[tilespmem:$0x105D0] =	vst v63  }
0x2b: {  	_ =	swait.ge [sflag:s11], $0x7D0  }
0x2c: {  	[sflag:s11] =	ssyncset.done $0x0  }
0x2d: {  	[sflag:s11] =	ssyncadd.s32 $0xFFFFF830  }
0x2e: {  	[spmem:s3] =	stream.indirect.scatter.add.f32 [tilespmem:s21], [sflag:$0x1], $0x10, s20, s15, $0xb8;
	[tilespmem:$0x105D0] =	vst v63  }
0x2f: {  	_ =	swait.ge [sflag:s11], $0x7D0  }
0x30: {  	[sflag:s11] =	ssyncset.done $0x0  }
0x31: {  	[sflag:s11] =	ssyncadd.s32 $0xFFFFF830  }
0x32: {  	[spmem:s3] =	stream.indirect.scatter.add.f32 [tilespmem:s23], [sflag:$0x1], $0x10, s22, s15, $0xb8;
	[tilespmem:$0x105D0] =	vst v63  }
0x33: {  	_ =	swait.ge [sflag:s11], $0x7D0  }
0x34: {  	[sflag:s11] =	ssyncset.done $0x0  }
0x35: {  	[sflag:s11] =	ssyncadd.s32 $0xFFFFF830  }
0x36: {  	[spmem:s3] =	stream.indirect.scatter.add.f32 [tilespmem:s25], [sflag:$0x1], $0x10, s24, s15, $0xb8;
	[tilespmem:$0x105D0] =	vst v63  }
0x37: {  	_ =	swait.ge [sflag:s11], $0x7D0  }
0x38: {  	[sflag:s11] =	ssyncset.done $0x0  }
0x39: {  	[sflag:s11] =	ssyncadd.s32 $0xFFFFF830  }
0x3a: {  	[spmem:s3] =	stream.indirect.scatter.add.f32 [tilespmem:s28], [sflag:$0x1], $0x10, s26, s15, $0xb8;
	[tilespmem:$0x105D0] =	vst v63  }
0x3b: {  	_ =	swait.ge [sflag:s11], $0x7D0  }
0x3c: {  	[sflag:s11] =	ssyncset.done $0x0  }
0x3d: {  	[sflag:s11] =	ssyncadd.s32 $0xFFFFF830  }
0x3e: {  	[spmem:s3] =	stream.indirect.scatter.add.f32 [tilespmem:s30], [sflag:$0x1], $0x10, s29, s15, $0xb8;
	[tilespmem:$0x105D0] =	vst v63  }
0x3f: {  	s31 =	simm.s32 $0x80;
	_ =	swait.ge [sflag:s11], $0x7D0  }
0x40: {  	s2 =	sadd.s32 $0x1F40, s9;
	s0 =	simm.s32 $0x100;
	[sflag:s11] =	ssyncset.done $0x0  }
.LBB2_2:
0x41: {  	s7 =	sadd.s32 s31, s8  }
0x42: {  	[sflag:s11] =	ssyncadd.s32 $0xFFFFF830;
	s31 =	smov.u32 s0;
	s6 =	sadd.s32 $0x80, s0  }
0x43: {  	[tilespmem:s4], [sflag:$0x1] =	stream.linear.gather [hbm4b:s7+s4], $0x400, $0x38;
	[tilespmem:$0x105D0] =	vst v63  }
0x44: {  	p0 =	sne.s32 s0, $0x1880;
	_ =	swait.ge [sflag:s11], $0x400  }
0x45: {  	[sflag:s11] =	ssyncset.done $0x0  }
0x46: {  	[sflag:s11] =	ssyncadd.s32 $0xFFFFFC00  }
0x47: {  	[tilespmem:s14], [sflag:$0x1] =	stream.strided.gather [hbm4b:s2+s12], $0x3E80, s13, s12, $0x38;
	[tilespmem:$0x105D0] =	vst v63  }
0x48: {  	_ =	swait.ge [sflag:s11], $0x3E80  }
0x49: {  	[sflag:s11] =	ssyncset.done $0x0  }
0x4a: {  	[sflag:s11] =	ssyncadd.s32 $0xFFFFC180  }
0x4b: {  	[spmem:s3] =	stream.indirect.scatter.add.f32 [tilespmem:s14], [sflag:$0x1], $0x10, s4, s15, $0xb8;
	[tilespmem:$0x105D0] =	vst v63  }
0x4c: {  	_ =	swait.ge [sflag:s11], $0x7D0  }
0x4d: {  	[sflag:s11] =	ssyncset.done $0x0  }
0x4e: {  	[sflag:s11] =	ssyncadd.s32 $0xFFFFF830  }
0x4f: {  	[spmem:s3] =	stream.indirect.scatter.add.f32 [tilespmem:s17], [sflag:$0x1], $0x10, s16, s15, $0xb8;
	[tilespmem:$0x105D0] =	vst v63  }
0x50: {  	_ =	swait.ge [sflag:s11], $0x7D0  }
0x51: {  	[sflag:s11] =	ssyncset.done $0x0  }
0x52: {  	[sflag:s11] =	ssyncadd.s32 $0xFFFFF830  }
0x53: {  	[spmem:s3] =	stream.indirect.scatter.add.f32 [tilespmem:s19], [sflag:$0x1], $0x10, s18, s15, $0xb8;
	[tilespmem:$0x105D0] =	vst v63  }
0x54: {  	_ =	swait.ge [sflag:s11], $0x7D0  }
0x55: {  	[sflag:s11] =	ssyncset.done $0x0  }
0x56: {  	[sflag:s11] =	ssyncadd.s32 $0xFFFFF830  }
0x57: {  	[spmem:s3] =	stream.indirect.scatter.add.f32 [tilespmem:s21], [sflag:$0x1], $0x10, s20, s15, $0xb8;
	[tilespmem:$0x105D0] =	vst v63  }
0x58: {  	_ =	swait.ge [sflag:s11], $0x7D0  }
0x59: {  	[sflag:s11] =	ssyncset.done $0x0  }
0x5a: {  	[sflag:s11] =	ssyncadd.s32 $0xFFFFF830  }
0x5b: {  	[spmem:s3] =	stream.indirect.scatter.add.f32 [tilespmem:s23], [sflag:$0x1], $0x10, s22, s15, $0xb8;
	[tilespmem:$0x105D0] =	vst v63  }
0x5c: {  	_ =	swait.ge [sflag:s11], $0x7D0  }
0x5d: {  	[sflag:s11] =	ssyncset.done $0x0  }
0x5e: {  	[sflag:s11] =	ssyncadd.s32 $0xFFFFF830  }
0x5f: {  	[spmem:s3] =	stream.indirect.scatter.add.f32 [tilespmem:s25], [sflag:$0x1], $0x10, s24, s15, $0xb8;
	[tilespmem:$0x105D0] =	vst v63  }
0x60: {  	_ =	swait.ge [sflag:s11], $0x7D0  }
0x61: {  	[sflag:s11] =	ssyncset.done $0x0  }
0x62: {  	[sflag:s11] =	ssyncadd.s32 $0xFFFFF830  }
0x63: {  	[spmem:s3] =	stream.indirect.scatter.add.f32 [tilespmem:s28], [sflag:$0x1], $0x10, s26, s15, $0xb8;
	[tilespmem:$0x105D0] =	vst v63  }
0x64: {  	_ =	swait.ge [sflag:s11], $0x7D0  }
.Ltmp0:
0x65: {  	[sflag:s11] =	ssyncset.done $0x0;
	(pc) =	sbr.rel @p0 .LBB2_2-.Ltmp0, $4  }
0x66: {  	[sflag:s11] =	ssyncadd.s32 $0xFFFFF830  }
0x67: {  	[spmem:s3] =	stream.indirect.scatter.add.f32 [tilespmem:s30], [sflag:$0x1], $0x10, s29, s15, $0xb8;
	[tilespmem:$0x105D0] =	vst v63  }
0x68: {  	_ =	swait.ge [sflag:s11], $0x7D0  }
0x69: {  	s0 =	smov.u32 s6;
	s2 =	sadd.s32 $0x1F40, s2;
	[sflag:s11] =	ssyncset.done $0x0  }
0x6a: {  	s0 =	sadd.s32 s31, s8;
	[sflag:s11] =	ssyncadd.s32 $0xFFFFF830  }
0x6b: {  	[tilespmem:s4], [sflag:$0x1] =	stream.linear.gather [hbm4b:s0+s4], $0x400, $0x38;
	[tilespmem:$0x105D0] =	vst v63  }
0x6c: {  	_ =	swait.ge [sflag:s11], $0x400  }
0x6d: {  	[sflag:s11] =	ssyncset.done $0x0  }
0x6e: {  	[sflag:s11] =	ssyncadd.s32 $0xFFFFFC00  }
0x6f: {  	[tilespmem:s14], [sflag:$0x1] =	stream.strided.gather [hbm4b:s2+s12], $0x3E80, s13, s12, $0x38;
	[tilespmem:$0x105D0] =	vst v63  }
0x70: {  	_ =	swait.ge [sflag:s11], $0x3E80  }
0x71: {  	[sflag:s11] =	ssyncset.done $0x0  }
0x72: {  	[sflag:s11] =	ssyncadd.s32 $0xFFFFC180  }
0x73: {  	[spmem:s3] =	stream.indirect.scatter.add.f32 [tilespmem:s14], [sflag:$0x1], $0x10, s4, s15, $0xb8;
	[tilespmem:$0x105D0] =	vst v63  }
0x74: {  	_ =	swait.ge [sflag:s11], $0x7D0  }
0x75: {  	[sflag:s11] =	ssyncset.done $0x0  }
0x76: {  	[sflag:s11] =	ssyncadd.s32 $0xFFFFF830  }
0x77: {  	[spmem:s3] =	stream.indirect.scatter.add.f32 [tilespmem:s17], [sflag:$0x1], $0x10, s16, s15, $0xb8;
	[tilespmem:$0x105D0] =	vst v63  }
0x78: {  	_ =	swait.ge [sflag:s11], $0x7D0  }
0x79: {  	[sflag:s11] =	ssyncset.done $0x0  }
0x7a: {  	[sflag:s11] =	ssyncadd.s32 $0xFFFFF830  }
0x7b: {  	[spmem:s3] =	stream.indirect.scatter.add.f32 [tilespmem:s19], [sflag:$0x1], $0x10, s18, s15, $0xb8;
	[tilespmem:$0x105D0] =	vst v63  }
0x7c: {  	_ =	swait.ge [sflag:s11], $0x7D0  }
0x7d: {  	[sflag:s11] =	ssyncset.done $0x0  }
0x7e: {  	[sflag:s11] =	ssyncadd.s32 $0xFFFFF830  }
0x7f: {  	[spmem:s3] =	stream.indirect.scatter.add.f32 [tilespmem:s21], [sflag:$0x1], $0x10, s20, s15, $0xb8;
	[tilespmem:$0x105D0] =	vst v63  }
0x80: {  	_ =	swait.ge [sflag:s11], $0x7D0  }
0x81: {  	[sflag:s11] =	ssyncset.done $0x0  }
0x82: {  	[sflag:s11] =	ssyncadd.s32 $0xFFFFF830  }
0x83: {  	[spmem:s3] =	stream.indirect.scatter.add.f32 [tilespmem:s23], [sflag:$0x1], $0x10, s22, s15, $0xb8;
	[tilespmem:$0x105D0] =	vst v63  }
0x84: {  	_ =	swait.ge [sflag:s11], $0x7D0  }
0x85: {  	[sflag:s11] =	ssyncset.done $0x0  }
0x86: {  	[sflag:s11] =	ssyncadd.s32 $0xFFFFF830  }
0x87: {  	[spmem:s3] =	stream.indirect.scatter.add.f32 [tilespmem:s25], [sflag:$0x1], $0x10, s24, s15, $0xb8;
	[tilespmem:$0x105D0] =	vst v63  }
0x88: {  	_ =	swait.ge [sflag:s11], $0x7D0  }
0x89: {  	[sflag:s11] =	ssyncset.done $0x0  }
0x8a: {  	[sflag:s11] =	ssyncadd.s32 $0xFFFFF830  }
0x8b: {  	[spmem:s3] =	stream.indirect.scatter.add.f32 [tilespmem:s28], [sflag:$0x1], $0x10, s26, s15, $0xb8;
	[tilespmem:$0x105D0] =	vst v63  }
0x8c: {  	_ =	swait.ge [sflag:s11], $0x7D0  }
0x8d: {  	[sflag:s11] =	ssyncset.done $0x0  }
0x8e: {  	[sflag:s11] =	ssyncadd.s32 $0xFFFFF830  }
0x8f: {  	[spmem:s3] =	stream.indirect.scatter.add.f32 [tilespmem:s30], [sflag:$0x1], $0x10, s29, s15, $0xb8;
	[tilespmem:$0x105D0] =	vst v63  }
0x90: {  	_ =	swait.ge [sflag:s11], $0x7D0  }
0x91: {  	[sflag:s11] =	ssyncset.done $0x0  }
0x92: {  	[sflag:s11] =	ssyncadd.s32 $0xFFFFF830  }
0x93: {  	[bflag:$0x0] =	sbarrier.arrive $0xFFFF  }
0x94: {  	s7 =	simm.s32 $0x4;
	s6 =	simm.s32 $0x2;
	s2 =	rddreg [dreg:$0x4]  }
0x95: {  	[hbm:s2@s7], [sflag:s5] =	dma.strided [spmem:s10@s6], $0x186A, s11, $0x2   }
0x96: {  	_ =	swait.ge [sflag:s11], $0x186A  }
0x97: {  	s1 =	sadd.s32 $0x1, s1;
	s31 =	rddreg [dreg:$0x5]  }
0x98: {  	p0 =	sne.s32 s1, s31  }
.Ltmp1:
0x99: {  	_ = 	snop;
	(pc) =	sbr.rel @p0 .LBB2_1-.Ltmp1, $3  }
0x9a: {  	_ =	sdelay $0x1  }
0x9b: {  	[sflag:s11] =	ssyncset.done $0x0  }
0x9c: {  	[sflag:s11] =	ssyncadd.s32 $0xFFFFE796  }
0x9d: {  	_ =	sfence.sel $0x180000  }
0x9e: {  	[bflag:$0x0] =	sbarrier.arrive $0xFFFF  }
0x9f: {  	_ =	strace $0x9000004A  }
0xa0: {  	s0 =	stileid.u32;
	[bflag:$0x2] =	sbarrier.arrive $0xFFFF  }
0xa1: {  	p0 =	sne.s32 s0, $0x0;
	s0 =	rddreg [dreg:$0x3]  }
0xa2: {  	s0 =	sadd.s32 @!p0 $0x100000, s0  }
0xa3: {  	[sflag:s0] =	ssyncadd.tile.s32 @!p0 $0x1;
	_ =	shalt  }
.Lfunc_end2:
_tile_overlayer_lowered:
.L_overlay_start_2:
0xa4: {  	(tag) =	ssettag $0x2  }
0xa5: {  	s0 =	rddreg [dreg:$0x0];
	s2 =	stileid.u32  }
0xa6: {  	s1 =	rddreg [dreg:$0x1];
	p0 =	sne.s32 s2, $0x0  }
0xa7: {  	s3 =	rddreg [dreg:$0x2];
	[bflag:$0x3] =	sbarrier.arrive $0xFFFF;
	s2 =	simm.s32 @!p0 $0x1C01  }
0xa8: {  	[timem:s3], [sflag:s2] =	dma.local @!p0 [hbm:s0], s1  }
0xa9: {  	s0 =	simm.s32 @!p0 $0x1  }
0xaa: {  	_ =	swait.ge @!p0 [sflag:s0], s1  }
0xab: {  	s1 =	ssub.s32 @!p0 $0x0, s1;
	[sflag:s0] =	ssyncset.done @!p0 $0x0  }
0xac: {  	[sflag:s0] =	ssyncadd.s32 @!p0 s1  }
0xad: {  	[bflag:$0x3] =	sbarrier.arrive $0xFFFF  }
0xae: {  	_ =	shalt  }

// kernel: kernel.14.cloned.1.call-start
scs
__scs_entry_jumppad:
0x0: {  	(pc) =	sbr.rel $0x88, $3  }
0x1: {  	(tag) =	ssettag $0x0;
	lr =	simm.s32 $0x1  }
0x2: {  	[smem:$0x3F8D] =	sst lr;
	_ =	strace $0xD0000000  }
0x3: {  	_ = 	snop  }
0x4: {  	_ = 	snop  }
0x5: {  	_ = 	snop  }
0x6: {  	_ = 	snop  }
0x7: {  	_ = 	snop  }
__scs_overlays_trampoline_lowered:
0x8: {  	[smem:$0x3F9C] =	sst s0  }
0x9: {  	[smem:$0x3F9D] =	sst s1  }
0xa: {  	[smem:$0x3F9E] =	sst s2  }
0xb: {  	[smem:$0x3F9F] =	sst s3  }
0xc: {  	[smem:$0x3FA0] =	sst s4  }
0xd: {  	[smem:$0x3FA1] =	sst s5  }
0xe: {  	[smem:$0x3FA2] =	sst s6  }
0xf: {  	[smem:$0x3FA3] =	sst s7  }
0x10: {  	[smem:$0x3FA4] =	sst s8  }
0x11: {  	[smem:$0x3FA5] =	sst s9;
	s0 =	simm.s32 @!p0 $0x0  }
0x12: {  	s1 =	sld [smem:$0x3F8B];
	s0 =	simm.s32 @p0 $0x1  }
0x13: {  	[smem:$0x3FA6] =	sst s0;
	s0 =	simm.s32 @!p1 $0x0  }
0x14: {  	s2 =	sld [smem:$0x3F8A];
	s0 =	simm.s32 @p1 $0x1  }
0x15: {  	[smem:$0x3FA7] =	sst s0;
	s0 =	simm.s32 @!p2 $0x0  }
0x16: {  	s3 =	sld [smem:$0x3FDB];
	s0 =	simm.s32 @p2 $0x1  }
0x17: {  	s4 =	simm.s32 $0x1BF5;
	[smem:$0x3FA9] =	sst s0  }
0x18: {  	s0 =	sld [smem:$0x3F8C];
	_ =	swait.ge [sflag:s4], $0x0  }
0x19: {  	s7 =	sld [smem:$0x3F8D]  }
0x1a: {  	s8 =	sadd.s32 $0xFFFFE003, lr  }
0x1b: {  	s9 =	sadd.s32 $0xFFFFFEF7, lr;
	s5 =	simm.s32 $0xFFFFFFFF;
	p2 =	slt.u32 s8, $0xFFFFF086  }
0x1c: {  	p1 =	slt.u32 s9, $0xF7A;
	s5 =	simm.s32 @!p2 $0x0  }
0x1d: {  	s5 =	simm.s32 @p1 $0x1;
	p0 =	seq.s32 s7, s2  }
0x1e: {  	s7 =	smul.u32 @!p0 $0xF7A, s2;
	p2 =	seq.s32 @!p0 s5, $0x0  }
0x1f: {  	s9 =	smul.u32 $0xF7A, s1;
	s8 =	simm.s32 @!p0 $0x1BF5;
	p2 =	por !p2, p0  }
0x20: {  	[sflag:s8] =	ssyncset.s32 @!p0 $0xFFFFF086;
	s6 =	sadd.s32 @!p0 s3, s7;
	s7 =	simm.s32 @!p0 $0x108  }
0x21: {  	s3 =	sadd.s32 s3, s9;
	s6 =	sadd.s32 @!p0 $0x88, s6;
	s7 =	simm.s32 @p2 $0x1082  }
0x22: {  	[simem:s7], [sflag:s8] =	dma.local @!p0 [hbm:s6], $0xF7A  }
0x23: {  	s9 =	sor.u32 $0xD0000000, s2;
	s6 =	simm.s32 $0x108;
	_ =	swait.ge @!p0 [sflag:s8], $0x0  }
0x24: {  	s3 =	sadd.s32 $0x88, s3;
	s6 =	simm.s32 @!p1 $0x1082;
	[sflag:s4] =	ssyncset.s32 $0xFFFFF086  }
0x25: {  	[simem:s6], [sflag:s4] =	dma.local [hbm:s3], $0xF7A  }
0x26: {  	[smem:$0x3F8D] =	sst s1;
	(tag) =	ssettag s2;
	_ =	strace s9  }
0x27: {  	s1 =	sld [smem:$0x3F9D]  }
0x28: {  	s2 =	sld [smem:$0x3F9E]  }
0x29: {  	s4 =	sld [smem:$0x3FA0]  }
0x2a: {  	p0 =	seq.s32 s5, $0x0;
	s5 =	sld [smem:$0x3FA1]  }
0x2b: {  	s6 =	sld [smem:$0x3FA2]  }
0x2c: {  	s7 =	sld [smem:$0x3FA3]  }
0x2d: {  	s3 =	simm.s32 $0x108;
	s8 =	sld [smem:$0x3FA4]  }
0x2e: {  	s3 =	simm.s32 @!p0 $0x1082;
	s9 =	sld [smem:$0x3FA5]  }
0x2f: {  	lr =	sadd.s32 s0, s3;
	s0 =	sld [smem:$0x3F9C]  }
0x30: {  	s3 =	sld [smem:$0x3F9F]  }
0x31: {  	[smem:$0x3FA8] =	sst s10  }
0x32: {  	s10 =	sld [smem:$0x3FA6];
	_ =	sdelay $0x3  }
0x33: {  	p0 =	seq.s32 s10, $0x1;
	s10 =	sld [smem:$0x3FA8];
	_ =	sdelay $0x3  }
0x34: {  	[smem:$0x3FA8] =	sst s10  }
0x35: {  	s10 =	sld [smem:$0x3FA7];
	_ =	sdelay $0x3  }
0x36: {  	p1 =	seq.s32 s10, $0x1;
	s10 =	sld [smem:$0x3FA8];
	_ =	sdelay $0x3  }
0x37: {  	[smem:$0x3FA8] =	sst s10  }
0x38: {  	s10 =	sld [smem:$0x3FA9]  }
0x39: {  	_ = 	snop;
	(pc) =	sbr.ind lr, $3  }
0x3a: {  	_ = 	snop  }
0x3b: {  	_ = 	snop  }
0x3c: {  	p2 =	seq.s32 s10, $0x1;
	s10 =	sld [smem:$0x3FA8]  }
0x3d: {  	_ =	shalt  }
0x3e: {  	_ =	shalt  }
0x3f: {  	_ =	shalt  }
0x40: {  	_ =	shalt  }
0x41: {  	_ =	shalt  }
0x42: {  	_ =	shalt  }
0x43: {  	_ =	shalt  }
0x44: {  	_ =	shalt  }
0x45: {  	_ =	shalt  }
0x46: {  	_ =	shalt  }
0x47: {  	_ =	shalt  }
0x48: {  	_ =	shalt  }
0x49: {  	_ =	shalt  }
0x4a: {  	_ =	shalt  }
0x4b: {  	_ =	shalt  }
0x4c: {  	_ =	shalt  }
0x4d: {  	_ =	shalt  }
0x4e: {  	_ =	shalt  }
0x4f: {  	_ =	shalt  }
0x50: {  	_ =	shalt  }
0x51: {  	_ =	shalt  }
0x52: {  	_ =	shalt  }
0x53: {  	_ =	shalt  }
0x54: {  	_ =	shalt  }
0x55: {  	_ =	shalt  }
0x56: {  	_ =	shalt  }
0x57: {  	_ =	shalt  }
0x58: {  	_ =	shalt  }
0x59: {  	_ =	shalt  }
0x5a: {  	_ =	shalt  }
0x5b: {  	_ =	shalt  }
0x5c: {  	_ =	shalt  }
0x5d: {  	_ =	shalt  }
0x5e: {  	_ =	shalt  }
0x5f: {  	_ =	shalt  }
0x60: {  	_ =	shalt  }
0x61: {  	_ =	shalt  }
0x62: {  	_ =	shalt  }
0x63: {  	_ =	shalt  }
0x64: {  	_ =	shalt  }
0x65: {  	_ =	shalt  }
0x66: {  	_ =	shalt  }
0x67: {  	_ =	shalt  }
0x68: {  	_ =	shalt  }
0x69: {  	_ =	shalt  }
0x6a: {  	_ =	shalt  }
0x6b: {  	_ =	shalt  }
0x6c: {  	_ =	shalt  }
0x6d: {  	_ =	shalt  }
0x6e: {  	_ =	shalt  }
0x6f: {  	_ =	shalt  }
0x70: {  	_ =	shalt  }
0x71: {  	_ =	shalt  }
0x72: {  	_ =	shalt  }
0x73: {  	_ =	shalt  }
0x74: {  	_ =	shalt  }
0x75: {  	_ =	shalt  }
0x76: {  	_ =	shalt  }
0x77: {  	_ =	shalt  }
0x78: {  	_ =	shalt  }
0x79: {  	_ =	shalt  }
0x7a: {  	_ =	shalt  }
0x7b: {  	_ =	shalt  }
0x7c: {  	_ =	shalt  }
0x7d: {  	_ =	shalt  }
0x7e: {  	_ =	shalt  }
0x7f: {  	_ =	shalt  }
0x80: {  	_ =	shalt  }
0x81: {  	_ =	shalt  }
0x82: {  	_ =	shalt  }
0x83: {  	_ =	shalt  }
0x84: {  	_ =	shalt  }
0x85: {  	_ =	shalt  }
0x86: {  	_ =	shalt  }
0x87: {  	_ =	shalt  }
.Lfunc_end0:
.L_simem_size_0:
called_computation.2_lowered:
.L_overlay_start_0:
0x88: {  	s2 =	sld [smem:$0x3FD9]  }
0x89: {  	s3 =	sld [smem:$0x3FFE];
	_ =	sdelay $0x1  }
0x8a: {  	s1 =	srdreg.scid  }
0x8b: {  	s0 =	sand.u32 $0x1, s1  }
0x8c: {  	s17 =	sshll.u32 s0, $0xA;
	s2 =	sadd.s32 s3, s2  }
0x8d: {  	s2 =	sadd.s32 s2, s17  }
0x8e: {  	[smem:$0x3FB4] =	sst s2  }
0x8f: {  	_ = 	snop  }
0x90: {  	s18 =	sld [smem:$0x3FD0];
	(tm) =	ssettm $0x1  }
0x91: {  	s19 =	sld [smem:$0x3FFB];
	_ =	sdelay $0x3  }
0x92: {  	_ =	strace s19  }
0x93: {  	s2 =	sld [smem:$0x3FFC];
	_ =	sdelay $0x3  }
0x94: {  	_ =	strace s2  }
0x95: {  	s2 =	sld [smem:$0x3FFD];
	_ =	sdelay $0x3  }
0x96: {  	_ =	strace s2  }
0x97: {  	_ =	strace $0x8FFFFFFF  }
0x98: {  	s20 =	sld [smem:$0x3FDB];
	_ =	sdelay $0x1  }
0x99: {  	s4 =	simm.s32 $_scs_section_size  }
0x9a: {  	s5 =	simm.s32 $_size__tile_overlayer_lowered;
	s6 =	simm.s32 $_tile_overlayer_lowered  }
0x9b: {  	s7 =	simm.s32 $0x1BFF;
	s21 =	sshll.u32 s6, $0x1;
	s4 =	sadd.s32 s4, s20  }
0x9c: {  	s22 =	simm.s32 $0x0;
	s5 =	sshll.u32 s5, $0x1;
	s6 =	sadd.s32 s21, s4  }
0x9d: {  	[timem:s22], [sflag:s7] =	dma.local [hbm:s6], s5  }
0x9e: {  	_ =	swait.ge [sflag:s7], s5  }
0x9f: {  	s5 =	ssub.s32 $0x0, s5;
	[sflag:s7] =	ssyncset.done $0x0  }
0xa0: {  	[sflag:s7] =	ssyncadd.s32 s5;
	_ =	sdelay $0x1  }
0xa1: {  	s23 =	simm.s32 $0x1B8B  }
0xa2: {  	_ =	swait.ge [sflag:s23], $0x1  }
0xa3: {  	[sflag:s23] =	ssyncset.done $0x0  }
0xa4: {  	[sflag:s23] =	ssyncadd.s32 $0xFFFFFFFF  }
0xa5: {  	s5 =	sld [smem:$0x0]  }
0xa6: {  	s6 =	sand.u32 $0xFFFFFFFE, s1  }
0xa7: {  	p0 =	sne.s32 s1, s6  }
0xa8: {  	s6 =	sshll.u32 @p0 s6, $0xE  }
0xa9: {  	s6 =	sadd.s32 @p0 $0x11B8D, s6;
	s7 =	sshll.u32 @p0 s5, $0x11  }
0xaa: {  	s6 =	sor.u32 @p0 s7, s6  }
0xab: {  	[sflag:s6] =	ssyncadd.remote.s32 @p0 $0x1;
	_ =	sdelay $0x1  }
0xac: {  	s6 =	simm.s32 @p0 $0x1B8D  }
0xad: {  	_ =	swait.eq @p0 [sflag:s6], $0x1  }
0xae: {  	[sflag:s6] =	ssyncadd.s32 @p0 $0xFFFFFFFF  }
0xaf: {  	s7 =	sshll.u32 @!p0 s1, $0xE  }
0xb0: {  	s7 =	sor.u32 @!p0 $0x4000, s7;
	s6 =	simm.s32 @!p0 $0x1B8D  }
0xb1: {  	s5 =	sshll.u32 @!p0 s5, $0x11;
	s7 =	sadd.s32 @!p0 $0x11B8D, s7;
	_ =	swait.eq @!p0 [sflag:s6], $0x1  }
0xb2: {  	s5 =	sor.u32 @!p0 s5, s7;
	[sflag:s6] =	ssyncadd.s32 @!p0 $0xFFFFFFFF  }
0xb3: {  	s25 =	simm.s32 $0x1B8E;
	s24 =	sld [smem:$0x3FFE];
	[sflag:s5] =	ssyncadd.remote.s32 @!p0 $0x1  }
0xb4: {  	s26 =	simm.s32 $execute0_lowered;
	[smem:$0x3FD2] =	sst s25  }
0xb5: {  	s6 =	sshll.u32 s26, $0x1;
	_ =	strace $0x8000004C;
	[dreg:$0x1] =	wrdreg $0xFFFFFFFF  }
0xb6: {  	s28 =	simm.s32 $_size_execute0_lowered;
	s4 =	sadd.s32 s4, s6;
	[dreg:$0x0] =	wrdreg $0x0  }
0xb7: {  	s6 =	sshll.u32 s28, $0x1;
	[dreg:$0x2] =	wrdreg s4  }
0xb8: {  	[dreg:$0x3] =	wrdreg s6  }
0xb9: {  	[dreg:$0x4] =	wrdreg $0xC0  }
0xba: {  	_ =	task [dreg:s22], $0x5FFFF  }
0xbb: {  	[dreg:$0x1] =	wrdreg $0xFFFFFFFF  }
0xbc: {  	[dreg:$0x0] =	wrdreg $0x60  }
0xbd: {  	[dreg:$0x2] =	wrdreg s24  }
0xbe: {  	[dreg:$0x3] =	wrdreg s18  }
0xbf: {  	[dreg:$0x4] =	wrdreg $0x42800  }
0xc0: {  	[dreg:$0x5] =	wrdreg $0xA  }
0xc1: {  	_ =	task.clear_ibuf [dreg:s22], $0x6FFFF;
	_ =	strace $0x9000004C  }
0xc2: {  	s29 =	simm.s32 $0xA;
	_ =	strace $0x8000004E  }
0xc3: {  	_ =	swait.ge [sflag:s29], $0x1  }
0xc4: {  	[sflag:s29] =	ssyncadd.s32 $0xFFFFFFFF  }
0xc5: {  	_ =	strace $0x9000004E  }
0xc6: {  	_ =	sfence  }
0xc7: {  	s30 =	sld [smem:$0x0];
	_ =	sdelay $0x2  }
0xc8: {  	s31 =	sshll.u32 s1, $0xD;
	s1 =	sshrl.u32 s1, $0x2  }
0xc9: {  	s4 =	sand.u32 $0x4000, s31;
	s1 =	sadd.s32 s1, s30  }
0xca: {  	s0 =	sor.u32 s4, s0;
	s1 =	sshll.u32 s1, $0x11  }
0xcb: {  	s0 =	sor.u32 s1, s0  }
0xcc: {  	s0 =	sadd.s32 $0x8F2B, s0  }
0xcd: {  	[sflag:s0] =	ssyncadd.remote.s32 $0x1  }
0xce: {  	_ =	sfence.sel $0xFFFF  }
0xcf: {  	[dreg:$0x0] =	wrdreg $0xFFFFFFFF;
	(pc) =	sbr.abs _section_cstart, $3  }
0xd0: {  	[dreg:$0x1] =	wrdreg $0xFFFFFFFF  }
0xd1: {  	_ =	task.clear_ibuf [dreg:s22], $0x2FFFF;
	_ =	strace $0x9FFFFFFF  }
0xd2: {  	(tm) =	ssettm $0x7FFFFFFF  }
0xd3: {  	_ =	shalt  }
tec
execute0_lowered:
.L_overlay_start_1:
0x0: {  	(tag) =	ssettag $0x1  }
0x1: {  	s0 =	rddreg [dreg:$0x0]  }
0x2: {  	s3 =	rddreg [dreg:$0x2]  }
0x3: {  	s8 =	stileid.u32;
	s2 =	srdreg.scid  }
0x4: {  	s4 =	simm.s32 $0x0;
	s11 =	simm.s32 $0x1;
	s12 =	simm.s32 $0x10  }
0x5: {  	s13 =	simm.s32 $0x40;
	s14 =	simm.s32 $0x400;
	s15 =	simm.s32 $0x7D  }
0x6: {  	s16 =	simm.s32 $0x80;
	s17 =	simm.s32 $0xBD0;
	s18 =	simm.s32 $0x100  }
0x7: {  	s19 =	simm.s32 $0x13A0;
	s20 =	simm.s32 $0x180;
	s21 =	simm.s32 $0x1B70  }
0x8: {  	s22 =	simm.s32 $0x200;
	s28 =	simm.s32 $0x32E0;
	s1 =	smul.u32 $0x1900, s8  }
0x9: {  	s29 =	simm.s32 $0x380;
	s30 =	simm.s32 $0x3AB0;
	s5 =	smul.u32 $0x30D400, s8  }
0xa: {  	s2 =	sand.u32 $0x1, s2;
	[smem:$0x7FF] =	sst s4;
	s7 =	smul.u32 $0x186A0, s8  }
0xb: {  	s23 =	smul.u32 $0x30D40, s8;
	s26 =	sshll.u32 s8, $0x6;
	s6 =	sshll.u32 s2, $0x4  }
0xc: {  	_ =	strace $0x8000004D;
	s2 =	ssub.s32 $0x2, s2;
	s5 =	sor.u32 s6, s5  }
0xd: {  	s1 =	sadd.s32 s1, s0;
	s6 =	sor.u32 s6, s7;
	s24 =	sshrl.u32 s2, $0x1  }
0xe: {  	s25 =	sshrl.u32 s23, $0x2;
	s23 =	simm.s32 $0x2340;
	s5 =	sor.u32 $0x20, s5  }
0xf: {  	s6 =	sshrl.u32 s6, $0x3;
	s2 =	ssub.s32 s2, s24;
	s8 =	sadd.s32 $0x2AA00, s1  }
0x10: {  	s24 =	simm.s32 $0x280;
	s1 =	simm.s32 $0x0;
	s5 =	sshrl.u32 s5, $0x3  }
0x11: {  	s31 =	smax.u32 s2, $0x1;
	s9 =	sadd.s32 s5, s0;
	s0 =	sadd.s32 s6, s0  }
0x12: {  	s6 =	sadd.s32 s25, s3;
	s5 =	sor.u32 $0x1C01, s26;
	[dreg:$0x5] =	wrdreg s31  }
0x13: {  	s25 =	simm.s32 $0x2B10;
	s26 =	simm.s32 $0x300;
	s0 =	sadd.s32 $0x74800, s0  }
0x14: {  	s9 =	sadd.s32 $0x3D6400, s9;
	s10 =	sshrl.u32 s6, $0x3;
	[dreg:$0x4] =	wrdreg s0  }
.LBB2_1:
0x15: {  	s0 =	rddreg [dreg:$0x1]  }
0x16: {  	[spmem:s10], [sflag:s5] =	dma.local [hbm:s0], $0x186A  }
0x17: {  	_ =	swait.ge [sflag:s11], $0x186A  }
0x18: {  	[sflag:s11] =	ssyncset.done $0x0  }
0x19: {  	[sflag:s11] =	ssyncadd.s32 $0xFFFFE796  }
0x1a: {  	s7 =	sadd.s32 $0x0, s8;
	[bflag:$0x0] =	sbarrier.arrive $0xFFFF  }
0x1b: {  	[tilespmem:s4], [sflag:$0x1] =	stream.linear.gather [hbm4b:s7+s4], $0x400, $0x38;
	[tilespmem:$0x105D0] =	vst v63  }
0x1c: {  	_ =	swait.ge [sflag:s11], $0x400  }
0x1d: {  	[sflag:s11] =	ssyncset.done $0x0  }
0x1e: {  	[sflag:s11] =	ssyncadd.s32 $0xFFFFFC00  }
0x1f: {  	[tilespmem:s14], [sflag:$0x1] =	stream.strided.gather [hbm4b:s9+s12], $0x3E80, s13, s12, $0x38;
	[tilespmem:$0x105D0] =	vst v63  }
0x20: {  	_ =	swait.ge [sflag:s11], $0x3E80  }
0x21: {  	[sflag:s11] =	ssyncset.done $0x0  }
0x22: {  	[sflag:s11] =	ssyncadd.s32 $0xFFFFC180  }
0x23: {  	[spmem:s3] =	stream.indirect.scatter.add.f32 [tilespmem:s14], [sflag:$0x1], $0x10, s4, s15, $0xb8;
	[tilespmem:$0x105D0] =	vst v63  }
0x24: {  	_ =	swait.ge [sflag:s11], $0x7D0  }
0x25: {  	[sflag:s11] =	ssyncset.done $0x0  }
0x26: {  	[sflag:s11] =	ssyncadd.s32 $0xFFFFF830  }
0x27: {  	[spmem:s3] =	stream.indirect.scatter.add.f32 [tilespmem:s17], [sflag:$0x1], $0x10, s16, s15, $0xb8;
	[tilespmem:$0x105D0] =	vst v63  }
0x28: {  	_ =	swait.ge [sflag:s11], $0x7D0  }
0x29: {  	[sflag:s11] =	ssyncset.done $0x0  }
0x2a: {  	[sflag:s11] =	ssyncadd.s32 $0xFFFFF830  }
0x2b: {  	[spmem:s3] =	stream.indirect.scatter.add.f32 [tilespmem:s19], [sflag:$0x1], $0x10, s18, s15, $0xb8;
	[tilespmem:$0x105D0] =	vst v63  }
0x2c: {  	_ =	swait.ge [sflag:s11], $0x7D0  }
0x2d: {  	[sflag:s11] =	ssyncset.done $0x0  }
0x2e: {  	[sflag:s11] =	ssyncadd.s32 $0xFFFFF830  }
0x2f: {  	[spmem:s3] =	stream.indirect.scatter.add.f32 [tilespmem:s21], [sflag:$0x1], $0x10, s20, s15, $0xb8;
	[tilespmem:$0x105D0] =	vst v63  }
0x30: {  	_ =	swait.ge [sflag:s11], $0x7D0  }
0x31: {  	[sflag:s11] =	ssyncset.done $0x0  }
0x32: {  	[sflag:s11] =	ssyncadd.s32 $0xFFFFF830  }
0x33: {  	[spmem:s3] =	stream.indirect.scatter.add.f32 [tilespmem:s23], [sflag:$0x1], $0x10, s22, s15, $0xb8;
	[tilespmem:$0x105D0] =	vst v63  }
0x34: {  	_ =	swait.ge [sflag:s11], $0x7D0  }
0x35: {  	[sflag:s11] =	ssyncset.done $0x0  }
0x36: {  	[sflag:s11] =	ssyncadd.s32 $0xFFFFF830  }
0x37: {  	[spmem:s3] =	stream.indirect.scatter.add.f32 [tilespmem:s25], [sflag:$0x1], $0x10, s24, s15, $0xb8;
	[tilespmem:$0x105D0] =	vst v63  }
0x38: {  	_ =	swait.ge [sflag:s11], $0x7D0  }
0x39: {  	[sflag:s11] =	ssyncset.done $0x0  }
0x3a: {  	[sflag:s11] =	ssyncadd.s32 $0xFFFFF830  }
0x3b: {  	[spmem:s3] =	stream.indirect.scatter.add.f32 [tilespmem:s28], [sflag:$0x1], $0x10, s26, s15, $0xb8;
	[tilespmem:$0x105D0] =	vst v63  }
0x3c: {  	_ =	swait.ge [sflag:s11], $0x7D0  }
0x3d: {  	[sflag:s11] =	ssyncset.done $0x0  }
0x3e: {  	[sflag:s11] =	ssyncadd.s32 $0xFFFFF830  }
0x3f: {  	[spmem:s3] =	stream.indirect.scatter.add.f32 [tilespmem:s30], [sflag:$0x1], $0x10, s29, s15, $0xb8;
	[tilespmem:$0x105D0] =	vst v63  }
0x40: {  	s31 =	simm.s32 $0x80;
	_ =	swait.ge [sflag:s11], $0x7D0  }
0x41: {  	s2 =	sadd.s32 $0x1F40, s9;
	s0 =	simm.s32 $0x100;
	[sflag:s11] =	ssyncset.done $0x0  }
.LBB2_2:
0x42: {  	s7 =	sadd.s32 s31, s8  }
0x43: {  	[sflag:s11] =	ssyncadd.s32 $0xFFFFF830;
	s31 =	smov.u32 s0;
	s6 =	sadd.s32 $0x80, s0  }
0x44: {  	[tilespmem:s4], [sflag:$0x1] =	stream.linear.gather [hbm4b:s7+s4], $0x400, $0x38;
	[tilespmem:$0x105D0] =	vst v63  }
0x45: {  	p0 =	sne.s32 s0, $0x1880;
	_ =	swait.ge [sflag:s11], $0x400  }
0x46: {  	[sflag:s11] =	ssyncset.done $0x0  }
0x47: {  	[sflag:s11] =	ssyncadd.s32 $0xFFFFFC00  }
0x48: {  	[tilespmem:s14], [sflag:$0x1] =	stream.strided.gather [hbm4b:s2+s12], $0x3E80, s13, s12, $0x38;
	[tilespmem:$0x105D0] =	vst v63  }
0x49: {  	_ =	swait.ge [sflag:s11], $0x3E80  }
0x4a: {  	[sflag:s11] =	ssyncset.done $0x0  }
0x4b: {  	[sflag:s11] =	ssyncadd.s32 $0xFFFFC180  }
0x4c: {  	[spmem:s3] =	stream.indirect.scatter.add.f32 [tilespmem:s14], [sflag:$0x1], $0x10, s4, s15, $0xb8;
	[tilespmem:$0x105D0] =	vst v63  }
0x4d: {  	_ =	swait.ge [sflag:s11], $0x7D0  }
0x4e: {  	[sflag:s11] =	ssyncset.done $0x0  }
0x4f: {  	[sflag:s11] =	ssyncadd.s32 $0xFFFFF830  }
0x50: {  	[spmem:s3] =	stream.indirect.scatter.add.f32 [tilespmem:s17], [sflag:$0x1], $0x10, s16, s15, $0xb8;
	[tilespmem:$0x105D0] =	vst v63  }
0x51: {  	_ =	swait.ge [sflag:s11], $0x7D0  }
0x52: {  	[sflag:s11] =	ssyncset.done $0x0  }
0x53: {  	[sflag:s11] =	ssyncadd.s32 $0xFFFFF830  }
0x54: {  	[spmem:s3] =	stream.indirect.scatter.add.f32 [tilespmem:s19], [sflag:$0x1], $0x10, s18, s15, $0xb8;
	[tilespmem:$0x105D0] =	vst v63  }
0x55: {  	_ =	swait.ge [sflag:s11], $0x7D0  }
0x56: {  	[sflag:s11] =	ssyncset.done $0x0  }
0x57: {  	[sflag:s11] =	ssyncadd.s32 $0xFFFFF830  }
0x58: {  	[spmem:s3] =	stream.indirect.scatter.add.f32 [tilespmem:s21], [sflag:$0x1], $0x10, s20, s15, $0xb8;
	[tilespmem:$0x105D0] =	vst v63  }
0x59: {  	_ =	swait.ge [sflag:s11], $0x7D0  }
0x5a: {  	[sflag:s11] =	ssyncset.done $0x0  }
0x5b: {  	[sflag:s11] =	ssyncadd.s32 $0xFFFFF830  }
0x5c: {  	[spmem:s3] =	stream.indirect.scatter.add.f32 [tilespmem:s23], [sflag:$0x1], $0x10, s22, s15, $0xb8;
	[tilespmem:$0x105D0] =	vst v63  }
0x5d: {  	_ =	swait.ge [sflag:s11], $0x7D0  }
0x5e: {  	[sflag:s11] =	ssyncset.done $0x0  }
0x5f: {  	[sflag:s11] =	ssyncadd.s32 $0xFFFFF830  }
0x60: {  	[spmem:s3] =	stream.indirect.scatter.add.f32 [tilespmem:s25], [sflag:$0x1], $0x10, s24, s15, $0xb8;
	[tilespmem:$0x105D0] =	vst v63  }
0x61: {  	_ =	swait.ge [sflag:s11], $0x7D0  }
0x62: {  	[sflag:s11] =	ssyncset.done $0x0  }
0x63: {  	[sflag:s11] =	ssyncadd.s32 $0xFFFFF830  }
0x64: {  	[spmem:s3] =	stream.indirect.scatter.add.f32 [tilespmem:s28], [sflag:$0x1], $0x10, s26, s15, $0xb8;
	[tilespmem:$0x105D0] =	vst v63  }
0x65: {  	_ =	swait.ge [sflag:s11], $0x7D0  }
.Ltmp0:
0x66: {  	[sflag:s11] =	ssyncset.done $0x0;
	(pc) =	sbr.rel @p0 .LBB2_2-.Ltmp0, $4  }
0x67: {  	[sflag:s11] =	ssyncadd.s32 $0xFFFFF830  }
0x68: {  	[spmem:s3] =	stream.indirect.scatter.add.f32 [tilespmem:s30], [sflag:$0x1], $0x10, s29, s15, $0xb8;
	[tilespmem:$0x105D0] =	vst v63  }
0x69: {  	_ =	swait.ge [sflag:s11], $0x7D0  }
0x6a: {  	s0 =	smov.u32 s6;
	s2 =	sadd.s32 $0x1F40, s2;
	[sflag:s11] =	ssyncset.done $0x0  }
0x6b: {  	s0 =	sadd.s32 s31, s8;
	[sflag:s11] =	ssyncadd.s32 $0xFFFFF830  }
0x6c: {  	[tilespmem:s4], [sflag:$0x1] =	stream.linear.gather [hbm4b:s0+s4], $0x400, $0x38;
	[tilespmem:$0x105D0] =	vst v63  }
0x6d: {  	_ =	swait.ge [sflag:s11], $0x400  }
0x6e: {  	[sflag:s11] =	ssyncset.done $0x0  }
0x6f: {  	[sflag:s11] =	ssyncadd.s32 $0xFFFFFC00  }
0x70: {  	[tilespmem:s14], [sflag:$0x1] =	stream.strided.gather [hbm4b:s2+s12], $0x3E80, s13, s12, $0x38;
	[tilespmem:$0x105D0] =	vst v63  }
0x71: {  	_ =	swait.ge [sflag:s11], $0x3E80  }
0x72: {  	[sflag:s11] =	ssyncset.done $0x0  }
0x73: {  	[sflag:s11] =	ssyncadd.s32 $0xFFFFC180  }
0x74: {  	[spmem:s3] =	stream.indirect.scatter.add.f32 [tilespmem:s14], [sflag:$0x1], $0x10, s4, s15, $0xb8;
	[tilespmem:$0x105D0] =	vst v63  }
0x75: {  	_ =	swait.ge [sflag:s11], $0x7D0  }
0x76: {  	[sflag:s11] =	ssyncset.done $0x0  }
0x77: {  	[sflag:s11] =	ssyncadd.s32 $0xFFFFF830  }
0x78: {  	[spmem:s3] =	stream.indirect.scatter.add.f32 [tilespmem:s17], [sflag:$0x1], $0x10, s16, s15, $0xb8;
	[tilespmem:$0x105D0] =	vst v63  }
0x79: {  	_ =	swait.ge [sflag:s11], $0x7D0  }
0x7a: {  	[sflag:s11] =	ssyncset.done $0x0  }
0x7b: {  	[sflag:s11] =	ssyncadd.s32 $0xFFFFF830  }
0x7c: {  	[spmem:s3] =	stream.indirect.scatter.add.f32 [tilespmem:s19], [sflag:$0x1], $0x10, s18, s15, $0xb8;
	[tilespmem:$0x105D0] =	vst v63  }
0x7d: {  	_ =	swait.ge [sflag:s11], $0x7D0  }
0x7e: {  	[sflag:s11] =	ssyncset.done $0x0  }
0x7f: {  	[sflag:s11] =	ssyncadd.s32 $0xFFFFF830  }
0x80: {  	[spmem:s3] =	stream.indirect.scatter.add.f32 [tilespmem:s21], [sflag:$0x1], $0x10, s20, s15, $0xb8;
	[tilespmem:$0x105D0] =	vst v63  }
0x81: {  	_ =	swait.ge [sflag:s11], $0x7D0  }
0x82: {  	[sflag:s11] =	ssyncset.done $0x0  }
0x83: {  	[sflag:s11] =	ssyncadd.s32 $0xFFFFF830  }
0x84: {  	[spmem:s3] =	stream.indirect.scatter.add.f32 [tilespmem:s23], [sflag:$0x1], $0x10, s22, s15, $0xb8;
	[tilespmem:$0x105D0] =	vst v63  }
0x85: {  	_ =	swait.ge [sflag:s11], $0x7D0  }
0x86: {  	[sflag:s11] =	ssyncset.done $0x0  }
0x87: {  	[sflag:s11] =	ssyncadd.s32 $0xFFFFF830  }
0x88: {  	[spmem:s3] =	stream.indirect.scatter.add.f32 [tilespmem:s25], [sflag:$0x1], $0x10, s24, s15, $0xb8;
	[tilespmem:$0x105D0] =	vst v63  }
0x89: {  	_ =	swait.ge [sflag:s11], $0x7D0  }
0x8a: {  	[sflag:s11] =	ssyncset.done $0x0  }
0x8b: {  	[sflag:s11] =	ssyncadd.s32 $0xFFFFF830  }
0x8c: {  	[spmem:s3] =	stream.indirect.scatter.add.f32 [tilespmem:s28], [sflag:$0x1], $0x10, s26, s15, $0xb8;
	[tilespmem:$0x105D0] =	vst v63  }
0x8d: {  	_ =	swait.ge [sflag:s11], $0x7D0  }
0x8e: {  	[sflag:s11] =	ssyncset.done $0x0  }
0x8f: {  	[sflag:s11] =	ssyncadd.s32 $0xFFFFF830  }
0x90: {  	[spmem:s3] =	stream.indirect.scatter.add.f32 [tilespmem:s30], [sflag:$0x1], $0x10, s29, s15, $0xb8;
	[tilespmem:$0x105D0] =	vst v63  }
0x91: {  	_ =	swait.ge [sflag:s11], $0x7D0  }
0x92: {  	[sflag:s11] =	ssyncset.done $0x0  }
0x93: {  	[sflag:s11] =	ssyncadd.s32 $0xFFFFF830  }
0x94: {  	[bflag:$0x0] =	sbarrier.arrive $0xFFFF  }
0x95: {  	s7 =	simm.s32 $0x4;
	s6 =	simm.s32 $0x2;
	s2 =	rddreg [dreg:$0x4]  }
0x96: {  	[hbm:s2@s7], [sflag:s5] =	dma.strided [spmem:s10@s6], $0x186A, s11, $0x2   }
0x97: {  	_ =	swait.ge [sflag:s11], $0x186A  }
0x98: {  	s1 =	sadd.s32 $0x1, s1;
	s31 =	rddreg [dreg:$0x5]  }
0x99: {  	p0 =	sne.s32 s1, s31  }
.Ltmp1:
0x9a: {  	_ = 	snop;
	(pc) =	sbr.rel @p0 .LBB2_1-.Ltmp1, $3  }
0x9b: {  	_ =	sdelay $0x1  }
0x9c: {  	[sflag:s11] =	ssyncset.done $0x0  }
0x9d: {  	[sflag:s11] =	ssyncadd.s32 $0xFFFFE796  }
0x9e: {  	_ =	sfence.sel $0x180000  }
0x9f: {  	[bflag:$0x0] =	sbarrier.arrive $0xFFFF  }
0xa0: {  	_ =	strace $0x9000004D  }
0xa1: {  	s0 =	stileid.u32;
	[bflag:$0x2] =	sbarrier.arrive $0xFFFF  }
0xa2: {  	p0 =	sne.s32 s0, $0x0;
	s0 =	rddreg [dreg:$0x3]  }
0xa3: {  	s0 =	sadd.s32 @!p0 $0x100000, s0  }
0xa4: {  	[sflag:s0] =	ssyncadd.tile.s32 @!p0 $0x1;
	_ =	shalt  }
.Lfunc_end2:
_tile_overlayer_lowered:
.L_overlay_start_2:
0xa5: {  	(tag) =	ssettag $0x2  }
0xa6: {  	s0 =	rddreg [dreg:$0x0];
	s2 =	stileid.u32  }
0xa7: {  	s1 =	rddreg [dreg:$0x1];
	p0 =	sne.s32 s2, $0x0  }
0xa8: {  	s3 =	rddreg [dreg:$0x2];
	[bflag:$0x3] =	sbarrier.arrive $0xFFFF;
	s2 =	simm.s32 @!p0 $0x1C01  }
0xa9: {  	[timem:s3], [sflag:s2] =	dma.local @!p0 [hbm:s0], s1  }
0xaa: {  	s0 =	simm.s32 @!p0 $0x1  }
0xab: {  	_ =	swait.ge @!p0 [sflag:s0], s1  }
0xac: {  	s1 =	ssub.s32 @!p0 $0x0, s1;
	[sflag:s0] =	ssyncset.done @!p0 $0x0  }
0xad: {  	[sflag:s0] =	ssyncadd.s32 @!p0 s1  }
0xae: {  	[bflag:$0x3] =	sbarrier.arrive $0xFFFF  }
0xaf: {  	_ =	shalt  }

// kernel: kernel.8.cloned.1.call-start
scs
__scs_entry_jumppad:
0x0: {  	(pc) =	sbr.rel $0x88, $3  }
0x1: {  	(tag) =	ssettag $0x0;
	lr =	simm.s32 $0x1  }
0x2: {  	[smem:$0x3F8D] =	sst lr;
	_ =	strace $0xD0000000  }
0x3: {  	_ = 	snop  }
0x4: {  	_ = 	snop  }
0x5: {  	_ = 	snop  }
0x6: {  	_ = 	snop  }
0x7: {  	_ = 	snop  }
__scs_overlays_trampoline_lowered:
0x8: {  	[smem:$0x3F9C] =	sst s0  }
0x9: {  	[smem:$0x3F9D] =	sst s1  }
0xa: {  	[smem:$0x3F9E] =	sst s2  }
0xb: {  	[smem:$0x3F9F] =	sst s3  }
0xc: {  	[smem:$0x3FA0] =	sst s4  }
0xd: {  	[smem:$0x3FA1] =	sst s5  }
0xe: {  	[smem:$0x3FA2] =	sst s6  }
0xf: {  	[smem:$0x3FA3] =	sst s7  }
0x10: {  	[smem:$0x3FA4] =	sst s8  }
0x11: {  	[smem:$0x3FA5] =	sst s9;
	s0 =	simm.s32 @!p0 $0x0  }
0x12: {  	s1 =	sld [smem:$0x3F8B];
	s0 =	simm.s32 @p0 $0x1  }
0x13: {  	[smem:$0x3FA6] =	sst s0;
	s0 =	simm.s32 @!p1 $0x0  }
0x14: {  	s2 =	sld [smem:$0x3F8A];
	s0 =	simm.s32 @p1 $0x1  }
0x15: {  	[smem:$0x3FA7] =	sst s0;
	s0 =	simm.s32 @!p2 $0x0  }
0x16: {  	s3 =	sld [smem:$0x3FDB];
	s0 =	simm.s32 @p2 $0x1  }
0x17: {  	s4 =	simm.s32 $0x1BF5;
	[smem:$0x3FA9] =	sst s0  }
0x18: {  	s0 =	sld [smem:$0x3F8C];
	_ =	swait.ge [sflag:s4], $0x0  }
0x19: {  	s7 =	sld [smem:$0x3F8D]  }
0x1a: {  	s8 =	sadd.s32 $0xFFFFE003, lr  }
0x1b: {  	s9 =	sadd.s32 $0xFFFFFEF7, lr;
	s5 =	simm.s32 $0xFFFFFFFF;
	p2 =	slt.u32 s8, $0xFFFFF086  }
0x1c: {  	p1 =	slt.u32 s9, $0xF7A;
	s5 =	simm.s32 @!p2 $0x0  }
0x1d: {  	s5 =	simm.s32 @p1 $0x1;
	p0 =	seq.s32 s7, s2  }
0x1e: {  	s7 =	smul.u32 @!p0 $0xF7A, s2;
	p2 =	seq.s32 @!p0 s5, $0x0  }
0x1f: {  	s9 =	smul.u32 $0xF7A, s1;
	s8 =	simm.s32 @!p0 $0x1BF5;
	p2 =	por !p2, p0  }
0x20: {  	[sflag:s8] =	ssyncset.s32 @!p0 $0xFFFFF086;
	s6 =	sadd.s32 @!p0 s3, s7;
	s7 =	simm.s32 @!p0 $0x108  }
0x21: {  	s3 =	sadd.s32 s3, s9;
	s6 =	sadd.s32 @!p0 $0x88, s6;
	s7 =	simm.s32 @p2 $0x1082  }
0x22: {  	[simem:s7], [sflag:s8] =	dma.local @!p0 [hbm:s6], $0xF7A  }
0x23: {  	s9 =	sor.u32 $0xD0000000, s2;
	s6 =	simm.s32 $0x108;
	_ =	swait.ge @!p0 [sflag:s8], $0x0  }
0x24: {  	s3 =	sadd.s32 $0x88, s3;
	s6 =	simm.s32 @!p1 $0x1082;
	[sflag:s4] =	ssyncset.s32 $0xFFFFF086  }
0x25: {  	[simem:s6], [sflag:s4] =	dma.local [hbm:s3], $0xF7A  }
0x26: {  	[smem:$0x3F8D] =	sst s1;
	(tag) =	ssettag s2;
	_ =	strace s9  }
0x27: {  	s1 =	sld [smem:$0x3F9D]  }
0x28: {  	s2 =	sld [smem:$0x3F9E]  }
0x29: {  	s4 =	sld [smem:$0x3FA0]  }
0x2a: {  	p0 =	seq.s32 s5, $0x0;
	s5 =	sld [smem:$0x3FA1]  }
0x2b: {  	s6 =	sld [smem:$0x3FA2]  }
0x2c: {  	s7 =	sld [smem:$0x3FA3]  }
0x2d: {  	s3 =	simm.s32 $0x108;
	s8 =	sld [smem:$0x3FA4]  }
0x2e: {  	s3 =	simm.s32 @!p0 $0x1082;
	s9 =	sld [smem:$0x3FA5]  }
0x2f: {  	lr =	sadd.s32 s0, s3;
	s0 =	sld [smem:$0x3F9C]  }
0x30: {  	s3 =	sld [smem:$0x3F9F]  }
0x31: {  	[smem:$0x3FA8] =	sst s10  }
0x32: {  	s10 =	sld [smem:$0x3FA6];
	_ =	sdelay $0x3  }
0x33: {  	p0 =	seq.s32 s10, $0x1;
	s10 =	sld [smem:$0x3FA8];
	_ =	sdelay $0x3  }
0x34: {  	[smem:$0x3FA8] =	sst s10  }
0x35: {  	s10 =	sld [smem:$0x3FA7];
	_ =	sdelay $0x3  }
0x36: {  	p1 =	seq.s32 s10, $0x1;
	s10 =	sld [smem:$0x3FA8];
	_ =	sdelay $0x3  }
0x37: {  	[smem:$0x3FA8] =	sst s10  }
0x38: {  	s10 =	sld [smem:$0x3FA9]  }
0x39: {  	_ = 	snop;
	(pc) =	sbr.ind lr, $3  }
0x3a: {  	_ = 	snop  }
0x3b: {  	_ = 	snop  }
0x3c: {  	p2 =	seq.s32 s10, $0x1;
	s10 =	sld [smem:$0x3FA8]  }
0x3d: {  	_ =	shalt  }
0x3e: {  	_ =	shalt  }
0x3f: {  	_ =	shalt  }
0x40: {  	_ =	shalt  }
0x41: {  	_ =	shalt  }
0x42: {  	_ =	shalt  }
0x43: {  	_ =	shalt  }
0x44: {  	_ =	shalt  }
0x45: {  	_ =	shalt  }
0x46: {  	_ =	shalt  }
0x47: {  	_ =	shalt  }
0x48: {  	_ =	shalt  }
0x49: {  	_ =	shalt  }
0x4a: {  	_ =	shalt  }
0x4b: {  	_ =	shalt  }
0x4c: {  	_ =	shalt  }
0x4d: {  	_ =	shalt  }
0x4e: {  	_ =	shalt  }
0x4f: {  	_ =	shalt  }
0x50: {  	_ =	shalt  }
0x51: {  	_ =	shalt  }
0x52: {  	_ =	shalt  }
0x53: {  	_ =	shalt  }
0x54: {  	_ =	shalt  }
0x55: {  	_ =	shalt  }
0x56: {  	_ =	shalt  }
0x57: {  	_ =	shalt  }
0x58: {  	_ =	shalt  }
0x59: {  	_ =	shalt  }
0x5a: {  	_ =	shalt  }
0x5b: {  	_ =	shalt  }
0x5c: {  	_ =	shalt  }
0x5d: {  	_ =	shalt  }
0x5e: {  	_ =	shalt  }
0x5f: {  	_ =	shalt  }
0x60: {  	_ =	shalt  }
0x61: {  	_ =	shalt  }
0x62: {  	_ =	shalt  }
0x63: {  	_ =	shalt  }
0x64: {  	_ =	shalt  }
0x65: {  	_ =	shalt  }
0x66: {  	_ =	shalt  }
0x67: {  	_ =	shalt  }
0x68: {  	_ =	shalt  }
0x69: {  	_ =	shalt  }
0x6a: {  	_ =	shalt  }
0x6b: {  	_ =	shalt  }
0x6c: {  	_ =	shalt  }
0x6d: {  	_ =	shalt  }
0x6e: {  	_ =	shalt  }
0x6f: {  	_ =	shalt  }
0x70: {  	_ =	shalt  }
0x71: {  	_ =	shalt  }
0x72: {  	_ =	shalt  }
0x73: {  	_ =	shalt  }
0x74: {  	_ =	shalt  }
0x75: {  	_ =	shalt  }
0x76: {  	_ =	shalt  }
0x77: {  	_ =	shalt  }
0x78: {  	_ =	shalt  }
0x79: {  	_ =	shalt  }
0x7a: {  	_ =	shalt  }
0x7b: {  	_ =	shalt  }
0x7c: {  	_ =	shalt  }
0x7d: {  	_ =	shalt  }
0x7e: {  	_ =	shalt  }
0x7f: {  	_ =	shalt  }
0x80: {  	_ =	shalt  }
0x81: {  	_ =	shalt  }
0x82: {  	_ =	shalt  }
0x83: {  	_ =	shalt  }
0x84: {  	_ =	shalt  }
0x85: {  	_ =	shalt  }
0x86: {  	_ =	shalt  }
0x87: {  	_ =	shalt  }
.Lfunc_end0:
.L_simem_size_0:
called_computation_lowered:
.L_overlay_start_0:
0x88: {  	s2 =	sld [smem:$0x3FD9]  }
0x89: {  	s3 =	sld [smem:$0x3FFE];
	_ =	sdelay $0x1  }
0x8a: {  	s1 =	srdreg.scid  }
0x8b: {  	s0 =	sand.u32 $0x1, s1  }
0x8c: {  	s16 =	sshll.u32 s0, $0xA;
	s2 =	sadd.s32 s3, s2  }
0x8d: {  	s2 =	sadd.s32 s2, s16  }
0x8e: {  	[smem:$0x3FB4] =	sst s2  }
0x8f: {  	_ = 	snop  }
0x90: {  	(tm) =	ssettm $0x1  }
0x91: {  	s17 =	sld [smem:$0x3FFB];
	_ =	sdelay $0x3  }
0x92: {  	_ =	strace s17  }
0x93: {  	s2 =	sld [smem:$0x3FFC];
	_ =	sdelay $0x3  }
0x94: {  	_ =	strace s2  }
0x95: {  	s2 =	sld [smem:$0x3FFD];
	_ =	sdelay $0x3  }
0x96: {  	_ =	strace s2  }
0x97: {  	_ =	strace $0x8FFFFFFF  }
0x98: {  	s18 =	sld [smem:$0x3FDB];
	_ =	sdelay $0x1  }
0x99: {  	s19 =	simm.s32 $_scs_section_size  }
0x9a: {  	s4 =	simm.s32 $_size__tile_overlayer_lowered;
	s5 =	simm.s32 $_tile_overlayer_lowered  }
0x9b: {  	s22 =	simm.s32 $0x1BFF;
	s21 =	sshll.u32 s5, $0x1;
	s2 =	sadd.s32 s19, s18  }
0x9c: {  	s6 =	simm.s32 $0x0;
	s20 =	sshll.u32 s4, $0x1;
	s4 =	sadd.s32 s21, s2  }
0x9d: {  	[timem:s6], [sflag:s22] =	dma.local [hbm:s4], s20  }
0x9e: {  	_ =	swait.ge [sflag:s22], s20  }
0x9f: {  	s3 =	ssub.s32 $0x0, s20;
	[sflag:s22] =	ssyncset.done $0x0  }
0xa0: {  	[sflag:s22] =	ssyncadd.s32 s3;
	_ =	sdelay $0x1  }
0xa1: {  	s23 =	simm.s32 $0x1B8B  }
0xa2: {  	_ =	swait.ge [sflag:s23], $0x1  }
0xa3: {  	[sflag:s23] =	ssyncset.done $0x0  }
0xa4: {  	s25 =	simm.s32 $0x1B8E;
	s24 =	sld [smem:$0x3FFE];
	[sflag:s23] =	ssyncadd.s32 $0xFFFFFFFF  }
0xa5: {  	s26 =	simm.s32 $execute0_lowered;
	[smem:$0x3FD2] =	sst s25  }
0xa6: {  	s4 =	sshll.u32 s26, $0x1;
	_ =	strace $0x80000046;
	[dreg:$0x1] =	wrdreg $0xFFFFFFFF  }
0xa7: {  	s28 =	simm.s32 $_size_execute0_lowered;
	s2 =	sadd.s32 s2, s4;
	[dreg:$0x0] =	wrdreg $0x0  }
0xa8: {  	s4 =	sshll.u32 s28, $0x1;
	[dreg:$0x2] =	wrdreg s2  }
0xa9: {  	[dreg:$0x3] =	wrdreg s4  }
0xaa: {  	[dreg:$0x4] =	wrdreg $0xC0  }
0xab: {  	_ =	task [dreg:s6], $0x5FFFF  }
0xac: {  	[dreg:$0x1] =	wrdreg $0xFFFFFFFF  }
0xad: {  	[dreg:$0x0] =	wrdreg $0x60  }
0xae: {  	[dreg:$0x2] =	wrdreg s24  }
0xaf: {  	[dreg:$0x3] =	wrdreg $0x9  }
0xb0: {  	_ =	task.clear_ibuf [dreg:s6], $0x4FFFF;
	_ =	strace $0x90000046  }
0xb1: {  	s29 =	simm.s32 $0x9;
	_ =	strace $0x80000048  }
0xb2: {  	_ =	swait.ge [sflag:s29], $0x1  }
0xb3: {  	[sflag:s29] =	ssyncadd.s32 $0xFFFFFFFF  }
0xb4: {  	_ =	strace $0x90000048  }
0xb5: {  	_ =	sfence  }
0xb6: {  	s30 =	sld [smem:$0x0];
	_ =	sdelay $0x2  }
0xb7: {  	s31 =	sshll.u32 s1, $0xD;
	s1 =	sshrl.u32 s1, $0x2  }
0xb8: {  	s3 =	sand.u32 $0x4000, s31;
	s1 =	sadd.s32 s1, s30  }
0xb9: {  	s0 =	sor.u32 s3, s0;
	s1 =	sshll.u32 s1, $0x11  }
0xba: {  	s0 =	sor.u32 s1, s0  }
0xbb: {  	s0 =	sadd.s32 $0x8F2B, s0  }
0xbc: {  	[sflag:s0] =	ssyncadd.remote.s32 $0x1  }
0xbd: {  	_ =	sfence.sel $0xFFFF  }
0xbe: {  	[dreg:$0x0] =	wrdreg $0xFFFFFFFF;
	(pc) =	sbr.abs _section_cstart, $3  }
0xbf: {  	[dreg:$0x1] =	wrdreg $0xFFFFFFFF  }
0xc0: {  	_ =	task.clear_ibuf [dreg:s6], $0x2FFFF;
	_ =	strace $0x9FFFFFFF  }
0xc1: {  	(tm) =	ssettm $0x7FFFFFFF  }
tec
execute0_lowered:
.L_overlay_start_1:
0x0: {  	(tag) =	ssettag $0x1  }
0x1: {  	s5 =	stileid.u32;
	s0 =	srdreg.scid  }
0x2: {  	s3 =	rddreg [dreg:$0x0];
	s2 =	simm.s32 $0x0;
	s17 =	simm.s32 $0x80  }
0x3: {  	s18 =	simm.s32 $0xBE8;
	s20 =	simm.s32 $0x100;
	s21 =	simm.s32 $0xFD0  }
0x4: {  	s22 =	simm.s32 $0x180;
	s23 =	simm.s32 $0x13B8;
	[smem:$0x7FF] =	sst s2  }
0x5: {  	s24 =	simm.s32 $0x200;
	_ =	strace $0x80000047;
	[dreg:$0x4] =	wrdreg s17  }
0x6: {  	s25 =	simm.s32 $0x17A0;
	s26 =	simm.s32 $0x280;
	[dreg:$0x5] =	wrdreg s18  }
0x7: {  	s29 =	simm.s32 $0x1B88;
	s7 =	simm.s32 $0x400;
	[dreg:$0x6] =	wrdreg s20  }
0x8: {  	s30 =	simm.s32 $0x300;
	s8 =	simm.s32 $0x7D;
	[dreg:$0x7] =	wrdreg s21  }
0x9: {  	s31 =	simm.s32 $0x1F70;
	s9 =	simm.s32 $0x800;
	[dreg:$0x8] =	wrdreg s22  }
0xa: {  	s10 =	simm.s32 $0x2358;
	s12 =	simm.s32 $0x2740;
	[dreg:$0x9] =	wrdreg s23  }
0xb: {  	s11 =	simm.s32 $0x480;
	s13 =	simm.s32 $0x2B28;
	[dreg:$0xa] =	wrdreg s24  }
0xc: {  	s28 =	simm.s32 $0x1;
	s1 =	smul.u32 $0xC350, s5;
	[dreg:$0xb] =	wrdreg s25  }
0xd: {  	s0 =	sand.u32 $0x1, s0;
	s14 =	smul.u32 $0x1900, s5;
	[dreg:$0xc] =	wrdreg s26  }
0xe: {  	s5 =	simm.s32 $0x380;
	s4 =	smul.u32 $0x61A8, s0;
	[dreg:$0xd] =	wrdreg s29  }
0xf: {  	s19 =	ssub.s32 $0x2, s0;
	s0 =	smul.u32 $0xC80, s0;
	[dreg:$0xe] =	wrdreg s30  }
0x10: {  	[dreg:$0xf] =	wrdreg s31;
	s17 =	simm.s32 $0x580;
	s18 =	simm.s32 $0x32F8  }
0x11: {  	s20 =	simm.s32 $0x36E0;
	s21 =	simm.s32 $0x680;
	s22 =	simm.s32 $0x3AC8  }
0x12: {  	s23 =	simm.s32 $0x700;
	s24 =	simm.s32 $0x3EB0;
	s25 =	simm.s32 $0x780  }
0x13: {  	s26 =	simm.s32 $0x4298;
	s1 =	sadd.s32 s1, s3;
	s16 =	sadd.s32 s14, s3  }
0x14: {  	s3 =	sadd.s32 $0x5600, s3;
	s6 =	sshrl.u32 s19, $0x1;
	s1 =	sadd.s32 s4, s1  }
0x15: {  	s4 =	ssub.s32 s19, s6;
	s0 =	sadd.s32 s0, s16;
	s15 =	sadd.s32 $0x43A00, s1  }
0x16: {  	s6 =	simm.s32 $0x2;
	s1 =	sadd.s32 $0x107000, s1;
	[dreg:$0x2] =	wrdreg s15  }
0x17: {  	s16 =	simm.s32 $0x2F10;
	s4 =	smax.u32 s4, $0x1;
	[dreg:$0x3] =	wrdreg s1  }
0x18: {  	s19 =	simm.s32 $0x600;
	s0 =	sadd.s32 $0x2AA00, s0;
	[dreg:$0x10] =	wrdreg s4  }
0x19: {  	[dreg:$0x11] =	wrdreg s0;
	s15 =	simm.s32 $0x500;
	s1 =	simm.s32 $0x0  }
.LBB2_1:
0x1a: {  	s4 =	rddreg [dreg:$0x11]  }
0x1b: {  	[dreg:$0x12] =	wrdreg s1;
	s0 =	sadd.s32 $0xFFFE7000, s4  }
0x1c: {  	[tilespmem:s2], [sflag:$0x2] =	stream.linear.gather [hbm4b:s0+s2], $0x400, $0x38;
	[tilespmem:$0x4680] =	vst v63  }
0x1d: {  	_ =	swait.ge [sflag:s6], $0x400  }
0x1e: {  	[sflag:s6] =	ssyncset.done $0x0  }
0x1f: {  	[sflag:s6] =	ssyncadd.s32 $0xFFFFFC00  }
0x20: {  	[tilespmem:s7], [sflag:$0x2] =	stream.linear.gather [hbm4b:s4+s2], $0x400, $0x38;
	[tilespmem:$0x4680] =	vst v63  }
0x21: {  	_ =	swait.ge [sflag:s6], $0x400  }
0x22: {  	s0 =	rddreg [dreg:$0x6]  }
0x23: {  	s14 =	rddreg [dreg:$0x4]  }
0x24: {  	[sflag:s6] =	ssyncset.done $0x0;
	s30 =	rddreg [dreg:$0x5]  }
0x25: {  	s31 =	rddreg [dreg:$0x7];
	[sflag:s6] =	ssyncadd.s32 $0xFFFFFC00  }
0x26: {  	[tilespmem:s9], [sflag:$0x1] =	stream.indirect.gather [hbm4b:s3+s8], $0x8, s2, s8, $0xb8;
	[tilespmem:$0x4680] =	vst v63  }
0x27: {  	s29 =	rddreg [dreg:$0x8]  }
0x28: {  	[tilespmem:s30], [sflag:$0x1] =	stream.indirect.gather [hbm4b:s3+s8], $0x8, s14, s8, $0xb8;
	[tilespmem:$0x4680] =	vst v63  }
0x29: {  	s30 =	rddreg [dreg:$0x9]  }
0x2a: {  	s14 =	rddreg [dreg:$0xb]  }
0x2b: {  	[tilespmem:s31], [sflag:$0x1] =	stream.indirect.gather [hbm4b:s3+s8], $0x8, s0, s8, $0xb8;
	[tilespmem:$0x4680] =	vst v63  }
0x2c: {  	s31 =	rddreg [dreg:$0xa]  }
0x2d: {  	[tilespmem:s30], [sflag:$0x1] =	stream.indirect.gather [hbm4b:s3+s8], $0x8, s29, s8, $0xb8;
	[tilespmem:$0x4680] =	vst v63  }
0x2e: {  	s29 =	rddreg [dreg:$0xd]  }
0x2f: {  	s30 =	rddreg [dreg:$0xc]  }
0x30: {  	[tilespmem:s14], [sflag:$0x1] =	stream.indirect.gather [hbm4b:s3+s8], $0x8, s31, s8, $0xb8;
	[tilespmem:$0x4680] =	vst v63  }
0x31: {  	s14 =	rddreg [dreg:$0xf]  }
0x32: {  	[tilespmem:s29], [sflag:$0x1] =	stream.indirect.gather [hbm4b:s3+s8], $0x8, s30, s8, $0xb8;
	[tilespmem:$0x4680] =	vst v63  }
0x33: {  	s31 =	rddreg [dreg:$0xe]  }
0x34: {  	[tilespmem:s14], [sflag:$0x1] =	stream.indirect.gather [hbm4b:s3+s8], $0x8, s31, s8, $0xb8;
	[tilespmem:$0x4680] =	vst v63  }
0x35: {  	_ = 	snop  }
0x36: {  	[tilespmem:s10], [sflag:$0x1] =	stream.indirect.gather [hbm4b:s3+s8], $0x8, s5, s8, $0xb8;
	[tilespmem:$0x4680] =	vst v63  }
0x37: {  	_ = 	snop  }
0x38: {  	[tilespmem:s12], [sflag:$0x1] =	stream.indirect.gather [hbm4b:s3+s8], $0x8, s7, s8, $0xb8;
	[tilespmem:$0x4680] =	vst v63  }
0x39: {  	_ = 	snop  }
0x3a: {  	[tilespmem:s13], [sflag:$0x1] =	stream.indirect.gather [hbm4b:s3+s8], $0x8, s11, s8, $0xb8;
	[tilespmem:$0x4680] =	vst v63  }
0x3b: {  	_ = 	snop  }
0x3c: {  	[tilespmem:s16], [sflag:$0x1] =	stream.indirect.gather [hbm4b:s3+s8], $0x8, s15, s8, $0xb8;
	[tilespmem:$0x4680] =	vst v63  }
0x3d: {  	_ = 	snop  }
0x3e: {  	[tilespmem:s18], [sflag:$0x1] =	stream.indirect.gather [hbm4b:s3+s8], $0x8, s17, s8, $0xb8;
	[tilespmem:$0x4680] =	vst v63  }
0x3f: {  	_ = 	snop  }
0x40: {  	[tilespmem:s20], [sflag:$0x1] =	stream.indirect.gather [hbm4b:s3+s8], $0x8, s19, s8, $0xb8;
	[tilespmem:$0x4680] =	vst v63  }
0x41: {  	_ = 	snop  }
0x42: {  	[tilespmem:s22], [sflag:$0x1] =	stream.indirect.gather [hbm4b:s3+s8], $0x8, s21, s8, $0xb8;
	[tilespmem:$0x4680] =	vst v63  }
0x43: {  	_ = 	snop  }
0x44: {  	[tilespmem:s24], [sflag:$0x1] =	stream.indirect.gather [hbm4b:s3+s8], $0x8, s23, s8, $0xb8;
	[tilespmem:$0x4680] =	vst v63  }
0x45: {  	_ = 	snop  }
0x46: {  	[tilespmem:s26], [sflag:$0x1] =	stream.indirect.gather [hbm4b:s3+s8], $0x8, s25, s8, $0xb8;
	[tilespmem:$0x4680] =	vst v63  }
0x47: {  	_ =	swait.ge [sflag:s28], $0x3E8  }
0x48: {  	[sflag:s28] =	ssyncset.done $0x0  }
0x49: {  	[sflag:s28] =	ssyncadd.s32 $0xFFFFFC18  }
0x4a: {  	_ =	swait.ge [sflag:s28], $0x3E8  }
0x4b: {  	[sflag:s28] =	ssyncset.done $0x0  }
0x4c: {  	[sflag:s28] =	ssyncadd.s32 $0xFFFFFC18  }
0x4d: {  	_ =	swait.ge [sflag:s28], $0x3E8  }
0x4e: {  	[sflag:s28] =	ssyncset.done $0x0  }
0x4f: {  	[sflag:s28] =	ssyncadd.s32 $0xFFFFFC18  }
0x50: {  	_ =	swait.ge [sflag:s28], $0x3E8  }
0x51: {  	[sflag:s28] =	ssyncset.done $0x0  }
0x52: {  	[sflag:s28] =	ssyncadd.s32 $0xFFFFFC18  }
0x53: {  	_ =	swait.ge [sflag:s28], $0x3E8  }
0x54: {  	[sflag:s28] =	ssyncset.done $0x0  }
0x55: {  	[sflag:s28] =	ssyncadd.s32 $0xFFFFFC18  }
0x56: {  	_ =	swait.ge [sflag:s28], $0x3E8  }
0x57: {  	[sflag:s28] =	ssyncset.done $0x0  }
0x58: {  	[sflag:s28] =	ssyncadd.s32 $0xFFFFFC18  }
0x59: {  	_ =	swait.ge [sflag:s28], $0x3E8  }
0x5a: {  	[sflag:s28] =	ssyncset.done $0x0  }
0x5b: {  	[sflag:s28] =	ssyncadd.s32 $0xFFFFFC18  }
0x5c: {  	_ =	swait.ge [sflag:s28], $0x3E8  }
0x5d: {  	[sflag:s28] =	ssyncset.done $0x0  }
0x5e: {  	[sflag:s28] =	ssyncadd.s32 $0xFFFFFC18  }
0x5f: {  	_ =	swait.ge [sflag:s28], $0x3E8  }
0x60: {  	[sflag:s28] =	ssyncset.done $0x0  }
0x61: {  	[sflag:s28] =	ssyncadd.s32 $0xFFFFFC18  }
0x62: {  	_ =	swait.ge [sflag:s28], $0x3E8  }
0x63: {  	[sflag:s28] =	ssyncset.done $0x0  }
0x64: {  	[sflag:s28] =	ssyncadd.s32 $0xFFFFFC18  }
0x65: {  	_ =	swait.ge [sflag:s28], $0x3E8  }
0x66: {  	[sflag:s28] =	ssyncset.done $0x0  }
0x67: {  	[sflag:s28] =	ssyncadd.s32 $0xFFFFFC18  }
0x68: {  	_ =	swait.ge [sflag:s28], $0x3E8  }
0x69: {  	[sflag:s28] =	ssyncset.done $0x0  }
0x6a: {  	[sflag:s28] =	ssyncadd.s32 $0xFFFFFC18  }
0x6b: {  	_ =	swait.ge [sflag:s28], $0x3E8  }
0x6c: {  	[sflag:s28] =	ssyncset.done $0x0  }
0x6d: {  	[sflag:s28] =	ssyncadd.s32 $0xFFFFFC18  }
0x6e: {  	_ =	swait.ge [sflag:s28], $0x3E8  }
0x6f: {  	[sflag:s28] =	ssyncset.done $0x0  }
0x70: {  	[sflag:s28] =	ssyncadd.s32 $0xFFFFFC18  }
0x71: {  	_ =	swait.ge [sflag:s28], $0x3E8  }
0x72: {  	[sflag:s28] =	ssyncset.done $0x0  }
0x73: {  	[sflag:s28] =	ssyncadd.s32 $0xFFFFFC18  }
0x74: {  	_ =	swait.ge [sflag:s28], $0x3E8  }
0x75: {  	s29 =	rddreg [dreg:$0x2];
	[sflag:s28] =	ssyncset.done $0x0  }
0x76: {  	[sflag:s28] =	ssyncadd.s32 $0xFFFFFC18;
	s0 =	sadd.s32 $0x0, s29  }
0x77: {  	[hbm4b:s0+s2] =	stream.linear.scatter [tilespmem:s9], [sflag:$0x2], $0x1F40, $0x38;
	[tilespmem:$0x4680] =	vst v63  }
0x78: {  	_ =	swait.ge [sflag:s6], $0x1F40  }
0x79: {  	s1 =	simm.s32 $0x0;
	s30 =	simm.s32 $0x3E8;
	[sflag:s6] =	ssyncset.done $0x0  }
0x7a: {  	s31 =	smov.u32 s4;
	s0 =	rddreg [dreg:$0x3];
	[sflag:s6] =	ssyncadd.s32 $0xFFFFE0C0  }
.LBB2_2:
0x7b: {  	s0 =	sadd.s32 s1, s0  }
0x7c: {  	[hbm4b:s0+s2] =	stream.linear.scatter [tilespmem:s12], [sflag:$0x2], $0x1F40, $0x38;
	[tilespmem:$0x4680] =	vst v63  }
0x7d: {  	_ =	swait.ge [sflag:s6], $0x1F40  }
0x7e: {  	s31 =	sadd.s32 $0x80, s31;
	[sflag:s6] =	ssyncset.done $0x0  }
0x7f: {  	s13 =	sadd.s32 $0xFFFE7000, s31;
	[sflag:s6] =	ssyncadd.s32 $0xFFFFE0C0  }
0x80: {  	[tilespmem:s2], [sflag:$0x2] =	stream.linear.gather [hbm4b:s13+s2], $0x400, $0x38;
	[tilespmem:$0x4680] =	vst v63  }
0x81: {  	_ =	swait.ge [sflag:s6], $0x400  }
0x82: {  	[sflag:s6] =	ssyncset.done $0x0  }
0x83: {  	[sflag:s6] =	ssyncadd.s32 $0xFFFFFC00  }
0x84: {  	[tilespmem:s7], [sflag:$0x2] =	stream.linear.gather [hbm4b:s31+s2], $0x400, $0x38;
	[tilespmem:$0x4680] =	vst v63  }
0x85: {  	_ =	swait.ge [sflag:s6], $0x400  }
0x86: {  	s4 =	smov.u32 s30;
	s0 =	rddreg [dreg:$0xf]  }
0x87: {  	s1 =	smov.u32 s4;
	s4 =	rddreg [dreg:$0xd]  }
0x88: {  	s5 =	rddreg [dreg:$0xb]  }
0x89: {  	s29 =	rddreg [dreg:$0x8]  }
0x8a: {  	[sflag:s6] =	ssyncset.done $0x0;
	s10 =	rddreg [dreg:$0x6]  }
0x8b: {  	s11 =	rddreg [dreg:$0x4];
	[sflag:s6] =	ssyncadd.s32 $0xFFFFFC00  }
0x8c: {  	[tilespmem:s9], [sflag:$0x1] =	stream.indirect.gather [hbm4b:s3+s8], $0x8, s2, s8, $0xb8;
	[tilespmem:$0x4680] =	vst v63  }
0x8d: {  	s13 =	rddreg [dreg:$0x5]  }
0x8e: {  	[tilespmem:s13], [sflag:$0x1] =	stream.indirect.gather [hbm4b:s3+s8], $0x8, s11, s8, $0xb8;
	[tilespmem:$0x4680] =	vst v63  }
0x8f: {  	s14 =	rddreg [dreg:$0x7]  }
0x90: {  	[tilespmem:s14], [sflag:$0x1] =	stream.indirect.gather [hbm4b:s3+s8], $0x8, s10, s8, $0xb8;
	[tilespmem:$0x4680] =	vst v63  }
0x91: {  	s11 =	rddreg [dreg:$0x9]  }
0x92: {  	[tilespmem:s11], [sflag:$0x1] =	stream.indirect.gather [hbm4b:s3+s8], $0x8, s29, s8, $0xb8;
	[tilespmem:$0x4680] =	vst v63  }
0x93: {  	s14 =	rddreg [dreg:$0xa]  }
0x94: {  	[tilespmem:s5], [sflag:$0x1] =	stream.indirect.gather [hbm4b:s3+s8], $0x8, s14, s8, $0xb8;
	[tilespmem:$0x4680] =	vst v63  }
0x95: {  	s29 =	rddreg [dreg:$0xc]  }
0x96: {  	[tilespmem:s4], [sflag:$0x1] =	stream.indirect.gather [hbm4b:s3+s8], $0x8, s29, s8, $0xb8;
	[tilespmem:$0x4680] =	vst v63  }
0x97: {  	s14 =	rddreg [dreg:$0xe]  }
0x98: {  	[tilespmem:s0], [sflag:$0x1] =	stream.indirect.gather [hbm4b:s3+s8], $0x8, s14, s8, $0xb8;
	[tilespmem:$0x4680] =	vst v63  }
0x99: {  	s10 =	simm.s32 $0x2358;
	s5 =	simm.s32 $0x380  }
0x9a: {  	[tilespmem:s10], [sflag:$0x1] =	stream.indirect.gather [hbm4b:s3+s8], $0x8, s5, s8, $0xb8;
	[tilespmem:$0x4680] =	vst v63  }
0x9b: {  	_ = 	snop  }
0x9c: {  	[tilespmem:s12], [sflag:$0x1] =	stream.indirect.gather [hbm4b:s3+s8], $0x8, s7, s8, $0xb8;
	[tilespmem:$0x4680] =	vst v63  }
0x9d: {  	s13 =	simm.s32 $0x2B28;
	s11 =	simm.s32 $0x480  }
0x9e: {  	[tilespmem:s13], [sflag:$0x1] =	stream.indirect.gather [hbm4b:s3+s8], $0x8, s11, s8, $0xb8;
	[tilespmem:$0x4680] =	vst v63  }
0x9f: {  	_ = 	snop  }
0xa0: {  	[tilespmem:s16], [sflag:$0x1] =	stream.indirect.gather [hbm4b:s3+s8], $0x8, s15, s8, $0xb8;
	[tilespmem:$0x4680] =	vst v63  }
0xa1: {  	_ = 	snop  }
0xa2: {  	[tilespmem:s18], [sflag:$0x1] =	stream.indirect.gather [hbm4b:s3+s8], $0x8, s17, s8, $0xb8;
	[tilespmem:$0x4680] =	vst v63  }
0xa3: {  	_ = 	snop  }
0xa4: {  	[tilespmem:s20], [sflag:$0x1] =	stream.indirect.gather [hbm4b:s3+s8], $0x8, s19, s8, $0xb8;
	[tilespmem:$0x4680] =	vst v63  }
0xa5: {  	_ = 	snop  }
0xa6: {  	[tilespmem:s22], [sflag:$0x1] =	stream.indirect.gather [hbm4b:s3+s8], $0x8, s21, s8, $0xb8;
	[tilespmem:$0x4680] =	vst v63  }
0xa7: {  	_ = 	snop  }
0xa8: {  	[tilespmem:s24], [sflag:$0x1] =	stream.indirect.gather [hbm4b:s3+s8], $0x8, s23, s8, $0xb8;
	[tilespmem:$0x4680] =	vst v63  }
0xa9: {  	_ = 	snop  }
0xaa: {  	[tilespmem:s26], [sflag:$0x1] =	stream.indirect.gather [hbm4b:s3+s8], $0x8, s25, s8, $0xb8;
	[tilespmem:$0x4680] =	vst v63  }
0xab: {  	_ =	swait.ge [sflag:s28], $0x3E8  }
0xac: {  	[sflag:s28] =	ssyncset.done $0x0  }
0xad: {  	[sflag:s28] =	ssyncadd.s32 $0xFFFFFC18  }
0xae: {  	_ =	swait.ge [sflag:s28], $0x3E8  }
0xaf: {  	[sflag:s28] =	ssyncset.done $0x0  }
0xb0: {  	[sflag:s28] =	ssyncadd.s32 $0xFFFFFC18  }
0xb1: {  	_ =	swait.ge [sflag:s28], $0x3E8  }
0xb2: {  	[sflag:s28] =	ssyncset.done $0x0  }
0xb3: {  	[sflag:s28] =	ssyncadd.s32 $0xFFFFFC18  }
0xb4: {  	_ =	swait.ge [sflag:s28], $0x3E8  }
0xb5: {  	[sflag:s28] =	ssyncset.done $0x0  }
0xb6: {  	[sflag:s28] =	ssyncadd.s32 $0xFFFFFC18  }
0xb7: {  	_ =	swait.ge [sflag:s28], $0x3E8  }
0xb8: {  	[sflag:s28] =	ssyncset.done $0x0  }
0xb9: {  	[sflag:s28] =	ssyncadd.s32 $0xFFFFFC18  }
0xba: {  	_ =	swait.ge [sflag:s28], $0x3E8  }
0xbb: {  	[sflag:s28] =	ssyncset.done $0x0  }
0xbc: {  	[sflag:s28] =	ssyncadd.s32 $0xFFFFFC18  }
0xbd: {  	_ =	swait.ge [sflag:s28], $0x3E8  }
0xbe: {  	[sflag:s28] =	ssyncset.done $0x0  }
0xbf: {  	[sflag:s28] =	ssyncadd.s32 $0xFFFFFC18  }
0xc0: {  	_ =	swait.ge [sflag:s28], $0x3E8  }
0xc1: {  	[sflag:s28] =	ssyncset.done $0x0  }
0xc2: {  	[sflag:s28] =	ssyncadd.s32 $0xFFFFFC18  }
0xc3: {  	_ =	swait.ge [sflag:s28], $0x3E8  }
0xc4: {  	[sflag:s28] =	ssyncset.done $0x0  }
0xc5: {  	[sflag:s28] =	ssyncadd.s32 $0xFFFFFC18  }
0xc6: {  	_ =	swait.ge [sflag:s28], $0x3E8  }
0xc7: {  	[sflag:s28] =	ssyncset.done $0x0  }
0xc8: {  	[sflag:s28] =	ssyncadd.s32 $0xFFFFFC18  }
0xc9: {  	_ =	swait.ge [sflag:s28], $0x3E8  }
0xca: {  	[sflag:s28] =	ssyncset.done $0x0  }
0xcb: {  	[sflag:s28] =	ssyncadd.s32 $0xFFFFFC18  }
0xcc: {  	_ =	swait.ge [sflag:s28], $0x3E8  }
0xcd: {  	[sflag:s28] =	ssyncset.done $0x0  }
0xce: {  	[sflag:s28] =	ssyncadd.s32 $0xFFFFFC18  }
0xcf: {  	_ =	swait.ge [sflag:s28], $0x3E8  }
0xd0: {  	[sflag:s28] =	ssyncset.done $0x0  }
0xd1: {  	[sflag:s28] =	ssyncadd.s32 $0xFFFFFC18  }
0xd2: {  	_ =	swait.ge [sflag:s28], $0x3E8  }
0xd3: {  	[sflag:s28] =	ssyncset.done $0x0  }
0xd4: {  	[sflag:s28] =	ssyncadd.s32 $0xFFFFFC18  }
0xd5: {  	_ =	swait.ge [sflag:s28], $0x3E8  }
0xd6: {  	[sflag:s28] =	ssyncset.done $0x0  }
0xd7: {  	[sflag:s28] =	ssyncadd.s32 $0xFFFFFC18  }
0xd8: {  	_ =	swait.ge [sflag:s28], $0x3E8  }
0xd9: {  	p0 =	sne.s32 s30, $0x5DC0;
	s29 =	rddreg [dreg:$0x2];
	[sflag:s28] =	ssyncset.done $0x0  }
.Ltmp0:
0xda: {  	[sflag:s28] =	ssyncadd.s32 $0xFFFFFC18;
	s0 =	sadd.s32 s1, s29;
	(pc) =	sbr.rel @p0 .LBB2_2-.Ltmp0, $4  }
0xdb: {  	[hbm4b:s0+s2] =	stream.linear.scatter [tilespmem:s9], [sflag:$0x2], $0x1F40, $0x38;
	[tilespmem:$0x4680] =	vst v63  }
0xdc: {  	_ =	swait.ge [sflag:s6], $0x1F40  }
0xdd: {  	[sflag:s6] =	ssyncset.done $0x0  }
0xde: {  	s30 =	sadd.s32 $0x3E8, s30;
	s0 =	rddreg [dreg:$0x3];
	[sflag:s6] =	ssyncadd.s32 $0xFFFFE0C0  }
0xdf: {  	s0 =	sadd.s32 s1, s0  }
0xe0: {  	[hbm4b:s0+s2] =	stream.linear.scatter [tilespmem:s12], [sflag:$0x2], $0x1F40, $0x38;
	[tilespmem:$0x4680] =	vst v63  }
0xe1: {  	_ =	swait.ge [sflag:s6], $0x1F40  }
0xe2: {  	s30 =	rddreg [dreg:$0x12]  }
0xe3: {  	s31 =	rddreg [dreg:$0x10];
	s1 =	sadd.s32 $0x1, s30  }
0xe4: {  	p0 =	sne.s32 s1, s31  }
.Ltmp1:
0xe5: {  	_ = 	snop;
	(pc) =	sbr.rel @p0 .LBB2_1-.Ltmp1, $3  }
0xe6: {  	_ =	sdelay $0x1  }
0xe7: {  	[sflag:s6] =	ssyncset.done $0x0  }
0xe8: {  	[sflag:s6] =	ssyncadd.s32 $0xFFFFE0C0  }
0xe9: {  	_ =	sfence.sel $0x180000  }
0xea: {  	[bflag:$0x0] =	sbarrier.arrive $0xFFFF  }
0xeb: {  	_ =	strace $0x90000047  }
0xec: {  	s0 =	stileid.u32;
	[bflag:$0x2] =	sbarrier.arrive $0xFFFF  }
0xed: {  	p0 =	sne.s32 s0, $0x0;
	s0 =	rddreg [dreg:$0x1]  }
0xee: {  	s0 =	sadd.s32 @!p0 $0x100000, s0  }
0xef: {  	[sflag:s0] =	ssyncadd.tile.s32 @!p0 $0x1;
	_ =	shalt  }
.Lfunc_end2:
_tile_overlayer_lowered:
.L_overlay_start_2:
0xf0: {  	(tag) =	ssettag $0x2  }
0xf1: {  	s0 =	rddreg [dreg:$0x0];
	s2 =	stileid.u32  }
0xf2: {  	s1 =	rddreg [dreg:$0x1];
	p0 =	sne.s32 s2, $0x0  }
0xf3: {  	s3 =	rddreg [dreg:$0x2];
	[bflag:$0x3] =	sbarrier.arrive $0xFFFF;
	s2 =	simm.s32 @!p0 $0x1C02  }
0xf4: {  	[timem:s3], [sflag:s2] =	dma.local @!p0 [hbm:s0], s1  }
0xf5: {  	s0 =	simm.s32 @!p0 $0x2  }
0xf6: {  	_ =	swait.ge @!p0 [sflag:s0], s1  }
0xf7: {  	s1 =	ssub.s32 @!p0 $0x0, s1;
	[sflag:s0] =	ssyncset.done @!p0 $0x0  }
0xf8: {  	[sflag:s0] =	ssyncadd.s32 @!p0 s1  }
0xf9: {  	[bflag:$0x3] =	sbarrier.arrive $0xFFFF  }
0xfa: {  	_ =	shalt  }

</sc_bundles>
